<compile_context>
chip_gen: v7x
topology: tpu7x:2x2x1
jax: 0.10.2.dev20260603
libtpu: 0.0.44.dev20260713+nightly
codegen_flags: <defaults>
</compile_context>

<pallas_src>
import functools

import jax
import jax.numpy as jnp
from jax import lax
from jax.experimental import pallas as pl
from jax.experimental.pallas import tpu as pltpu
from jax.experimental.pallas import tpu_sc as plsc

_NC = 2
_NS = 16
_NW = _NC * _NS
_CH = 128
_GC = 2
_GE = _GC * _CH
_NB = 2


def _vp_matmul_kernel(v_ref, w_ref, o_ref):
    o_ref[...] = jnp.dot(v_ref[...], w_ref[...],
                         preferred_element_type=jnp.float32).astype(jnp.bfloat16)


def _vp_matmul(v, w):
    BN, d = v.shape
    blk = 1000
    return pl.pallas_call(
        _vp_matmul_kernel,
        grid=(BN // blk,),
        in_specs=[pl.BlockSpec((blk, d), lambda i: (i, 0)),
                  pl.BlockSpec((d, d), lambda i: (0, 0))],
        out_specs=pl.BlockSpec((blk, d), lambda i: (i, 0)),
        out_shape=jax.ShapeDtypeStruct((BN, d), jnp.bfloat16),
    )(v, w)


def _make_sc_gather(Q, W0, W1, gtot, d, de):
    mesh = plsc.VectorSubcoreMesh(core_axis_name="c", subcore_axis_name="s")
    wmax = max(W0, W1)
    vrows = _GE // 2
    erows = _GE * de // 128

    scratch = [pltpu.VMEM((wmax * _GC, _CH), jnp.int32),
               pltpu.VMEM((wmax * _GC, _CH), jnp.int32)]
    for _ in range(_NB):
        scratch.append(pltpu.VMEM((_GE, d), jnp.bfloat16))
    for _ in range(_NB):
        scratch.append(pltpu.VMEM((vrows, 128), jnp.float32))
    for _ in range(_NB):
        scratch.append(pltpu.VMEM((_GE, de), jnp.float32))
    for _ in range(_NB):
        scratch.append(pltpu.VMEM((erows, 128), jnp.float32))
    for _ in range(2 * _NB):
        scratch.append(pltpu.SemaphoreType.DMA)

    @functools.partial(
        pl.kernel, mesh=mesh,
        out_type=(jax.ShapeDtypeStruct((gtot, vrows, 128), jnp.float32),
                  jax.ShapeDtypeStruct((gtot, erows, 128), jnp.float32)),
        scratch_types=scratch,
        compiler_params=pltpu.CompilerParams(use_tc_tiling_on_sc=False,
                                             needs_layout_passes=False),
    )
    def gather_k(vp_hbm, aidx_hbm, et_hbm, bidx_hbm, vg_hbm, eg_hbm, *scr):
        aiv, biv = scr[0], scr[1]
        vb16 = scr[2:2 + _NB]
        vbp = scr[2 + _NB:2 + 2 * _NB]
        ebuf = scr[2 + 2 * _NB:2 + 3 * _NB]
        ebp = scr[2 + 3 * _NB:2 + 4 * _NB]
        gsems = scr[2 + 4 * _NB:2 + 5 * _NB]
        wsems = scr[2 + 5 * _NB:2 + 6 * _NB]

        c = lax.axis_index("c")
        s = lax.axis_index("s")
        start = Q * s + W0 * c
        count = W0 + (W1 - W0) * c
        pltpu.sync_copy(aidx_hbm.at[pl.ds(start * _GC, wmax * _GC)], aiv)
        pltpu.sync_copy(bidx_hbm.at[pl.ds(start * _GC, wmax * _GC)], biv)

        def fire_g(k, b):
            for j in range(_GC):
                pltpu.async_copy(vp_hbm.at[aiv.at[k * _GC + j]],
                                 vb16[b].at[pl.ds(j * _CH, _CH)], gsems[b])
                pltpu.async_copy(et_hbm.at[biv.at[k * _GC + j]],
                                 ebuf[b].at[pl.ds(j * _CH, _CH)], gsems[b])

        def drain_g(k, b):
            for j in range(_GC):
                pltpu.make_async_copy(vp_hbm.at[aiv.at[k * _GC + j]],
                                      vb16[b].at[pl.ds(j * _CH, _CH)],
                                      gsems[b]).wait()
                pltpu.make_async_copy(et_hbm.at[biv.at[k * _GC + j]],
                                      ebuf[b].at[pl.ds(j * _CH, _CH)],
                                      gsems[b]).wait()

        def repack(b):
            def vrow(r):
                for i in range(4):
                    vbp[b][r, pl.ds(16 * i, 16)] = plsc.bitcast(
                        vb16[b][2 * r, pl.ds(32 * i, 32)], jnp.float32)
                    vbp[b][r, pl.ds(64 + 16 * i, 16)] = plsc.bitcast(
                        vb16[b][2 * r + 1, pl.ds(32 * i, 32)], jnp.float32)
            pl.loop(0, vrows)(vrow)
            def erow(q):
                for j in range(8):
                    ebp[b][q, pl.ds(16 * j, 16)] = ebuf[b][8 * q + j, :]
            pl.loop(0, erows)(erow)

        def fire_wb(k, b):
            g = start + k
            pltpu.async_copy(vbp[b], vg_hbm.at[g], wsems[b])
            pltpu.async_copy(ebp[b], eg_hbm.at[g], wsems[b])

        def wait_wb(k, b):
            g = start + k
            pltpu.make_async_copy(vbp[b], vg_hbm.at[g], wsems[b]).wait()
            pltpu.make_async_copy(ebp[b], eg_hbm.at[g], wsems[b]).wait()

        for b in range(_NB):
            fire_g(b, b)

        def body(g):
            for b in range(_NB):
                k = g + b
                drain_g(k, b)
                repack(b)
                fire_wb(k, b)
                wait_wb(k, b)
                fire_g(k + _NB, b)

        pl.loop(0, count - _NB, step=_NB)(body)

        for b in range(_NB):
            k = count - _NB + b
            drain_g(k, b)
            repack(b)
            fire_wb(k, b)
            wait_wb(k, b)

    return gather_k


def _gelu(x):
    return 0.5 * x * (1.0 + lax.erf(x * 0.7071067811865476))


def _fused_kernel(vgp_ref, egp_ref, v_ref, h0_ref, nme_ref, nmo_ref,
                  we_ref, wo_ref, b1_ref, w2a_ref, w2b_ref, b2_ref, wf_ref,
                  bf_ref, o_ref):
    K, d = v_ref.shape
    nh = nme_ref.shape[-1]
    h = d // 2
    xi = pltpu.bitcast(vgp_ref[...], jnp.int32)
    lo = pltpu.bitcast(xi << 16, jnp.float32)
    hi = pltpu.bitcast(xi & jnp.int32(-65536), jnp.float32)
    a0 = jnp.concatenate([lo[:, :h], hi[:, :h]], axis=1)
    a1 = jnp.concatenate([lo[:, h:], hi[:, h:]], axis=1)
    egp = egp_ref[...].astype(jnp.bfloat16)
    epe4 = jnp.dot(egp, we_ref[...], preferred_element_type=jnp.float32)
    epo4 = jnp.dot(egp, wo_ref[...], preferred_element_type=jnp.float32)
    ep_e = jnp.stack([epe4[:, d * m:d * (m + 1)] for m in range(4)],
                     axis=1).reshape(K * nh, d)
    ep_o = jnp.stack([epo4[:, d * m:d * (m + 1)] for m in range(4)],
                     axis=1).reshape(K * nh, d)
    b1 = b1_ref[...]
    ye = _gelu(a0 + ep_e + b1).reshape(K, nh, d) * nme_ref[...][:, :, None]
    yo = _gelu(a1 + ep_o + b1).reshape(K, nh, d) * nmo_ref[...][:, :, None]
    nl = jnp.sum(ye, axis=1) + jnp.sum(yo, axis=1)
    sup = (jnp.dot(nl, w2a_ref[...], preferred_element_type=jnp.float32)
           + jnp.dot(v_ref[...], w2b_ref[...], preferred_element_type=jnp.float32)
           + b2_ref[...] + h0_ref[...])
    o_ref[...] = (jnp.dot(sup, wf_ref[...], preferred_element_type=jnp.float32)
                  + bf_ref[...])


def _fused(vgp, egp, v, h0s, nme, nmo, w8e, w8o, b1, w2a, w2b, b2, wf, bfu):
    BN, d = v.shape
    nh = nme.shape[-1]
    K = 200
    KV = K * nh
    KEg = K * 2 * nh * 16 // 128
    grid = (BN // K,)
    full = lambda i: (0, 0)
    return pl.pallas_call(
        _fused_kernel,
        grid=grid,
        in_specs=[
            pl.BlockSpec((KV, 128), lambda i: (i, 0)),
            pl.BlockSpec((KEg, 128), lambda i: (i, 0)),
            pl.BlockSpec((K, d), lambda i: (i, 0)),
            pl.BlockSpec((K, d), lambda i: (i, 0)),
            pl.BlockSpec((K, nh), lambda i: (i, 0)),
            pl.BlockSpec((K, nh), lambda i: (i, 0)),
            pl.BlockSpec((d, 4 * d), full),
            pl.BlockSpec((d, 4 * d), full),
            pl.BlockSpec((1, d), full),
            pl.BlockSpec((d, d), full),
            pl.BlockSpec((d, d), full),
            pl.BlockSpec((1, d), full),
            pl.BlockSpec((d, d), full),
            pl.BlockSpec((1, d), full),
        ],
        out_specs=pl.BlockSpec((K, d), lambda i: (i, 0)),
        out_shape=jax.ShapeDtypeStruct((BN, d), jnp.float32),
        compiler_params=pltpu.CompilerParams(
            dimension_semantics=("parallel",)),
    )(vgp, egp, v, h0s, nme, nmo, w8e, w8o, b1, w2a, w2b, b2, wf, bfu)


def kernel(vertex_features, atom_adj, bond_adj, h0, lamda, alpha, l,
           edge_initial, vertex_mask, nbs_mask,
           W_u1, b_u1, W_u2, b_u2, W_fu, b_fu):
    B, N = vertex_mask.shape
    n_nbs = nbs_mask.shape[2]
    d = vertex_features.shape[-1]
    bf = edge_initial.shape[-1]
    BN = B * N
    E = atom_adj.shape[0]

    V = vertex_features.reshape(BN, d)

    theta = jnp.asarray(jnp.log(lamda / l + 1), jnp.float32)
    one_m_a = jnp.asarray(1.0 - alpha, jnp.float32)
    a_f = jnp.asarray(alpha, jnp.float32)
    W2a = W_u2[:d] * one_m_a
    W2b = W_u2[d:] * one_m_a
    b2 = (b_u2 * one_m_a).reshape(1, d)
    Wf_eff = theta * W_fu + (1.0 - theta) * jnp.eye(d, dtype=jnp.float32)
    bf_eff = (theta * b_fu).reshape(1, d)
    h0s = (a_f * h0).reshape(BN, d)
    b1 = b_u1.reshape(1, d)

    vp16 = _vp_matmul(V, W_u1[:d])

    gtot_raw = -(-E // _GE)
    Q = -(-gtot_raw // _NS)
    Q += Q % 2
    gtot = Q * _NS
    W0 = int(round(Q * 0.775 / 2)) * 2
    W1 = Q - W0
    E_pad = gtot * _GE
    pad = E_pad - E
    aidx = jnp.pad(atom_adj, (0, pad)).reshape(gtot * _GC, _CH)
    bidx = jnp.pad(bond_adj, (0, pad)).reshape(gtot * _GC, _CH)
    vgp, egp = _make_sc_gather(Q, W0, W1, gtot, d, bf)(
        vp16, aidx, edge_initial, bidx)

    vgp = vgp.reshape(E_pad // 2, 128)
    egp = egp.reshape(E_pad * bf // 128, 128)

    perm = jnp.concatenate([jnp.arange(0, d, 2), jnp.arange(1, d, 2)])
    we_p = W_u1[d:][:, perm]
    b1_p = b_u1[perm].reshape(1, d)
    W2a_p = W2a[perm, :]
    W8e = jnp.zeros((4, 2, bf, 4, d), jnp.float32)
    W8e = W8e.at[jnp.arange(4), 0, :, jnp.arange(4), :].set(we_p)
    W8o = jnp.zeros((4, 2, bf, 4, d), jnp.float32)
    W8o = W8o.at[jnp.arange(4), 1, :, jnp.arange(4), :].set(we_p)
    W8e = W8e.reshape(d, 4 * d).astype(jnp.bfloat16)
    W8o = W8o.reshape(d, 4 * d).astype(jnp.bfloat16)
    nm = nbs_mask.reshape(BN, n_nbs)
    nme = nm[:, 0::2]
    nmo = nm[:, 1::2]
    out = _fused(vgp, egp, V, h0s, nme, nmo, W8e, W8o, b1_p, W2a_p, W2b, b2,
                 Wf_eff, bf_eff)
    return out.reshape(B, N, d)

# --- scband reference (transcript-rebuilt; emitter-appended) ---
"""Pipeline reference for scband-graph-convolution-78056735638031 (READ-ONLY COPY).

The authoritative reference and input builder live on the scoring server;
editing this copy changes nothing except your own understanding.
"""

import jax, jax.numpy as jnp
import numpy as np
import math


def setup_inputs(seed: int = 0) -> dict:
    key = jax.random.key(seed)
    ks = jax.random.split(key, 10)
    B, N, n_nbs, d, bf = 8, 1250, 32, 128, 16
    E = B * N * n_nbs
    vertex_features = jax.random.normal(ks[0], (B, N, d), dtype=jnp.float32)
    atom_adj = jax.random.randint(ks[1], (E,), 0, B * N, dtype=jnp.int32)
    bond_adj = jax.random.randint(ks[2], (E,), 0, E, dtype=jnp.int32)
    h0 = jax.random.normal(ks[3], (B, N, d), dtype=jnp.float32)
    edge_initial = jax.random.normal(ks[4], (E, bf), dtype=jnp.float32)
    vertex_mask = jnp.ones((B, N), dtype=jnp.float32)
    nbs_mask = jnp.ones((B, N, n_nbs), dtype=jnp.float32)
    W_u1 = jax.random.normal(ks[5], (d + bf, d), dtype=jnp.float32) * 0.05
    b_u1 = jnp.zeros((d,), dtype=jnp.float32)
    W_u2 = jax.random.normal(ks[6], (2 * d, d), dtype=jnp.float32) * 0.05
    b_u2 = jnp.zeros((d,), dtype=jnp.float32)
    W_fu = jax.random.normal(ks[7], (d, d), dtype=jnp.float32) * 0.05
    b_fu = jnp.zeros((d,), dtype=jnp.float32)
    return {
        "vertex_features": vertex_features,
        "atom_adj": atom_adj,
        "bond_adj": bond_adj,
        "h0": h0,
        "lamda": 1,
        "alpha": 0,
        "l": 1,
        "edge_initial": edge_initial,
        "vertex_mask": vertex_mask,
        "nbs_mask": nbs_mask,
        "W_u1": W_u1, "b_u1": b_u1,
        "W_u2": W_u2, "b_u2": b_u2,
        "W_fu": W_fu, "b_fu": b_fu,
    }


def reference(vertex_features, atom_adj, bond_adj, h0, lamda, alpha, l,
              edge_initial, vertex_mask, nbs_mask,
              W_u1, b_u1, W_u2, b_u2, W_fu, b_fu):
    B, N = vertex_mask.shape
    n_nbs = nbs_mask.shape[2]
    d = vertex_features.shape[-1]
    bf = edge_initial.shape[-1]
    nm = nbs_mask.reshape(B, N, n_nbs, 1)
    vertex_neighbor = jnp.take(vertex_features.reshape(-1, d), atom_adj, axis=0).reshape(B, N, n_nbs, d)
    edge_neighbor = jnp.take(edge_initial.reshape(-1, bf), bond_adj, axis=0).reshape(B, N, n_nbs, bf)
    l_neighbor = jnp.concatenate([vertex_neighbor, edge_neighbor], axis=-1)
    neighbor_label = jax.nn.gelu(l_neighbor @ W_u1 + b_u1, approximate=False)
    neighbor_label = jnp.sum(neighbor_label * nm, axis=-2)
    hi = jnp.concatenate([neighbor_label, vertex_features], axis=2) @ W_u2 + b_u2
    theta = jnp.log(lamda / l + 1)
    support = (1 - alpha) * hi + alpha * h0
    r = support
    output = theta * (support @ W_fu + b_fu) + (1 - theta) * r
    return output

if __name__ == "__main__":
    import jax
    _d = setup_inputs()
    print(jax.jit(kernel)(*tuple(_d.values())))

</pallas_src>

<mosaic_0001>
#map = affine_map<(d0, d1) -> (0, 0)>
#map1 = affine_map<(d0, d1) -> (0, 0, 0)>
module attributes {stable_mosaic.version = 14 : i64} {
  func.func @gather_k(%arg0: i32, %arg1: i32, %arg2: memref<10000x128xbf16, #tpu.memory_space<hbm>>, %arg3: memref<2560x128xi32, #tpu.memory_space<hbm>>, %arg4: memref<320000x16xf32, #tpu.memory_space<hbm>>, %arg5: memref<2560x128xi32, #tpu.memory_space<hbm>>, %arg6: memref<1280x128x128xf32, #tpu.memory_space<hbm>>, %arg7: memref<1280x32x128xf32, #tpu.memory_space<hbm>>, %arg8: memref<124x128xi32, #tpu.memory_space<vmem>>, %arg9: memref<124x128xi32, #tpu.memory_space<vmem>>, %arg10: memref<256x128xbf16, #tpu.memory_space<vmem>>, %arg11: memref<256x128xbf16, #tpu.memory_space<vmem>>, %arg12: memref<128x128xf32, #tpu.memory_space<vmem>>, %arg13: memref<128x128xf32, #tpu.memory_space<vmem>>, %arg14: memref<256x16xf32, #tpu.memory_space<vmem>>, %arg15: memref<256x16xf32, #tpu.memory_space<vmem>>, %arg16: memref<32x128xf32, #tpu.memory_space<vmem>>, %arg17: memref<32x128xf32, #tpu.memory_space<vmem>>, %arg18: memref<!tpu.dma_semaphore, #tpu.memory_space<semaphore_mem>>, %arg19: memref<!tpu.dma_semaphore, #tpu.memory_space<semaphore_mem>>, %arg20: memref<!tpu.dma_semaphore, #tpu.memory_space<semaphore_mem>>, %arg21: memref<!tpu.dma_semaphore, #tpu.memory_space<semaphore_mem>>) attributes {dimension_semantics = [#tpu.dimension_semantics<core_parallel>, #tpu.dimension_semantics<subcore_parallel>], iteration_bounds = array<i64: 2, 16>, scalar_prefetch = 0 : i64, scratch_operands = 14 : i64, tpu.core_type = #tpu.core_type<sc_vector_subcore>, window_params = [{transform_indices = #map}, {transform_indices = #map}, {transform_indices = #map}, {transform_indices = #map}, {transform_indices = #map1}, {transform_indices = #map1}]} {
    %mul3A = arith.constant 80 : i32
    %mul3A_0 = arith.muli %mul3A, %arg1 : i32
    %mul3A_1 = arith.constant 62 : i32
    %mul3A_2 = arith.muli %mul3A_1, %arg0 : i32
    %add3A = arith.addi %mul3A_0, %mul3A_2 : i32
    %mul3A_3 = arith.constant -44 : i32
    %mul3A_4 = arith.muli %mul3A_3, %arg0 : i32
    %add3A_5 = arith.constant 62 : i32
    %add3A_6 = arith.addi %add3A_5, %mul3A_4 : i32
    %mul3A_7 = arith.constant 2 : i32
    %mul3A_8 = arith.muli %add3A, %mul3A_7 : i32
    "tpu.region"() ({
      %run_scoped3A = tpu.sem_alloc : memref<!tpu.dma_semaphore, #tpu.memory_space<semaphore_mem>>
      %dma_start3A_306 = arith.constant 0 : i32
      %dma_start3A_307 = tpu.memref_slice %arg3[%mul3A_8, %dma_start3A_306] : memref<2560x128xi32, #tpu.memory_space<hbm>> -> memref<124x128xi32, #tpu.memory_space<hbm>>
      %dma_start3A_308 = arith.constant 0 : i32
      %dma_start3A_309 = tpu.memref_slice %arg3[%mul3A_8, %dma_start3A_308] : memref<2560x128xi32, #tpu.memory_space<hbm>> -> memref<124x128xi32, #tpu.memory_space<hbm>>
      tpu.enqueue_dma source(%dma_start3A_309 : memref<124x128xi32, #tpu.memory_space<hbm>>) target(%arg8 : memref<124x128xi32, #tpu.memory_space<vmem>>) target_semaphore(%run_scoped3A : memref<!tpu.dma_semaphore, #tpu.memory_space<semaphore_mem>>)
      %dma_wait3A_310 = arith.constant 0 : i32
      %dma_wait3A_311 = tpu.memref_slice %arg3[%mul3A_8, %dma_wait3A_310] : memref<2560x128xi32, #tpu.memory_space<hbm>> -> memref<124x128xi32, #tpu.memory_space<hbm>>
      %dma_wait3A_312 = arith.constant 0 : i32
      %dma_wait3A_313 = tpu.memref_slice %arg3[%mul3A_8, %dma_wait3A_312] : memref<2560x128xi32, #tpu.memory_space<hbm>> -> memref<124x128xi32, #tpu.memory_space<hbm>>
      tpu.wait_dma2 semaphore(%run_scoped3A : memref<!tpu.dma_semaphore, #tpu.memory_space<semaphore_mem>>) src(%dma_wait3A_313 : memref<124x128xi32, #tpu.memory_space<hbm>>) dst(%arg8 : memref<124x128xi32, #tpu.memory_space<vmem>>)
      tpu.yield
    }) : () -> ()
    %mul3A_9 = arith.constant 2 : i32
    %mul3A_10 = arith.muli %add3A, %mul3A_9 : i32
    "tpu.region"() ({
      %run_scoped3A = tpu.sem_alloc : memref<!tpu.dma_semaphore, #tpu.memory_space<semaphore_mem>>
      %dma_start3A_306 = arith.constant 0 : i32
      %dma_start3A_307 = tpu.memref_slice %arg5[%mul3A_10, %dma_start3A_306] : memref<2560x128xi32, #tpu.memory_space<hbm>> -> memref<124x128xi32, #tpu.memory_space<hbm>>
      %dma_start3A_308 = arith.constant 0 : i32
      %dma_start3A_309 = tpu.memref_slice %arg5[%mul3A_10, %dma_start3A_308] : memref<2560x128xi32, #tpu.memory_space<hbm>> -> memref<124x128xi32, #tpu.memory_space<hbm>>
      tpu.enqueue_dma source(%dma_start3A_309 : memref<124x128xi32, #tpu.memory_space<hbm>>) target(%arg9 : memref<124x128xi32, #tpu.memory_space<vmem>>) target_semaphore(%run_scoped3A : memref<!tpu.dma_semaphore, #tpu.memory_space<semaphore_mem>>)
      %dma_wait3A_310 = arith.constant 0 : i32
      %dma_wait3A_311 = tpu.memref_slice %arg5[%mul3A_10, %dma_wait3A_310] : memref<2560x128xi32, #tpu.memory_space<hbm>> -> memref<124x128xi32, #tpu.memory_space<hbm>>
      %dma_wait3A_312 = arith.constant 0 : i32
      %dma_wait3A_313 = tpu.memref_slice %arg5[%mul3A_10, %dma_wait3A_312] : memref<2560x128xi32, #tpu.memory_space<hbm>> -> memref<124x128xi32, #tpu.memory_space<hbm>>
      tpu.wait_dma2 semaphore(%run_scoped3A : memref<!tpu.dma_semaphore, #tpu.memory_space<semaphore_mem>>) src(%dma_wait3A_313 : memref<124x128xi32, #tpu.memory_space<hbm>>) dst(%arg9 : memref<124x128xi32, #tpu.memory_space<vmem>>)
      tpu.yield
    }) : () -> ()
    %dma_start3A = arith.constant 0 : i32
    %dma_start3A_11 = arith.constant 0 : i32
    %dma_start3A_12 = arith.constant 0 : i32
    %dma_start3A_13 = tpu.memref_slice %arg10[%dma_start3A_11, %dma_start3A_12] : memref<256x128xbf16, #tpu.memory_space<vmem>> -> memref<128x128xbf16, #tpu.memory_space<vmem>>
    %dma_start3A_14 = arith.constant 0 : i32
    %dma_start3A_15 = tpu.memref_slice %arg8[%dma_start3A, %dma_start3A_14] : memref<124x128xi32, #tpu.memory_space<vmem>> -> memref<1x128xi32, #tpu.memory_space<vmem>>
    %dma_start3A_16 = tpu.memref_squeeze %dma_start3A_15 : memref<1x128xi32, #tpu.memory_space<vmem>> -> memref<128xi32, #tpu.memory_space<vmem>>
    %dma_start3A_17 = arith.constant 0 : i32
    %dma_start3A_18 = arith.constant 0 : i32
    %dma_start3A_19 = tpu.memref_slice %arg2[%dma_start3A_17, %dma_start3A_18] : memref<10000x128xbf16, #tpu.memory_space<hbm>> -> memref<10000x128xbf16, #tpu.memory_space<hbm>>
    tpu.enqueue_indirect_dma source(%dma_start3A_19 : memref<10000x128xbf16, #tpu.memory_space<hbm>>) target(%dma_start3A_13 : memref<128x128xbf16, #tpu.memory_space<vmem>>) offsets(%dma_start3A_16 : memref<128xi32, #tpu.memory_space<vmem>>) semaphore(%arg18 : memref<!tpu.dma_semaphore, #tpu.memory_space<semaphore_mem>>)
    %dma_start3A_20 = arith.constant 0 : i32
    %dma_start3A_21 = arith.constant 0 : i32
    %dma_start3A_22 = arith.constant 0 : i32
    %dma_start3A_23 = tpu.memref_slice %arg14[%dma_start3A_21, %dma_start3A_22] : memref<256x16xf32, #tpu.memory_space<vmem>> -> memref<128x16xf32, #tpu.memory_space<vmem>>
    %dma_start3A_24 = arith.constant 0 : i32
    %dma_start3A_25 = tpu.memref_slice %arg9[%dma_start3A_20, %dma_start3A_24] : memref<124x128xi32, #tpu.memory_space<vmem>> -> memref<1x128xi32, #tpu.memory_space<vmem>>
    %dma_start3A_26 = tpu.memref_squeeze %dma_start3A_25 : memref<1x128xi32, #tpu.memory_space<vmem>> -> memref<128xi32, #tpu.memory_space<vmem>>
    %dma_start3A_27 = arith.constant 0 : i32
    %dma_start3A_28 = arith.constant 0 : i32
    %dma_start3A_29 = tpu.memref_slice %arg4[%dma_start3A_27, %dma_start3A_28] : memref<320000x16xf32, #tpu.memory_space<hbm>> -> memref<320000x16xf32, #tpu.memory_space<hbm>>
    tpu.enqueue_indirect_dma source(%dma_start3A_29 : memref<320000x16xf32, #tpu.memory_space<hbm>>) target(%dma_start3A_23 : memref<128x16xf32, #tpu.memory_space<vmem>>) offsets(%dma_start3A_26 : memref<128xi32, #tpu.memory_space<vmem>>) semaphore(%arg18 : memref<!tpu.dma_semaphore, #tpu.memory_space<semaphore_mem>>)
    %dma_start3A_30 = arith.constant 1 : i32
    %dma_start3A_31 = arith.constant 128 : i32
    %dma_start3A_32 = arith.constant 0 : i32
    %dma_start3A_33 = tpu.memref_slice %arg10[%dma_start3A_31, %dma_start3A_32] : memref<256x128xbf16, #tpu.memory_space<vmem>> -> memref<128x128xbf16, #tpu.memory_space<vmem>>
    %dma_start3A_34 = arith.constant 0 : i32
    %dma_start3A_35 = tpu.memref_slice %arg8[%dma_start3A_30, %dma_start3A_34] : memref<124x128xi32, #tpu.memory_space<vmem>> -> memref<1x128xi32, #tpu.memory_space<vmem>>
    %dma_start3A_36 = tpu.memref_squeeze %dma_start3A_35 : memref<1x128xi32, #tpu.memory_space<vmem>> -> memref<128xi32, #tpu.memory_space<vmem>>
    %dma_start3A_37 = arith.constant 0 : i32
    %dma_start3A_38 = arith.constant 0 : i32
    %dma_start3A_39 = tpu.memref_slice %arg2[%dma_start3A_37, %dma_start3A_38] : memref<10000x128xbf16, #tpu.memory_space<hbm>> -> memref<10000x128xbf16, #tpu.memory_space<hbm>>
    tpu.enqueue_indirect_dma source(%dma_start3A_39 : memref<10000x128xbf16, #tpu.memory_space<hbm>>) target(%dma_start3A_33 : memref<128x128xbf16, #tpu.memory_space<vmem>>) offsets(%dma_start3A_36 : memref<128xi32, #tpu.memory_space<vmem>>) semaphore(%arg18 : memref<!tpu.dma_semaphore, #tpu.memory_space<semaphore_mem>>)
    %dma_start3A_40 = arith.constant 1 : i32
    %dma_start3A_41 = arith.constant 128 : i32
    %dma_start3A_42 = arith.constant 0 : i32
    %dma_start3A_43 = tpu.memref_slice %arg14[%dma_start3A_41, %dma_start3A_42] : memref<256x16xf32, #tpu.memory_space<vmem>> -> memref<128x16xf32, #tpu.memory_space<vmem>>
    %dma_start3A_44 = arith.constant 0 : i32
    %dma_start3A_45 = tpu.memref_slice %arg9[%dma_start3A_40, %dma_start3A_44] : memref<124x128xi32, #tpu.memory_space<vmem>> -> memref<1x128xi32, #tpu.memory_space<vmem>>
    %dma_start3A_46 = tpu.memref_squeeze %dma_start3A_45 : memref<1x128xi32, #tpu.memory_space<vmem>> -> memref<128xi32, #tpu.memory_space<vmem>>
    %dma_start3A_47 = arith.constant 0 : i32
    %dma_start3A_48 = arith.constant 0 : i32
    %dma_start3A_49 = tpu.memref_slice %arg4[%dma_start3A_47, %dma_start3A_48] : memref<320000x16xf32, #tpu.memory_space<hbm>> -> memref<320000x16xf32, #tpu.memory_space<hbm>>
    tpu.enqueue_indirect_dma source(%dma_start3A_49 : memref<320000x16xf32, #tpu.memory_space<hbm>>) target(%dma_start3A_43 : memref<128x16xf32, #tpu.memory_space<vmem>>) offsets(%dma_start3A_46 : memref<128xi32, #tpu.memory_space<vmem>>) semaphore(%arg18 : memref<!tpu.dma_semaphore, #tpu.memory_space<semaphore_mem>>)
    %dma_start3A_50 = arith.constant 2 : i32
    %dma_start3A_51 = arith.constant 0 : i32
    %dma_start3A_52 = arith.constant 0 : i32
    %dma_start3A_53 = tpu.memref_slice %arg11[%dma_start3A_51, %dma_start3A_52] : memref<256x128xbf16, #tpu.memory_space<vmem>> -> memref<128x128xbf16, #tpu.memory_space<vmem>>
    %dma_start3A_54 = arith.constant 0 : i32
    %dma_start3A_55 = tpu.memref_slice %arg8[%dma_start3A_50, %dma_start3A_54] : memref<124x128xi32, #tpu.memory_space<vmem>> -> memref<1x128xi32, #tpu.memory_space<vmem>>
    %dma_start3A_56 = tpu.memref_squeeze %dma_start3A_55 : memref<1x128xi32, #tpu.memory_space<vmem>> -> memref<128xi32, #tpu.memory_space<vmem>>
    %dma_start3A_57 = arith.constant 0 : i32
    %dma_start3A_58 = arith.constant 0 : i32
    %dma_start3A_59 = tpu.memref_slice %arg2[%dma_start3A_57, %dma_start3A_58] : memref<10000x128xbf16, #tpu.memory_space<hbm>> -> memref<10000x128xbf16, #tpu.memory_space<hbm>>
    tpu.enqueue_indirect_dma source(%dma_start3A_59 : memref<10000x128xbf16, #tpu.memory_space<hbm>>) target(%dma_start3A_53 : memref<128x128xbf16, #tpu.memory_space<vmem>>) offsets(%dma_start3A_56 : memref<128xi32, #tpu.memory_space<vmem>>) semaphore(%arg19 : memref<!tpu.dma_semaphore, #tpu.memory_space<semaphore_mem>>)
    %dma_start3A_60 = arith.constant 2 : i32
    %dma_start3A_61 = arith.constant 0 : i32
    %dma_start3A_62 = arith.constant 0 : i32
    %dma_start3A_63 = tpu.memref_slice %arg15[%dma_start3A_61, %dma_start3A_62] : memref<256x16xf32, #tpu.memory_space<vmem>> -> memref<128x16xf32, #tpu.memory_space<vmem>>
    %dma_start3A_64 = arith.constant 0 : i32
    %dma_start3A_65 = tpu.memref_slice %arg9[%dma_start3A_60, %dma_start3A_64] : memref<124x128xi32, #tpu.memory_space<vmem>> -> memref<1x128xi32, #tpu.memory_space<vmem>>
    %dma_start3A_66 = tpu.memref_squeeze %dma_start3A_65 : memref<1x128xi32, #tpu.memory_space<vmem>> -> memref<128xi32, #tpu.memory_space<vmem>>
    %dma_start3A_67 = arith.constant 0 : i32
    %dma_start3A_68 = arith.constant 0 : i32
    %dma_start3A_69 = tpu.memref_slice %arg4[%dma_start3A_67, %dma_start3A_68] : memref<320000x16xf32, #tpu.memory_space<hbm>> -> memref<320000x16xf32, #tpu.memory_space<hbm>>
    tpu.enqueue_indirect_dma source(%dma_start3A_69 : memref<320000x16xf32, #tpu.memory_space<hbm>>) target(%dma_start3A_63 : memref<128x16xf32, #tpu.memory_space<vmem>>) offsets(%dma_start3A_66 : memref<128xi32, #tpu.memory_space<vmem>>) semaphore(%arg19 : memref<!tpu.dma_semaphore, #tpu.memory_space<semaphore_mem>>)
    %dma_start3A_70 = arith.constant 3 : i32
    %dma_start3A_71 = arith.constant 128 : i32
    %dma_start3A_72 = arith.constant 0 : i32
    %dma_start3A_73 = tpu.memref_slice %arg11[%dma_start3A_71, %dma_start3A_72] : memref<256x128xbf16, #tpu.memory_space<vmem>> -> memref<128x128xbf16, #tpu.memory_space<vmem>>
    %dma_start3A_74 = arith.constant 0 : i32
    %dma_start3A_75 = tpu.memref_slice %arg8[%dma_start3A_70, %dma_start3A_74] : memref<124x128xi32, #tpu.memory_space<vmem>> -> memref<1x128xi32, #tpu.memory_space<vmem>>
    %dma_start3A_76 = tpu.memref_squeeze %dma_start3A_75 : memref<1x128xi32, #tpu.memory_space<vmem>> -> memref<128xi32, #tpu.memory_space<vmem>>
    %dma_start3A_77 = arith.constant 0 : i32
    %dma_start3A_78 = arith.constant 0 : i32
    %dma_start3A_79 = tpu.memref_slice %arg2[%dma_start3A_77, %dma_start3A_78] : memref<10000x128xbf16, #tpu.memory_space<hbm>> -> memref<10000x128xbf16, #tpu.memory_space<hbm>>
    tpu.enqueue_indirect_dma source(%dma_start3A_79 : memref<10000x128xbf16, #tpu.memory_space<hbm>>) target(%dma_start3A_73 : memref<128x128xbf16, #tpu.memory_space<vmem>>) offsets(%dma_start3A_76 : memref<128xi32, #tpu.memory_space<vmem>>) semaphore(%arg19 : memref<!tpu.dma_semaphore, #tpu.memory_space<semaphore_mem>>)
    %dma_start3A_80 = arith.constant 3 : i32
    %dma_start3A_81 = arith.constant 128 : i32
    %dma_start3A_82 = arith.constant 0 : i32
    %dma_start3A_83 = tpu.memref_slice %arg15[%dma_start3A_81, %dma_start3A_82] : memref<256x16xf32, #tpu.memory_space<vmem>> -> memref<128x16xf32, #tpu.memory_space<vmem>>
    %dma_start3A_84 = arith.constant 0 : i32
    %dma_start3A_85 = tpu.memref_slice %arg9[%dma_start3A_80, %dma_start3A_84] : memref<124x128xi32, #tpu.memory_space<vmem>> -> memref<1x128xi32, #tpu.memory_space<vmem>>
    %dma_start3A_86 = tpu.memref_squeeze %dma_start3A_85 : memref<1x128xi32, #tpu.memory_space<vmem>> -> memref<128xi32, #tpu.memory_space<vmem>>
    %dma_start3A_87 = arith.constant 0 : i32
    %dma_start3A_88 = arith.constant 0 : i32
    %dma_start3A_89 = tpu.memref_slice %arg4[%dma_start3A_87, %dma_start3A_88] : memref<320000x16xf32, #tpu.memory_space<hbm>> -> memref<320000x16xf32, #tpu.memory_space<hbm>>
    tpu.enqueue_indirect_dma source(%dma_start3A_89 : memref<320000x16xf32, #tpu.memory_space<hbm>>) target(%dma_start3A_83 : memref<128x16xf32, #tpu.memory_space<vmem>>) offsets(%dma_start3A_86 : memref<128xi32, #tpu.memory_space<vmem>>) semaphore(%arg19 : memref<!tpu.dma_semaphore, #tpu.memory_space<semaphore_mem>>)
    %sub3A = arith.constant 2 : i32
    %sub3A_90 = arith.subi %add3A_6, %sub3A : i32
    %sub3A_91 = arith.constant 0 : i32
    %sub3A_92 = arith.subi %sub3A_90, %sub3A_91 : i32
    %sub3A_93 = arith.constant 2 : i32
    %sub3A_94 = arith.constant 1 : i32
    %sub3A_95 = arith.subi %sub3A_93, %sub3A_94 : i32
    %add3A_96 = arith.addi %sub3A_92, %sub3A_95 : i32
    %div3A = arith.constant 2 : i32
    %div3A_97 = arith.divsi %add3A_96, %div3A : i32
    %while3A = arith.constant 2 : i32
    %while3A_98 = arith.constant 0 : i32
    %while3A_99 = arith.constant 0 : i32
    %while3A_100 = arith.subi %div3A_97, %while3A_99 : i32
    %while3A_101 = arith.addi %while3A_99, %while3A_100 : i32
    %while3A_102 = arith.constant 1 : i32
    %while3A_103 = arith.divsi %while3A_100, %while3A_102 : i32
    %while3A_104 = arith.muli %while3A_103, %while3A_102 : i32
    %while3A_105 = arith.addi %while3A_99, %while3A_104 : i32
    %while3A_106 = arith.constant 1 : i32
    scf.for %while3A_306 = %while3A_99 to %while3A_105 step %while3A_106  : i32 {
      %mul3A_307 = arith.muli %while3A_306, %while3A : i32
      %add3A_308 = arith.addi %while3A_98, %mul3A_307 : i32
      %add3A_309 = arith.constant 0 : i32
      %add3A_310 = arith.addi %add3A_308, %add3A_309 : i32
      %mul3A_311 = arith.constant 2 : i32
      %mul3A_312 = arith.muli %add3A_310, %mul3A_311 : i32
      %add3A_313 = arith.constant 0 : i32
      %add3A_314 = arith.addi %mul3A_312, %add3A_313 : i32
      %dma_wait3A_315 = arith.constant 0 : i32
      %dma_wait3A_316 = arith.constant 0 : i32
      %dma_wait3A_317 = tpu.memref_slice %arg10[%dma_wait3A_315, %dma_wait3A_316] : memref<256x128xbf16, #tpu.memory_space<vmem>> -> memref<128x128xbf16, #tpu.memory_space<vmem>>
      %dma_wait3A_318 = arith.constant 0 : i32
      %dma_wait3A_319 = tpu.memref_slice %arg8[%add3A_314, %dma_wait3A_318] : memref<124x128xi32, #tpu.memory_space<vmem>> -> memref<1x128xi32, #tpu.memory_space<vmem>>
      %dma_wait3A_320 = tpu.memref_squeeze %dma_wait3A_319 : memref<1x128xi32, #tpu.memory_space<vmem>> -> memref<128xi32, #tpu.memory_space<vmem>>
      %dma_wait3A_321 = arith.constant 0 : i32
      %dma_wait3A_322 = arith.constant 0 : i32
      %dma_wait3A_323 = tpu.memref_slice %arg2[%dma_wait3A_321, %dma_wait3A_322] : memref<10000x128xbf16, #tpu.memory_space<hbm>> -> memref<10000x128xbf16, #tpu.memory_space<hbm>>
      tpu.wait_indirect_dma semaphore(%arg18 : memref<!tpu.dma_semaphore, #tpu.memory_space<semaphore_mem>>) src(%dma_wait3A_323 : memref<10000x128xbf16, #tpu.memory_space<hbm>>) dst(%dma_wait3A_317 : memref<128x128xbf16, #tpu.memory_space<vmem>>)
      %mul3A_324 = arith.constant 2 : i32
      %mul3A_325 = arith.muli %add3A_310, %mul3A_324 : i32
      %add3A_326 = arith.constant 0 : i32
      %add3A_327 = arith.addi %mul3A_325, %add3A_326 : i32
      %dma_wait3A_328 = arith.constant 0 : i32
      %dma_wait3A_329 = arith.constant 0 : i32
      %dma_wait3A_330 = tpu.memref_slice %arg14[%dma_wait3A_328, %dma_wait3A_329] : memref<256x16xf32, #tpu.memory_space<vmem>> -> memref<128x16xf32, #tpu.memory_space<vmem>>
      %dma_wait3A_331 = arith.constant 0 : i32
      %dma_wait3A_332 = tpu.memref_slice %arg9[%add3A_327, %dma_wait3A_331] : memref<124x128xi32, #tpu.memory_space<vmem>> -> memref<1x128xi32, #tpu.memory_space<vmem>>
      %dma_wait3A_333 = tpu.memref_squeeze %dma_wait3A_332 : memref<1x128xi32, #tpu.memory_space<vmem>> -> memref<128xi32, #tpu.memory_space<vmem>>
      %dma_wait3A_334 = arith.constant 0 : i32
      %dma_wait3A_335 = arith.constant 0 : i32
      %dma_wait3A_336 = tpu.memref_slice %arg4[%dma_wait3A_334, %dma_wait3A_335] : memref<320000x16xf32, #tpu.memory_space<hbm>> -> memref<320000x16xf32, #tpu.memory_space<hbm>>
      tpu.wait_indirect_dma semaphore(%arg18 : memref<!tpu.dma_semaphore, #tpu.memory_space<semaphore_mem>>) src(%dma_wait3A_336 : memref<320000x16xf32, #tpu.memory_space<hbm>>) dst(%dma_wait3A_330 : memref<128x16xf32, #tpu.memory_space<vmem>>)
      %mul3A_337 = arith.constant 2 : i32
      %mul3A_338 = arith.muli %add3A_310, %mul3A_337 : i32
      %add3A_339 = arith.constant 1 : i32
      %add3A_340 = arith.addi %mul3A_338, %add3A_339 : i32
      %dma_wait3A_341 = arith.constant 128 : i32
      %dma_wait3A_342 = arith.constant 0 : i32
      %dma_wait3A_343 = tpu.memref_slice %arg10[%dma_wait3A_341, %dma_wait3A_342] : memref<256x128xbf16, #tpu.memory_space<vmem>> -> memref<128x128xbf16, #tpu.memory_space<vmem>>
      %dma_wait3A_344 = arith.constant 0 : i32
      %dma_wait3A_345 = tpu.memref_slice %arg8[%add3A_340, %dma_wait3A_344] : memref<124x128xi32, #tpu.memory_space<vmem>> -> memref<1x128xi32, #tpu.memory_space<vmem>>
      %dma_wait3A_346 = tpu.memref_squeeze %dma_wait3A_345 : memref<1x128xi32, #tpu.memory_space<vmem>> -> memref<128xi32, #tpu.memory_space<vmem>>
      %dma_wait3A_347 = arith.constant 0 : i32
      %dma_wait3A_348 = arith.constant 0 : i32
      %dma_wait3A_349 = tpu.memref_slice %arg2[%dma_wait3A_347, %dma_wait3A_348] : memref<10000x128xbf16, #tpu.memory_space<hbm>> -> memref<10000x128xbf16, #tpu.memory_space<hbm>>
      tpu.wait_indirect_dma semaphore(%arg18 : memref<!tpu.dma_semaphore, #tpu.memory_space<semaphore_mem>>) src(%dma_wait3A_349 : memref<10000x128xbf16, #tpu.memory_space<hbm>>) dst(%dma_wait3A_343 : memref<128x128xbf16, #tpu.memory_space<vmem>>)
      %mul3A_350 = arith.constant 2 : i32
      %mul3A_351 = arith.muli %add3A_310, %mul3A_350 : i32
      %add3A_352 = arith.constant 1 : i32
      %add3A_353 = arith.addi %mul3A_351, %add3A_352 : i32
      %dma_wait3A_354 = arith.constant 128 : i32
      %dma_wait3A_355 = arith.constant 0 : i32
      %dma_wait3A_356 = tpu.memref_slice %arg14[%dma_wait3A_354, %dma_wait3A_355] : memref<256x16xf32, #tpu.memory_space<vmem>> -> memref<128x16xf32, #tpu.memory_space<vmem>>
      %dma_wait3A_357 = arith.constant 0 : i32
      %dma_wait3A_358 = tpu.memref_slice %arg9[%add3A_353, %dma_wait3A_357] : memref<124x128xi32, #tpu.memory_space<vmem>> -> memref<1x128xi32, #tpu.memory_space<vmem>>
      %dma_wait3A_359 = tpu.memref_squeeze %dma_wait3A_358 : memref<1x128xi32, #tpu.memory_space<vmem>> -> memref<128xi32, #tpu.memory_space<vmem>>
      %dma_wait3A_360 = arith.constant 0 : i32
      %dma_wait3A_361 = arith.constant 0 : i32
      %dma_wait3A_362 = tpu.memref_slice %arg4[%dma_wait3A_360, %dma_wait3A_361] : memref<320000x16xf32, #tpu.memory_space<hbm>> -> memref<320000x16xf32, #tpu.memory_space<hbm>>
      tpu.wait_indirect_dma semaphore(%arg18 : memref<!tpu.dma_semaphore, #tpu.memory_space<semaphore_mem>>) src(%dma_wait3A_362 : memref<320000x16xf32, #tpu.memory_space<hbm>>) dst(%dma_wait3A_356 : memref<128x16xf32, #tpu.memory_space<vmem>>)
      %scan3A_363 = arith.constant 0 : i32
      %scan3A_364 = arith.constant 128 : i32
      %scan3A_365 = arith.addi %scan3A_363, %scan3A_364 : i32
      %scan3A_366 = arith.constant 1 : i32
      scf.for %scan3A_613 = %scan3A_363 to %scan3A_365 step %scan3A_366  : i32 {
        %mul3A_614 = arith.constant 1 : i32
        %mul3A_615 = arith.muli %scan3A_613, %mul3A_614 : i32
        %add3A_616 = arith.constant 0 : i32
        %add3A_617 = arith.addi %add3A_616, %mul3A_615 : i32
        %mul3A_618 = arith.constant 2 : i32
        %mul3A_619 = arith.muli %mul3A_618, %add3A_617 : i32
        %get3A = arith.index_cast %mul3A_619 : i32 to index
        %get3A_620 = arith.constant 0 : index
        %get3A_621 = tpu.vector_load %arg10[%get3A, %get3A_620] {strides = array<i32>} : memref<256x128xbf16, #tpu.memory_space<vmem>>, vector<32xbf16>,
        %bitcast3A = vector.bitcast %get3A_621 : vector<32xbf16> to vector<16xf32>
        %swap3A = arith.index_cast %add3A_617 : i32 to index
        %swap3A_622 = arith.constant 0 : index
        %swap3A_623 = tpu.vector_load %arg12[%swap3A, %swap3A_622] {strides = array<i32>} : memref<128x128xf32, #tpu.memory_space<vmem>>, vector<16xf32>,
        tpu.vector_store %arg12[%swap3A, %swap3A_622], %bitcast3A {strides = array<i32>} : memref<128x128xf32, #tpu.memory_space<vmem>>, vector<16xf32>,
        %mul3A_624 = arith.constant 2 : i32
        %mul3A_625 = arith.muli %mul3A_624, %add3A_617 : i32
        %add3A_626 = arith.constant 1 : i32
        %add3A_627 = arith.addi %mul3A_625, %add3A_626 : i32
        %get3A_628 = arith.index_cast %add3A_627 : i32 to index
        %get3A_629 = arith.constant 0 : index
        %get3A_630 = tpu.vector_load %arg10[%get3A_628, %get3A_629] {strides = array<i32>} : memref<256x128xbf16, #tpu.memory_space<vmem>>, vector<32xbf16>,
        %bitcast3A_631 = vector.bitcast %get3A_630 : vector<32xbf16> to vector<16xf32>
        %swap3A_632 = arith.index_cast %add3A_617 : i32 to index
        %swap3A_633 = arith.constant 64 : index
        %swap3A_634 = tpu.vector_load %arg12[%swap3A_632, %swap3A_633] {strides = array<i32>} : memref<128x128xf32, #tpu.memory_space<vmem>>, vector<16xf32>,
        tpu.vector_store %arg12[%swap3A_632, %swap3A_633], %bitcast3A_631 {strides = array<i32>} : memref<128x128xf32, #tpu.memory_space<vmem>>, vector<16xf32>,
        %mul3A_635 = arith.constant 2 : i32
        %mul3A_636 = arith.muli %mul3A_635, %add3A_617 : i32
        %get3A_637 = arith.index_cast %mul3A_636 : i32 to index
        %get3A_638 = arith.constant 32 : index
        %get3A_639 = tpu.vector_load %arg10[%get3A_637, %get3A_638] {strides = array<i32>} : memref<256x128xbf16, #tpu.memory_space<vmem>>, vector<32xbf16>,
        %bitcast3A_640 = vector.bitcast %get3A_639 : vector<32xbf16> to vector<16xf32>
        %swap3A_641 = arith.index_cast %add3A_617 : i32 to index
        %swap3A_642 = arith.constant 16 : index
        %swap3A_643 = tpu.vector_load %arg12[%swap3A_641, %swap3A_642] {strides = array<i32>} : memref<128x128xf32, #tpu.memory_space<vmem>>, vector<16xf32>,
        tpu.vector_store %arg12[%swap3A_641, %swap3A_642], %bitcast3A_640 {strides = array<i32>} : memref<128x128xf32, #tpu.memory_space<vmem>>, vector<16xf32>,
        %mul3A_644 = arith.constant 2 : i32
        %mul3A_645 = arith.muli %mul3A_644, %add3A_617 : i32
        %add3A_646 = arith.constant 1 : i32
        %add3A_647 = arith.addi %mul3A_645, %add3A_646 : i32
        %get3A_648 = arith.index_cast %add3A_647 : i32 to index
        %get3A_649 = arith.constant 32 : index
        %get3A_650 = tpu.vector_load %arg10[%get3A_648, %get3A_649] {strides = array<i32>} : memref<256x128xbf16, #tpu.memory_space<vmem>>, vector<32xbf16>,
        %bitcast3A_651 = vector.bitcast %get3A_650 : vector<32xbf16> to vector<16xf32>
        %swap3A_652 = arith.index_cast %add3A_617 : i32 to index
        %swap3A_653 = arith.constant 80 : index
        %swap3A_654 = tpu.vector_load %arg12[%swap3A_652, %swap3A_653] {strides = array<i32>} : memref<128x128xf32, #tpu.memory_space<vmem>>, vector<16xf32>,
        tpu.vector_store %arg12[%swap3A_652, %swap3A_653], %bitcast3A_651 {strides = array<i32>} : memref<128x128xf32, #tpu.memory_space<vmem>>, vector<16xf32>,
        %mul3A_655 = arith.constant 2 : i32
        %mul3A_656 = arith.muli %mul3A_655, %add3A_617 : i32
        %get3A_657 = arith.index_cast %mul3A_656 : i32 to index
        %get3A_658 = arith.constant 64 : index
        %get3A_659 = tpu.vector_load %arg10[%get3A_657, %get3A_658] {strides = array<i32>} : memref<256x128xbf16, #tpu.memory_space<vmem>>, vector<32xbf16>,
        %bitcast3A_660 = vector.bitcast %get3A_659 : vector<32xbf16> to vector<16xf32>
        %swap3A_661 = arith.index_cast %add3A_617 : i32 to index
        %swap3A_662 = arith.constant 32 : index
        %swap3A_663 = tpu.vector_load %arg12[%swap3A_661, %swap3A_662] {strides = array<i32>} : memref<128x128xf32, #tpu.memory_space<vmem>>, vector<16xf32>,
        tpu.vector_store %arg12[%swap3A_661, %swap3A_662], %bitcast3A_660 {strides = array<i32>} : memref<128x128xf32, #tpu.memory_space<vmem>>, vector<16xf32>,
        %mul3A_664 = arith.constant 2 : i32
        %mul3A_665 = arith.muli %mul3A_664, %add3A_617 : i32
        %add3A_666 = arith.constant 1 : i32
        %add3A_667 = arith.addi %mul3A_665, %add3A_666 : i32
        %get3A_668 = arith.index_cast %add3A_667 : i32 to index
        %get3A_669 = arith.constant 64 : index
        %get3A_670 = tpu.vector_load %arg10[%get3A_668, %get3A_669] {strides = array<i32>} : memref<256x128xbf16, #tpu.memory_space<vmem>>, vector<32xbf16>,
        %bitcast3A_671 = vector.bitcast %get3A_670 : vector<32xbf16> to vector<16xf32>
        %swap3A_672 = arith.index_cast %add3A_617 : i32 to index
        %swap3A_673 = arith.constant 96 : index
        %swap3A_674 = tpu.vector_load %arg12[%swap3A_672, %swap3A_673] {strides = array<i32>} : memref<128x128xf32, #tpu.memory_space<vmem>>, vector<16xf32>,
        tpu.vector_store %arg12[%swap3A_672, %swap3A_673], %bitcast3A_671 {strides = array<i32>} : memref<128x128xf32, #tpu.memory_space<vmem>>, vector<16xf32>,
        %mul3A_675 = arith.constant 2 : i32
        %mul3A_676 = arith.muli %mul3A_675, %add3A_617 : i32
        %get3A_677 = arith.index_cast %mul3A_676 : i32 to index
        %get3A_678 = arith.constant 96 : index
        %get3A_679 = tpu.vector_load %arg10[%get3A_677, %get3A_678] {strides = array<i32>} : memref<256x128xbf16, #tpu.memory_space<vmem>>, vector<32xbf16>,
        %bitcast3A_680 = vector.bitcast %get3A_679 : vector<32xbf16> to vector<16xf32>
        %swap3A_681 = arith.index_cast %add3A_617 : i32 to index
        %swap3A_682 = arith.constant 48 : index
        %swap3A_683 = tpu.vector_load %arg12[%swap3A_681, %swap3A_682] {strides = array<i32>} : memref<128x128xf32, #tpu.memory_space<vmem>>, vector<16xf32>,
        tpu.vector_store %arg12[%swap3A_681, %swap3A_682], %bitcast3A_680 {strides = array<i32>} : memref<128x128xf32, #tpu.memory_space<vmem>>, vector<16xf32>,
        %mul3A_684 = arith.constant 2 : i32
        %mul3A_685 = arith.muli %mul3A_684, %add3A_617 : i32
        %add3A_686 = arith.constant 1 : i32
        %add3A_687 = arith.addi %mul3A_685, %add3A_686 : i32
        %get3A_688 = arith.index_cast %add3A_687 : i32 to index
        %get3A_689 = arith.constant 96 : index
        %get3A_690 = tpu.vector_load %arg10[%get3A_688, %get3A_689] {strides = array<i32>} : memref<256x128xbf16, #tpu.memory_space<vmem>>, vector<32xbf16>,
        %bitcast3A_691 = vector.bitcast %get3A_690 : vector<32xbf16> to vector<16xf32>
        %swap3A_692 = arith.index_cast %add3A_617 : i32 to index
        %swap3A_693 = arith.constant 112 : index
        %swap3A_694 = tpu.vector_load %arg12[%swap3A_692, %swap3A_693] {strides = array<i32>} : memref<128x128xf32, #tpu.memory_space<vmem>>, vector<16xf32>,
        tpu.vector_store %arg12[%swap3A_692, %swap3A_693], %bitcast3A_691 {strides = array<i32>} : memref<128x128xf32, #tpu.memory_space<vmem>>, vector<16xf32>,
      }
      %scan3A_367 = arith.constant 128 : i32
      %scan3A_368 = arith.constant 0 : i32
      %scan3A_369 = arith.constant 32 : i32
      %scan3A_370 = arith.addi %scan3A_368, %scan3A_369 : i32
      %scan3A_371 = arith.constant 1 : i32
      scf.for %scan3A_613 = %scan3A_368 to %scan3A_370 step %scan3A_371  : i32 {
        %mul3A_614 = arith.constant 1 : i32
        %mul3A_615 = arith.muli %scan3A_613, %mul3A_614 : i32
        %add3A_616 = arith.constant 0 : i32
        %add3A_617 = arith.addi %add3A_616, %mul3A_615 : i32
        %mul3A_618 = arith.constant 8 : i32
        %mul3A_619 = arith.muli %mul3A_618, %add3A_617 : i32
        %add3A_620 = arith.constant 0 : i32
        %add3A_621 = arith.addi %mul3A_619, %add3A_620 : i32
        %get3A = arith.index_cast %add3A_621 : i32 to index
        %get3A_622 = arith.constant 0 : index
        %get3A_623 = tpu.vector_load %arg14[%get3A, %get3A_622] {strides = array<i32>} : memref<256x16xf32, #tpu.memory_space<vmem>>, vector<16xf32>,
        %swap3A = arith.index_cast %add3A_617 : i32 to index
        %swap3A_624 = arith.constant 0 : index
        %swap3A_625 = tpu.vector_load %arg16[%swap3A, %swap3A_624] {strides = array<i32>} : memref<32x128xf32, #tpu.memory_space<vmem>>, vector<16xf32>,
        tpu.vector_store %arg16[%swap3A, %swap3A_624], %get3A_623 {strides = array<i32>} : memref<32x128xf32, #tpu.memory_space<vmem>>, vector<16xf32>,
        %mul3A_626 = arith.constant 8 : i32
        %mul3A_627 = arith.muli %mul3A_626, %add3A_617 : i32
        %add3A_628 = arith.constant 1 : i32
        %add3A_629 = arith.addi %mul3A_627, %add3A_628 : i32
        %get3A_630 = arith.index_cast %add3A_629 : i32 to index
        %get3A_631 = arith.constant 0 : index
        %get3A_632 = tpu.vector_load %arg14[%get3A_630, %get3A_631] {strides = array<i32>} : memref<256x16xf32, #tpu.memory_space<vmem>>, vector<16xf32>,
        %swap3A_633 = arith.index_cast %add3A_617 : i32 to index
        %swap3A_634 = arith.constant 16 : index
        %swap3A_635 = tpu.vector_load %arg16[%swap3A_633, %swap3A_634] {strides = array<i32>} : memref<32x128xf32, #tpu.memory_space<vmem>>, vector<16xf32>,
        tpu.vector_store %arg16[%swap3A_633, %swap3A_634], %get3A_632 {strides = array<i32>} : memref<32x128xf32, #tpu.memory_space<vmem>>, vector<16xf32>,
        %mul3A_636 = arith.constant 8 : i32
        %mul3A_637 = arith.muli %mul3A_636, %add3A_617 : i32
        %add3A_638 = arith.constant 2 : i32
        %add3A_639 = arith.addi %mul3A_637, %add3A_638 : i32
        %get3A_640 = arith.index_cast %add3A_639 : i32 to index
        %get3A_641 = arith.constant 0 : index
        %get3A_642 = tpu.vector_load %arg14[%get3A_640, %get3A_641] {strides = array<i32>} : memref<256x16xf32, #tpu.memory_space<vmem>>, vector<16xf32>,
        %swap3A_643 = arith.index_cast %add3A_617 : i32 to index
        %swap3A_644 = arith.constant 32 : index
        %swap3A_645 = tpu.vector_load %arg16[%swap3A_643, %swap3A_644] {strides = array<i32>} : memref<32x128xf32, #tpu.memory_space<vmem>>, vector<16xf32>,
        tpu.vector_store %arg16[%swap3A_643, %swap3A_644], %get3A_642 {strides = array<i32>} : memref<32x128xf32, #tpu.memory_space<vmem>>, vector<16xf32>,
        %mul3A_646 = arith.constant 8 : i32
        %mul3A_647 = arith.muli %mul3A_646, %add3A_617 : i32
        %add3A_648 = arith.constant 3 : i32
        %add3A_649 = arith.addi %mul3A_647, %add3A_648 : i32
        %get3A_650 = arith.index_cast %add3A_649 : i32 to index
        %get3A_651 = arith.constant 0 : index
        %get3A_652 = tpu.vector_load %arg14[%get3A_650, %get3A_651] {strides = array<i32>} : memref<256x16xf32, #tpu.memory_space<vmem>>, vector<16xf32>,
        %swap3A_653 = arith.index_cast %add3A_617 : i32 to index
        %swap3A_654 = arith.constant 48 : index
        %swap3A_655 = tpu.vector_load %arg16[%swap3A_653, %swap3A_654] {strides = array<i32>} : memref<32x128xf32, #tpu.memory_space<vmem>>, vector<16xf32>,
        tpu.vector_store %arg16[%swap3A_653, %swap3A_654], %get3A_652 {strides = array<i32>} : memref<32x128xf32, #tpu.memory_space<vmem>>, vector<16xf32>,
        %mul3A_656 = arith.constant 8 : i32
        %mul3A_657 = arith.muli %mul3A_656, %add3A_617 : i32
        %add3A_658 = arith.constant 4 : i32
        %add3A_659 = arith.addi %mul3A_657, %add3A_658 : i32
        %get3A_660 = arith.index_cast %add3A_659 : i32 to index
        %get3A_661 = arith.constant 0 : index
        %get3A_662 = tpu.vector_load %arg14[%get3A_660, %get3A_661] {strides = array<i32>} : memref<256x16xf32, #tpu.memory_space<vmem>>, vector<16xf32>,
        %swap3A_663 = arith.index_cast %add3A_617 : i32 to index
        %swap3A_664 = arith.constant 64 : index
        %swap3A_665 = tpu.vector_load %arg16[%swap3A_663, %swap3A_664] {strides = array<i32>} : memref<32x128xf32, #tpu.memory_space<vmem>>, vector<16xf32>,
        tpu.vector_store %arg16[%swap3A_663, %swap3A_664], %get3A_662 {strides = array<i32>} : memref<32x128xf32, #tpu.memory_space<vmem>>, vector<16xf32>,
        %mul3A_666 = arith.constant 8 : i32
        %mul3A_667 = arith.muli %mul3A_666, %add3A_617 : i32
        %add3A_668 = arith.constant 5 : i32
        %add3A_669 = arith.addi %mul3A_667, %add3A_668 : i32
        %get3A_670 = arith.index_cast %add3A_669 : i32 to index
        %get3A_671 = arith.constant 0 : index
        %get3A_672 = tpu.vector_load %arg14[%get3A_670, %get3A_671] {strides = array<i32>} : memref<256x16xf32, #tpu.memory_space<vmem>>, vector<16xf32>,
        %swap3A_673 = arith.index_cast %add3A_617 : i32 to index
        %swap3A_674 = arith.constant 80 : index
        %swap3A_675 = tpu.vector_load %arg16[%swap3A_673, %swap3A_674] {strides = array<i32>} : memref<32x128xf32, #tpu.memory_space<vmem>>, vector<16xf32>,
        tpu.vector_store %arg16[%swap3A_673, %swap3A_674], %get3A_672 {strides = array<i32>} : memref<32x128xf32, #tpu.memory_space<vmem>>, vector<16xf32>,
        %mul3A_676 = arith.constant 8 : i32
        %mul3A_677 = arith.muli %mul3A_676, %add3A_617 : i32
        %add3A_678 = arith.constant 6 : i32
        %add3A_679 = arith.addi %mul3A_677, %add3A_678 : i32
        %get3A_680 = arith.index_cast %add3A_679 : i32 to index
        %get3A_681 = arith.constant 0 : index
        %get3A_682 = tpu.vector_load %arg14[%get3A_680, %get3A_681] {strides = array<i32>} : memref<256x16xf32, #tpu.memory_space<vmem>>, vector<16xf32>,
        %swap3A_683 = arith.index_cast %add3A_617 : i32 to index
        %swap3A_684 = arith.constant 96 : index
        %swap3A_685 = tpu.vector_load %arg16[%swap3A_683, %swap3A_684] {strides = array<i32>} : memref<32x128xf32, #tpu.memory_space<vmem>>, vector<16xf32>,
        tpu.vector_store %arg16[%swap3A_683, %swap3A_684], %get3A_682 {strides = array<i32>} : memref<32x128xf32, #tpu.memory_space<vmem>>, vector<16xf32>,
        %mul3A_686 = arith.constant 8 : i32
        %mul3A_687 = arith.muli %mul3A_686, %add3A_617 : i32
        %add3A_688 = arith.constant 7 : i32
        %add3A_689 = arith.addi %mul3A_687, %add3A_688 : i32
        %get3A_690 = arith.index_cast %add3A_689 : i32 to index
        %get3A_691 = arith.constant 0 : index
        %get3A_692 = tpu.vector_load %arg14[%get3A_690, %get3A_691] {strides = array<i32>} : memref<256x16xf32, #tpu.memory_space<vmem>>, vector<16xf32>,
        %swap3A_693 = arith.index_cast %add3A_617 : i32 to index
        %swap3A_694 = arith.constant 112 : index
        %swap3A_695 = tpu.vector_load %arg16[%swap3A_693, %swap3A_694] {strides = array<i32>} : memref<32x128xf32, #tpu.memory_space<vmem>>, vector<16xf32>,
        tpu.vector_store %arg16[%swap3A_693, %swap3A_694], %get3A_692 {strides = array<i32>} : memref<32x128xf32, #tpu.memory_space<vmem>>, vector<16xf32>,
      }
      %scan3A_372 = arith.constant 32 : i32
      %add3A_373 = arith.addi %add3A, %add3A_310 : i32
      %dma_start3A_374 = arith.constant 0 : i32
      %dma_start3A_375 = arith.constant 0 : i32
      %dma_start3A_376 = tpu.memref_slice %arg6[%add3A_373, %dma_start3A_374, %dma_start3A_375] : memref<1280x128x128xf32, #tpu.memory_space<hbm>> -> memref<1x128x128xf32, #tpu.memory_space<hbm>>
      %dma_start3A_377 = tpu.memref_squeeze %dma_start3A_376 : memref<1x128x128xf32, #tpu.memory_space<hbm>> -> memref<128x128xf32, #tpu.memory_space<hbm>>
      %dma_start3A_378 = arith.constant 0 : i32
      %dma_start3A_379 = arith.constant 0 : i32
      %dma_start3A_380 = tpu.memref_slice %arg6[%add3A_373, %dma_start3A_378, %dma_start3A_379] : memref<1280x128x128xf32, #tpu.memory_space<hbm>> -> memref<1x128x128xf32, #tpu.memory_space<hbm>>
      %dma_start3A_381 = tpu.memref_squeeze %dma_start3A_380 : memref<1x128x128xf32, #tpu.memory_space<hbm>> -> memref<128x128xf32, #tpu.memory_space<hbm>>
      tpu.enqueue_dma source(%arg12 : memref<128x128xf32, #tpu.memory_space<vmem>>) target(%dma_start3A_381 : memref<128x128xf32, #tpu.memory_space<hbm>>) target_semaphore(%arg20 : memref<!tpu.dma_semaphore, #tpu.memory_space<semaphore_mem>>)
      %dma_start3A_382 = arith.constant 0 : i32
      %dma_start3A_383 = arith.constant 0 : i32
      %dma_start3A_384 = tpu.memref_slice %arg7[%add3A_373, %dma_start3A_382, %dma_start3A_383] : memref<1280x32x128xf32, #tpu.memory_space<hbm>> -> memref<1x32x128xf32, #tpu.memory_space<hbm>>
      %dma_start3A_385 = tpu.memref_squeeze %dma_start3A_384 : memref<1x32x128xf32, #tpu.memory_space<hbm>> -> memref<32x128xf32, #tpu.memory_space<hbm>>
      %dma_start3A_386 = arith.constant 0 : i32
      %dma_start3A_387 = arith.constant 0 : i32
      %dma_start3A_388 = tpu.memref_slice %arg7[%add3A_373, %dma_start3A_386, %dma_start3A_387] : memref<1280x32x128xf32, #tpu.memory_space<hbm>> -> memref<1x32x128xf32, #tpu.memory_space<hbm>>
      %dma_start3A_389 = tpu.memref_squeeze %dma_start3A_388 : memref<1x32x128xf32, #tpu.memory_space<hbm>> -> memref<32x128xf32, #tpu.memory_space<hbm>>
      tpu.enqueue_dma source(%arg16 : memref<32x128xf32, #tpu.memory_space<vmem>>) target(%dma_start3A_389 : memref<32x128xf32, #tpu.memory_space<hbm>>) target_semaphore(%arg20 : memref<!tpu.dma_semaphore, #tpu.memory_space<semaphore_mem>>)
      %add3A_390 = arith.addi %add3A, %add3A_310 : i32
      %dma_wait3A_391 = arith.constant 0 : i32
      %dma_wait3A_392 = arith.constant 0 : i32
      %dma_wait3A_393 = tpu.memref_slice %arg6[%add3A_390, %dma_wait3A_391, %dma_wait3A_392] : memref<1280x128x128xf32, #tpu.memory_space<hbm>> -> memref<1x128x128xf32, #tpu.memory_space<hbm>>
      %dma_wait3A_394 = tpu.memref_squeeze %dma_wait3A_393 : memref<1x128x128xf32, #tpu.memory_space<hbm>> -> memref<128x128xf32, #tpu.memory_space<hbm>>
      %dma_wait3A_395 = arith.constant 0 : i32
      %dma_wait3A_396 = arith.constant 0 : i32
      %dma_wait3A_397 = tpu.memref_slice %arg6[%add3A_390, %dma_wait3A_395, %dma_wait3A_396] : memref<1280x128x128xf32, #tpu.memory_space<hbm>> -> memref<1x128x128xf32, #tpu.memory_space<hbm>>
      %dma_wait3A_398 = tpu.memref_squeeze %dma_wait3A_397 : memref<1x128x128xf32, #tpu.memory_space<hbm>> -> memref<128x128xf32, #tpu.memory_space<hbm>>
      tpu.wait_dma2 semaphore(%arg20 : memref<!tpu.dma_semaphore, #tpu.memory_space<semaphore_mem>>) src(%arg12 : memref<128x128xf32, #tpu.memory_space<vmem>>) dst(%dma_wait3A_398 : memref<128x128xf32, #tpu.memory_space<hbm>>)
      %dma_wait3A_399 = arith.constant 0 : i32
      %dma_wait3A_400 = arith.constant 0 : i32
      %dma_wait3A_401 = tpu.memref_slice %arg7[%add3A_390, %dma_wait3A_399, %dma_wait3A_400] : memref<1280x32x128xf32, #tpu.memory_space<hbm>> -> memref<1x32x128xf32, #tpu.memory_space<hbm>>
      %dma_wait3A_402 = tpu.memref_squeeze %dma_wait3A_401 : memref<1x32x128xf32, #tpu.memory_space<hbm>> -> memref<32x128xf32, #tpu.memory_space<hbm>>
      %dma_wait3A_403 = arith.constant 0 : i32
      %dma_wait3A_404 = arith.constant 0 : i32
      %dma_wait3A_405 = tpu.memref_slice %arg7[%add3A_390, %dma_wait3A_403, %dma_wait3A_404] : memref<1280x32x128xf32, #tpu.memory_space<hbm>> -> memref<1x32x128xf32, #tpu.memory_space<hbm>>
      %dma_wait3A_406 = tpu.memref_squeeze %dma_wait3A_405 : memref<1x32x128xf32, #tpu.memory_space<hbm>> -> memref<32x128xf32, #tpu.memory_space<hbm>>
      tpu.wait_dma2 semaphore(%arg20 : memref<!tpu.dma_semaphore, #tpu.memory_space<semaphore_mem>>) src(%arg16 : memref<32x128xf32, #tpu.memory_space<vmem>>) dst(%dma_wait3A_406 : memref<32x128xf32, #tpu.memory_space<hbm>>)
      %add3A_407 = arith.constant 2 : i32
      %add3A_408 = arith.addi %add3A_310, %add3A_407 : i32
      %mul3A_409 = arith.constant 2 : i32
      %mul3A_410 = arith.muli %add3A_408, %mul3A_409 : i32
      %add3A_411 = arith.constant 0 : i32
      %add3A_412 = arith.addi %mul3A_410, %add3A_411 : i32
      %dma_start3A_413 = arith.constant 0 : i32
      %dma_start3A_414 = arith.constant 0 : i32
      %dma_start3A_415 = tpu.memref_slice %arg10[%dma_start3A_413, %dma_start3A_414] : memref<256x128xbf16, #tpu.memory_space<vmem>> -> memref<128x128xbf16, #tpu.memory_space<vmem>>
      %dma_start3A_416 = arith.constant 0 : i32
      %dma_start3A_417 = tpu.memref_slice %arg8[%add3A_412, %dma_start3A_416] : memref<124x128xi32, #tpu.memory_space<vmem>> -> memref<1x128xi32, #tpu.memory_space<vmem>>
      %dma_start3A_418 = tpu.memref_squeeze %dma_start3A_417 : memref<1x128xi32, #tpu.memory_space<vmem>> -> memref<128xi32, #tpu.memory_space<vmem>>
      %dma_start3A_419 = arith.constant 0 : i32
      %dma_start3A_420 = arith.constant 0 : i32
      %dma_start3A_421 = tpu.memref_slice %arg2[%dma_start3A_419, %dma_start3A_420] : memref<10000x128xbf16, #tpu.memory_space<hbm>> -> memref<10000x128xbf16, #tpu.memory_space<hbm>>
      tpu.enqueue_indirect_dma source(%dma_start3A_421 : memref<10000x128xbf16, #tpu.memory_space<hbm>>) target(%dma_start3A_415 : memref<128x128xbf16, #tpu.memory_space<vmem>>) offsets(%dma_start3A_418 : memref<128xi32, #tpu.memory_space<vmem>>) semaphore(%arg18 : memref<!tpu.dma_semaphore, #tpu.memory_space<semaphore_mem>>)
      %mul3A_422 = arith.constant 2 : i32
      %mul3A_423 = arith.muli %add3A_408, %mul3A_422 : i32
      %add3A_424 = arith.constant 0 : i32
      %add3A_425 = arith.addi %mul3A_423, %add3A_424 : i32
      %dma_start3A_426 = arith.constant 0 : i32
      %dma_start3A_427 = arith.constant 0 : i32
      %dma_start3A_428 = tpu.memref_slice %arg14[%dma_start3A_426, %dma_start3A_427] : memref<256x16xf32, #tpu.memory_space<vmem>> -> memref<128x16xf32, #tpu.memory_space<vmem>>
      %dma_start3A_429 = arith.constant 0 : i32
      %dma_start3A_430 = tpu.memref_slice %arg9[%add3A_425, %dma_start3A_429] : memref<124x128xi32, #tpu.memory_space<vmem>> -> memref<1x128xi32, #tpu.memory_space<vmem>>
      %dma_start3A_431 = tpu.memref_squeeze %dma_start3A_430 : memref<1x128xi32, #tpu.memory_space<vmem>> -> memref<128xi32, #tpu.memory_space<vmem>>
      %dma_start3A_432 = arith.constant 0 : i32
      %dma_start3A_433 = arith.constant 0 : i32
      %dma_start3A_434 = tpu.memref_slice %arg4[%dma_start3A_432, %dma_start3A_433] : memref<320000x16xf32, #tpu.memory_space<hbm>> -> memref<320000x16xf32, #tpu.memory_space<hbm>>
      tpu.enqueue_indirect_dma source(%dma_start3A_434 : memref<320000x16xf32, #tpu.memory_space<hbm>>) target(%dma_start3A_428 : memref<128x16xf32, #tpu.memory_space<vmem>>) offsets(%dma_start3A_431 : memref<128xi32, #tpu.memory_space<vmem>>) semaphore(%arg18 : memref<!tpu.dma_semaphore, #tpu.memory_space<semaphore_mem>>)
      %mul3A_435 = arith.constant 2 : i32
      %mul3A_436 = arith.muli %add3A_408, %mul3A_435 : i32
      %add3A_437 = arith.constant 1 : i32
      %add3A_438 = arith.addi %mul3A_436, %add3A_437 : i32
      %dma_start3A_439 = arith.constant 128 : i32
      %dma_start3A_440 = arith.constant 0 : i32
      %dma_start3A_441 = tpu.memref_slice %arg10[%dma_start3A_439, %dma_start3A_440] : memref<256x128xbf16, #tpu.memory_space<vmem>> -> memref<128x128xbf16, #tpu.memory_space<vmem>>
      %dma_start3A_442 = arith.constant 0 : i32
      %dma_start3A_443 = tpu.memref_slice %arg8[%add3A_438, %dma_start3A_442] : memref<124x128xi32, #tpu.memory_space<vmem>> -> memref<1x128xi32, #tpu.memory_space<vmem>>
      %dma_start3A_444 = tpu.memref_squeeze %dma_start3A_443 : memref<1x128xi32, #tpu.memory_space<vmem>> -> memref<128xi32, #tpu.memory_space<vmem>>
      %dma_start3A_445 = arith.constant 0 : i32
      %dma_start3A_446 = arith.constant 0 : i32
      %dma_start3A_447 = tpu.memref_slice %arg2[%dma_start3A_445, %dma_start3A_446] : memref<10000x128xbf16, #tpu.memory_space<hbm>> -> memref<10000x128xbf16, #tpu.memory_space<hbm>>
      tpu.enqueue_indirect_dma source(%dma_start3A_447 : memref<10000x128xbf16, #tpu.memory_space<hbm>>) target(%dma_start3A_441 : memref<128x128xbf16, #tpu.memory_space<vmem>>) offsets(%dma_start3A_444 : memref<128xi32, #tpu.memory_space<vmem>>) semaphore(%arg18 : memref<!tpu.dma_semaphore, #tpu.memory_space<semaphore_mem>>)
      %mul3A_448 = arith.constant 2 : i32
      %mul3A_449 = arith.muli %add3A_408, %mul3A_448 : i32
      %add3A_450 = arith.constant 1 : i32
      %add3A_451 = arith.addi %mul3A_449, %add3A_450 : i32
      %dma_start3A_452 = arith.constant 128 : i32
      %dma_start3A_453 = arith.constant 0 : i32
      %dma_start3A_454 = tpu.memref_slice %arg14[%dma_start3A_452, %dma_start3A_453] : memref<256x16xf32, #tpu.memory_space<vmem>> -> memref<128x16xf32, #tpu.memory_space<vmem>>
      %dma_start3A_455 = arith.constant 0 : i32
      %dma_start3A_456 = tpu.memref_slice %arg9[%add3A_451, %dma_start3A_455] : memref<124x128xi32, #tpu.memory_space<vmem>> -> memref<1x128xi32, #tpu.memory_space<vmem>>
      %dma_start3A_457 = tpu.memref_squeeze %dma_start3A_456 : memref<1x128xi32, #tpu.memory_space<vmem>> -> memref<128xi32, #tpu.memory_space<vmem>>
      %dma_start3A_458 = arith.constant 0 : i32
      %dma_start3A_459 = arith.constant 0 : i32
      %dma_start3A_460 = tpu.memref_slice %arg4[%dma_start3A_458, %dma_start3A_459] : memref<320000x16xf32, #tpu.memory_space<hbm>> -> memref<320000x16xf32, #tpu.memory_space<hbm>>
      tpu.enqueue_indirect_dma source(%dma_start3A_460 : memref<320000x16xf32, #tpu.memory_space<hbm>>) target(%dma_start3A_454 : memref<128x16xf32, #tpu.memory_space<vmem>>) offsets(%dma_start3A_457 : memref<128xi32, #tpu.memory_space<vmem>>) semaphore(%arg18 : memref<!tpu.dma_semaphore, #tpu.memory_space<semaphore_mem>>)
      %add3A_461 = arith.constant 1 : i32
      %add3A_462 = arith.addi %add3A_308, %add3A_461 : i32
      %mul3A_463 = arith.constant 2 : i32
      %mul3A_464 = arith.muli %add3A_462, %mul3A_463 : i32
      %add3A_465 = arith.constant 0 : i32
      %add3A_466 = arith.addi %mul3A_464, %add3A_465 : i32
      %dma_wait3A_467 = arith.constant 0 : i32
      %dma_wait3A_468 = arith.constant 0 : i32
      %dma_wait3A_469 = tpu.memref_slice %arg11[%dma_wait3A_467, %dma_wait3A_468] : memref<256x128xbf16, #tpu.memory_space<vmem>> -> memref<128x128xbf16, #tpu.memory_space<vmem>>
      %dma_wait3A_470 = arith.constant 0 : i32
      %dma_wait3A_471 = tpu.memref_slice %arg8[%add3A_466, %dma_wait3A_470] : memref<124x128xi32, #tpu.memory_space<vmem>> -> memref<1x128xi32, #tpu.memory_space<vmem>>
      %dma_wait3A_472 = tpu.memref_squeeze %dma_wait3A_471 : memref<1x128xi32, #tpu.memory_space<vmem>> -> memref<128xi32, #tpu.memory_space<vmem>>
      %dma_wait3A_473 = arith.constant 0 : i32
      %dma_wait3A_474 = arith.constant 0 : i32
      %dma_wait3A_475 = tpu.memref_slice %arg2[%dma_wait3A_473, %dma_wait3A_474] : memref<10000x128xbf16, #tpu.memory_space<hbm>> -> memref<10000x128xbf16, #tpu.memory_space<hbm>>
      tpu.wait_indirect_dma semaphore(%arg19 : memref<!tpu.dma_semaphore, #tpu.memory_space<semaphore_mem>>) src(%dma_wait3A_475 : memref<10000x128xbf16, #tpu.memory_space<hbm>>) dst(%dma_wait3A_469 : memref<128x128xbf16, #tpu.memory_space<vmem>>)
      %mul3A_476 = arith.constant 2 : i32
      %mul3A_477 = arith.muli %add3A_462, %mul3A_476 : i32
      %add3A_478 = arith.constant 0 : i32
      %add3A_479 = arith.addi %mul3A_477, %add3A_478 : i32
      %dma_wait3A_480 = arith.constant 0 : i32
      %dma_wait3A_481 = arith.constant 0 : i32
      %dma_wait3A_482 = tpu.memref_slice %arg15[%dma_wait3A_480, %dma_wait3A_481] : memref<256x16xf32, #tpu.memory_space<vmem>> -> memref<128x16xf32, #tpu.memory_space<vmem>>
      %dma_wait3A_483 = arith.constant 0 : i32
      %dma_wait3A_484 = tpu.memref_slice %arg9[%add3A_479, %dma_wait3A_483] : memref<124x128xi32, #tpu.memory_space<vmem>> -> memref<1x128xi32, #tpu.memory_space<vmem>>
      %dma_wait3A_485 = tpu.memref_squeeze %dma_wait3A_484 : memref<1x128xi32, #tpu.memory_space<vmem>> -> memref<128xi32, #tpu.memory_space<vmem>>
      %dma_wait3A_486 = arith.constant 0 : i32
      %dma_wait3A_487 = arith.constant 0 : i32
      %dma_wait3A_488 = tpu.memref_slice %arg4[%dma_wait3A_486, %dma_wait3A_487] : memref<320000x16xf32, #tpu.memory_space<hbm>> -> memref<320000x16xf32, #tpu.memory_space<hbm>>
      tpu.wait_indirect_dma semaphore(%arg19 : memref<!tpu.dma_semaphore, #tpu.memory_space<semaphore_mem>>) src(%dma_wait3A_488 : memref<320000x16xf32, #tpu.memory_space<hbm>>) dst(%dma_wait3A_482 : memref<128x16xf32, #tpu.memory_space<vmem>>)
      %mul3A_489 = arith.constant 2 : i32
      %mul3A_490 = arith.muli %add3A_462, %mul3A_489 : i32
      %add3A_491 = arith.constant 1 : i32
      %add3A_492 = arith.addi %mul3A_490, %add3A_491 : i32
      %dma_wait3A_493 = arith.constant 128 : i32
      %dma_wait3A_494 = arith.constant 0 : i32
      %dma_wait3A_495 = tpu.memref_slice %arg11[%dma_wait3A_493, %dma_wait3A_494] : memref<256x128xbf16, #tpu.memory_space<vmem>> -> memref<128x128xbf16, #tpu.memory_space<vmem>>
      %dma_wait3A_496 = arith.constant 0 : i32
      %dma_wait3A_497 = tpu.memref_slice %arg8[%add3A_492, %dma_wait3A_496] : memref<124x128xi32, #tpu.memory_space<vmem>> -> memref<1x128xi32, #tpu.memory_space<vmem>>
      %dma_wait3A_498 = tpu.memref_squeeze %dma_wait3A_497 : memref<1x128xi32, #tpu.memory_space<vmem>> -> memref<128xi32, #tpu.memory_space<vmem>>
      %dma_wait3A_499 = arith.constant 0 : i32
      %dma_wait3A_500 = arith.constant 0 : i32
      %dma_wait3A_501 = tpu.memref_slice %arg2[%dma_wait3A_499, %dma_wait3A_500] : memref<10000x128xbf16, #tpu.memory_space<hbm>> -> memref<10000x128xbf16, #tpu.memory_space<hbm>>
      tpu.wait_indirect_dma semaphore(%arg19 : memref<!tpu.dma_semaphore, #tpu.memory_space<semaphore_mem>>) src(%dma_wait3A_501 : memref<10000x128xbf16, #tpu.memory_space<hbm>>) dst(%dma_wait3A_495 : memref<128x128xbf16, #tpu.memory_space<vmem>>)
      %mul3A_502 = arith.constant 2 : i32
      %mul3A_503 = arith.muli %add3A_462, %mul3A_502 : i32
      %add3A_504 = arith.constant 1 : i32
      %add3A_505 = arith.addi %mul3A_503, %add3A_504 : i32
      %dma_wait3A_506 = arith.constant 128 : i32
      %dma_wait3A_507 = arith.constant 0 : i32
      %dma_wait3A_508 = tpu.memref_slice %arg15[%dma_wait3A_506, %dma_wait3A_507] : memref<256x16xf32, #tpu.memory_space<vmem>> -> memref<128x16xf32, #tpu.memory_space<vmem>>
      %dma_wait3A_509 = arith.constant 0 : i32
      %dma_wait3A_510 = tpu.memref_slice %arg9[%add3A_505, %dma_wait3A_509] : memref<124x128xi32, #tpu.memory_space<vmem>> -> memref<1x128xi32, #tpu.memory_space<vmem>>
      %dma_wait3A_511 = tpu.memref_squeeze %dma_wait3A_510 : memref<1x128xi32, #tpu.memory_space<vmem>> -> memref<128xi32, #tpu.memory_space<vmem>>
      %dma_wait3A_512 = arith.constant 0 : i32
      %dma_wait3A_513 = arith.constant 0 : i32
      %dma_wait3A_514 = tpu.memref_slice %arg4[%dma_wait3A_512, %dma_wait3A_513] : memref<320000x16xf32, #tpu.memory_space<hbm>> -> memref<320000x16xf32, #tpu.memory_space<hbm>>
      tpu.wait_indirect_dma semaphore(%arg19 : memref<!tpu.dma_semaphore, #tpu.memory_space<semaphore_mem>>) src(%dma_wait3A_514 : memref<320000x16xf32, #tpu.memory_space<hbm>>) dst(%dma_wait3A_508 : memref<128x16xf32, #tpu.memory_space<vmem>>)
      %scan3A_515 = arith.constant 0 : i32
      %scan3A_516 = arith.constant 128 : i32
      %scan3A_517 = arith.addi %scan3A_515, %scan3A_516 : i32
      %scan3A_518 = arith.constant 1 : i32
      scf.for %scan3A_613 = %scan3A_515 to %scan3A_517 step %scan3A_518  : i32 {
        %mul3A_614 = arith.constant 1 : i32
        %mul3A_615 = arith.muli %scan3A_613, %mul3A_614 : i32
        %add3A_616 = arith.constant 0 : i32
        %add3A_617 = arith.addi %add3A_616, %mul3A_615 : i32
        %mul3A_618 = arith.constant 2 : i32
        %mul3A_619 = arith.muli %mul3A_618, %add3A_617 : i32
        %get3A = arith.index_cast %mul3A_619 : i32 to index
        %get3A_620 = arith.constant 0 : index
        %get3A_621 = tpu.vector_load %arg11[%get3A, %get3A_620] {strides = array<i32>} : memref<256x128xbf16, #tpu.memory_space<vmem>>, vector<32xbf16>,
        %bitcast3A = vector.bitcast %get3A_621 : vector<32xbf16> to vector<16xf32>
        %swap3A = arith.index_cast %add3A_617 : i32 to index
        %swap3A_622 = arith.constant 0 : index
        %swap3A_623 = tpu.vector_load %arg13[%swap3A, %swap3A_622] {strides = array<i32>} : memref<128x128xf32, #tpu.memory_space<vmem>>, vector<16xf32>,
        tpu.vector_store %arg13[%swap3A, %swap3A_622], %bitcast3A {strides = array<i32>} : memref<128x128xf32, #tpu.memory_space<vmem>>, vector<16xf32>,
        %mul3A_624 = arith.constant 2 : i32
        %mul3A_625 = arith.muli %mul3A_624, %add3A_617 : i32
        %add3A_626 = arith.constant 1 : i32
        %add3A_627 = arith.addi %mul3A_625, %add3A_626 : i32
        %get3A_628 = arith.index_cast %add3A_627 : i32 to index
        %get3A_629 = arith.constant 0 : index
        %get3A_630 = tpu.vector_load %arg11[%get3A_628, %get3A_629] {strides = array<i32>} : memref<256x128xbf16, #tpu.memory_space<vmem>>, vector<32xbf16>,
        %bitcast3A_631 = vector.bitcast %get3A_630 : vector<32xbf16> to vector<16xf32>
        %swap3A_632 = arith.index_cast %add3A_617 : i32 to index
        %swap3A_633 = arith.constant 64 : index
        %swap3A_634 = tpu.vector_load %arg13[%swap3A_632, %swap3A_633] {strides = array<i32>} : memref<128x128xf32, #tpu.memory_space<vmem>>, vector<16xf32>,
        tpu.vector_store %arg13[%swap3A_632, %swap3A_633], %bitcast3A_631 {strides = array<i32>} : memref<128x128xf32, #tpu.memory_space<vmem>>, vector<16xf32>,
        %mul3A_635 = arith.constant 2 : i32
        %mul3A_636 = arith.muli %mul3A_635, %add3A_617 : i32
        %get3A_637 = arith.index_cast %mul3A_636 : i32 to index
        %get3A_638 = arith.constant 32 : index
        %get3A_639 = tpu.vector_load %arg11[%get3A_637, %get3A_638] {strides = array<i32>} : memref<256x128xbf16, #tpu.memory_space<vmem>>, vector<32xbf16>,
        %bitcast3A_640 = vector.bitcast %get3A_639 : vector<32xbf16> to vector<16xf32>
        %swap3A_641 = arith.index_cast %add3A_617 : i32 to index
        %swap3A_642 = arith.constant 16 : index
        %swap3A_643 = tpu.vector_load %arg13[%swap3A_641, %swap3A_642] {strides = array<i32>} : memref<128x128xf32, #tpu.memory_space<vmem>>, vector<16xf32>,
        tpu.vector_store %arg13[%swap3A_641, %swap3A_642], %bitcast3A_640 {strides = array<i32>} : memref<128x128xf32, #tpu.memory_space<vmem>>, vector<16xf32>,
        %mul3A_644 = arith.constant 2 : i32
        %mul3A_645 = arith.muli %mul3A_644, %add3A_617 : i32
        %add3A_646 = arith.constant 1 : i32
        %add3A_647 = arith.addi %mul3A_645, %add3A_646 : i32
        %get3A_648 = arith.index_cast %add3A_647 : i32 to index
        %get3A_649 = arith.constant 32 : index
        %get3A_650 = tpu.vector_load %arg11[%get3A_648, %get3A_649] {strides = array<i32>} : memref<256x128xbf16, #tpu.memory_space<vmem>>, vector<32xbf16>,
        %bitcast3A_651 = vector.bitcast %get3A_650 : vector<32xbf16> to vector<16xf32>
        %swap3A_652 = arith.index_cast %add3A_617 : i32 to index
        %swap3A_653 = arith.constant 80 : index
        %swap3A_654 = tpu.vector_load %arg13[%swap3A_652, %swap3A_653] {strides = array<i32>} : memref<128x128xf32, #tpu.memory_space<vmem>>, vector<16xf32>,
        tpu.vector_store %arg13[%swap3A_652, %swap3A_653], %bitcast3A_651 {strides = array<i32>} : memref<128x128xf32, #tpu.memory_space<vmem>>, vector<16xf32>,
        %mul3A_655 = arith.constant 2 : i32
        %mul3A_656 = arith.muli %mul3A_655, %add3A_617 : i32
        %get3A_657 = arith.index_cast %mul3A_656 : i32 to index
        %get3A_658 = arith.constant 64 : index
        %get3A_659 = tpu.vector_load %arg11[%get3A_657, %get3A_658] {strides = array<i32>} : memref<256x128xbf16, #tpu.memory_space<vmem>>, vector<32xbf16>,
        %bitcast3A_660 = vector.bitcast %get3A_659 : vector<32xbf16> to vector<16xf32>
        %swap3A_661 = arith.index_cast %add3A_617 : i32 to index
        %swap3A_662 = arith.constant 32 : index
        %swap3A_663 = tpu.vector_load %arg13[%swap3A_661, %swap3A_662] {strides = array<i32>} : memref<128x128xf32, #tpu.memory_space<vmem>>, vector<16xf32>,
        tpu.vector_store %arg13[%swap3A_661, %swap3A_662], %bitcast3A_660 {strides = array<i32>} : memref<128x128xf32, #tpu.memory_space<vmem>>, vector<16xf32>,
        %mul3A_664 = arith.constant 2 : i32
        %mul3A_665 = arith.muli %mul3A_664, %add3A_617 : i32
        %add3A_666 = arith.constant 1 : i32
        %add3A_667 = arith.addi %mul3A_665, %add3A_666 : i32
        %get3A_668 = arith.index_cast %add3A_667 : i32 to index
        %get3A_669 = arith.constant 64 : index
        %get3A_670 = tpu.vector_load %arg11[%get3A_668, %get3A_669] {strides = array<i32>} : memref<256x128xbf16, #tpu.memory_space<vmem>>, vector<32xbf16>,
        %bitcast3A_671 = vector.bitcast %get3A_670 : vector<32xbf16> to vector<16xf32>
        %swap3A_672 = arith.index_cast %add3A_617 : i32 to index
        %swap3A_673 = arith.constant 96 : index
        %swap3A_674 = tpu.vector_load %arg13[%swap3A_672, %swap3A_673] {strides = array<i32>} : memref<128x128xf32, #tpu.memory_space<vmem>>, vector<16xf32>,
        tpu.vector_store %arg13[%swap3A_672, %swap3A_673], %bitcast3A_671 {strides = array<i32>} : memref<128x128xf32, #tpu.memory_space<vmem>>, vector<16xf32>,
        %mul3A_675 = arith.constant 2 : i32
        %mul3A_676 = arith.muli %mul3A_675, %add3A_617 : i32
        %get3A_677 = arith.index_cast %mul3A_676 : i32 to index
        %get3A_678 = arith.constant 96 : index
        %get3A_679 = tpu.vector_load %arg11[%get3A_677, %get3A_678] {strides = array<i32>} : memref<256x128xbf16, #tpu.memory_space<vmem>>, vector<32xbf16>,
        %bitcast3A_680 = vector.bitcast %get3A_679 : vector<32xbf16> to vector<16xf32>
        %swap3A_681 = arith.index_cast %add3A_617 : i32 to index
        %swap3A_682 = arith.constant 48 : index
        %swap3A_683 = tpu.vector_load %arg13[%swap3A_681, %swap3A_682] {strides = array<i32>} : memref<128x128xf32, #tpu.memory_space<vmem>>, vector<16xf32>,
        tpu.vector_store %arg13[%swap3A_681, %swap3A_682], %bitcast3A_680 {strides = array<i32>} : memref<128x128xf32, #tpu.memory_space<vmem>>, vector<16xf32>,
        %mul3A_684 = arith.constant 2 : i32
        %mul3A_685 = arith.muli %mul3A_684, %add3A_617 : i32
        %add3A_686 = arith.constant 1 : i32
        %add3A_687 = arith.addi %mul3A_685, %add3A_686 : i32
        %get3A_688 = arith.index_cast %add3A_687 : i32 to index
        %get3A_689 = arith.constant 96 : index
        %get3A_690 = tpu.vector_load %arg11[%get3A_688, %get3A_689] {strides = array<i32>} : memref<256x128xbf16, #tpu.memory_space<vmem>>, vector<32xbf16>,
        %bitcast3A_691 = vector.bitcast %get3A_690 : vector<32xbf16> to vector<16xf32>
        %swap3A_692 = arith.index_cast %add3A_617 : i32 to index
        %swap3A_693 = arith.constant 112 : index
        %swap3A_694 = tpu.vector_load %arg13[%swap3A_692, %swap3A_693] {strides = array<i32>} : memref<128x128xf32, #tpu.memory_space<vmem>>, vector<16xf32>,
        tpu.vector_store %arg13[%swap3A_692, %swap3A_693], %bitcast3A_691 {strides = array<i32>} : memref<128x128xf32, #tpu.memory_space<vmem>>, vector<16xf32>,
      }
      %scan3A_519 = arith.constant 128 : i32
      %scan3A_520 = arith.constant 0 : i32
      %scan3A_521 = arith.constant 32 : i32
      %scan3A_522 = arith.addi %scan3A_520, %scan3A_521 : i32
      %scan3A_523 = arith.constant 1 : i32
      scf.for %scan3A_613 = %scan3A_520 to %scan3A_522 step %scan3A_523  : i32 {
        %mul3A_614 = arith.constant 1 : i32
        %mul3A_615 = arith.muli %scan3A_613, %mul3A_614 : i32
        %add3A_616 = arith.constant 0 : i32
        %add3A_617 = arith.addi %add3A_616, %mul3A_615 : i32
        %mul3A_618 = arith.constant 8 : i32
        %mul3A_619 = arith.muli %mul3A_618, %add3A_617 : i32
        %add3A_620 = arith.constant 0 : i32
        %add3A_621 = arith.addi %mul3A_619, %add3A_620 : i32
        %get3A = arith.index_cast %add3A_621 : i32 to index
        %get3A_622 = arith.constant 0 : index
        %get3A_623 = tpu.vector_load %arg15[%get3A, %get3A_622] {strides = array<i32>} : memref<256x16xf32, #tpu.memory_space<vmem>>, vector<16xf32>,
        %swap3A = arith.index_cast %add3A_617 : i32 to index
        %swap3A_624 = arith.constant 0 : index
        %swap3A_625 = tpu.vector_load %arg17[%swap3A, %swap3A_624] {strides = array<i32>} : memref<32x128xf32, #tpu.memory_space<vmem>>, vector<16xf32>,
        tpu.vector_store %arg17[%swap3A, %swap3A_624], %get3A_623 {strides = array<i32>} : memref<32x128xf32, #tpu.memory_space<vmem>>, vector<16xf32>,
        %mul3A_626 = arith.constant 8 : i32
        %mul3A_627 = arith.muli %mul3A_626, %add3A_617 : i32
        %add3A_628 = arith.constant 1 : i32
        %add3A_629 = arith.addi %mul3A_627, %add3A_628 : i32
        %get3A_630 = arith.index_cast %add3A_629 : i32 to index
        %get3A_631 = arith.constant 0 : index
        %get3A_632 = tpu.vector_load %arg15[%get3A_630, %get3A_631] {strides = array<i32>} : memref<256x16xf32, #tpu.memory_space<vmem>>, vector<16xf32>,
        %swap3A_633 = arith.index_cast %add3A_617 : i32 to index
        %swap3A_634 = arith.constant 16 : index
        %swap3A_635 = tpu.vector_load %arg17[%swap3A_633, %swap3A_634] {strides = array<i32>} : memref<32x128xf32, #tpu.memory_space<vmem>>, vector<16xf32>,
        tpu.vector_store %arg17[%swap3A_633, %swap3A_634], %get3A_632 {strides = array<i32>} : memref<32x128xf32, #tpu.memory_space<vmem>>, vector<16xf32>,
        %mul3A_636 = arith.constant 8 : i32
        %mul3A_637 = arith.muli %mul3A_636, %add3A_617 : i32
        %add3A_638 = arith.constant 2 : i32
        %add3A_639 = arith.addi %mul3A_637, %add3A_638 : i32
        %get3A_640 = arith.index_cast %add3A_639 : i32 to index
        %get3A_641 = arith.constant 0 : index
        %get3A_642 = tpu.vector_load %arg15[%get3A_640, %get3A_641] {strides = array<i32>} : memref<256x16xf32, #tpu.memory_space<vmem>>, vector<16xf32>,
        %swap3A_643 = arith.index_cast %add3A_617 : i32 to index
        %swap3A_644 = arith.constant 32 : index
        %swap3A_645 = tpu.vector_load %arg17[%swap3A_643, %swap3A_644] {strides = array<i32>} : memref<32x128xf32, #tpu.memory_space<vmem>>, vector<16xf32>,
        tpu.vector_store %arg17[%swap3A_643, %swap3A_644], %get3A_642 {strides = array<i32>} : memref<32x128xf32, #tpu.memory_space<vmem>>, vector<16xf32>,
        %mul3A_646 = arith.constant 8 : i32
        %mul3A_647 = arith.muli %mul3A_646, %add3A_617 : i32
        %add3A_648 = arith.constant 3 : i32
        %add3A_649 = arith.addi %mul3A_647, %add3A_648 : i32
        %get3A_650 = arith.index_cast %add3A_649 : i32 to index
        %get3A_651 = arith.constant 0 : index
        %get3A_652 = tpu.vector_load %arg15[%get3A_650, %get3A_651] {strides = array<i32>} : memref<256x16xf32, #tpu.memory_space<vmem>>, vector<16xf32>,
        %swap3A_653 = arith.index_cast %add3A_617 : i32 to index
        %swap3A_654 = arith.constant 48 : index
        %swap3A_655 = tpu.vector_load %arg17[%swap3A_653, %swap3A_654] {strides = array<i32>} : memref<32x128xf32, #tpu.memory_space<vmem>>, vector<16xf32>,
        tpu.vector_store %arg17[%swap3A_653, %swap3A_654], %get3A_652 {strides = array<i32>} : memref<32x128xf32, #tpu.memory_space<vmem>>, vector<16xf32>,
        %mul3A_656 = arith.constant 8 : i32
        %mul3A_657 = arith.muli %mul3A_656, %add3A_617 : i32
        %add3A_658 = arith.constant 4 : i32
        %add3A_659 = arith.addi %mul3A_657, %add3A_658 : i32
        %get3A_660 = arith.index_cast %add3A_659 : i32 to index
        %get3A_661 = arith.constant 0 : index
        %get3A_662 = tpu.vector_load %arg15[%get3A_660, %get3A_661] {strides = array<i32>} : memref<256x16xf32, #tpu.memory_space<vmem>>, vector<16xf32>,
        %swap3A_663 = arith.index_cast %add3A_617 : i32 to index
        %swap3A_664 = arith.constant 64 : index
        %swap3A_665 = tpu.vector_load %arg17[%swap3A_663, %swap3A_664] {strides = array<i32>} : memref<32x128xf32, #tpu.memory_space<vmem>>, vector<16xf32>,
        tpu.vector_store %arg17[%swap3A_663, %swap3A_664], %get3A_662 {strides = array<i32>} : memref<32x128xf32, #tpu.memory_space<vmem>>, vector<16xf32>,
        %mul3A_666 = arith.constant 8 : i32
        %mul3A_667 = arith.muli %mul3A_666, %add3A_617 : i32
        %add3A_668 = arith.constant 5 : i32
        %add3A_669 = arith.addi %mul3A_667, %add3A_668 : i32
        %get3A_670 = arith.index_cast %add3A_669 : i32 to index
        %get3A_671 = arith.constant 0 : index
        %get3A_672 = tpu.vector_load %arg15[%get3A_670, %get3A_671] {strides = array<i32>} : memref<256x16xf32, #tpu.memory_space<vmem>>, vector<16xf32>,
        %swap3A_673 = arith.index_cast %add3A_617 : i32 to index
        %swap3A_674 = arith.constant 80 : index
        %swap3A_675 = tpu.vector_load %arg17[%swap3A_673, %swap3A_674] {strides = array<i32>} : memref<32x128xf32, #tpu.memory_space<vmem>>, vector<16xf32>,
        tpu.vector_store %arg17[%swap3A_673, %swap3A_674], %get3A_672 {strides = array<i32>} : memref<32x128xf32, #tpu.memory_space<vmem>>, vector<16xf32>,
        %mul3A_676 = arith.constant 8 : i32
        %mul3A_677 = arith.muli %mul3A_676, %add3A_617 : i32
        %add3A_678 = arith.constant 6 : i32
        %add3A_679 = arith.addi %mul3A_677, %add3A_678 : i32
        %get3A_680 = arith.index_cast %add3A_679 : i32 to index
        %get3A_681 = arith.constant 0 : index
        %get3A_682 = tpu.vector_load %arg15[%get3A_680, %get3A_681] {strides = array<i32>} : memref<256x16xf32, #tpu.memory_space<vmem>>, vector<16xf32>,
        %swap3A_683 = arith.index_cast %add3A_617 : i32 to index
        %swap3A_684 = arith.constant 96 : index
        %swap3A_685 = tpu.vector_load %arg17[%swap3A_683, %swap3A_684] {strides = array<i32>} : memref<32x128xf32, #tpu.memory_space<vmem>>, vector<16xf32>,
        tpu.vector_store %arg17[%swap3A_683, %swap3A_684], %get3A_682 {strides = array<i32>} : memref<32x128xf32, #tpu.memory_space<vmem>>, vector<16xf32>,
        %mul3A_686 = arith.constant 8 : i32
        %mul3A_687 = arith.muli %mul3A_686, %add3A_617 : i32
        %add3A_688 = arith.constant 7 : i32
        %add3A_689 = arith.addi %mul3A_687, %add3A_688 : i32
        %get3A_690 = arith.index_cast %add3A_689 : i32 to index
        %get3A_691 = arith.constant 0 : index
        %get3A_692 = tpu.vector_load %arg15[%get3A_690, %get3A_691] {strides = array<i32>} : memref<256x16xf32, #tpu.memory_space<vmem>>, vector<16xf32>,
        %swap3A_693 = arith.index_cast %add3A_617 : i32 to index
        %swap3A_694 = arith.constant 112 : index
        %swap3A_695 = tpu.vector_load %arg17[%swap3A_693, %swap3A_694] {strides = array<i32>} : memref<32x128xf32, #tpu.memory_space<vmem>>, vector<16xf32>,
        tpu.vector_store %arg17[%swap3A_693, %swap3A_694], %get3A_692 {strides = array<i32>} : memref<32x128xf32, #tpu.memory_space<vmem>>, vector<16xf32>,
      }
      %scan3A_524 = arith.constant 32 : i32
      %add3A_525 = arith.addi %add3A, %add3A_462 : i32
      %dma_start3A_526 = arith.constant 0 : i32
      %dma_start3A_527 = arith.constant 0 : i32
      %dma_start3A_528 = tpu.memref_slice %arg6[%add3A_525, %dma_start3A_526, %dma_start3A_527] : memref<1280x128x128xf32, #tpu.memory_space<hbm>> -> memref<1x128x128xf32, #tpu.memory_space<hbm>>
      %dma_start3A_529 = tpu.memref_squeeze %dma_start3A_528 : memref<1x128x128xf32, #tpu.memory_space<hbm>> -> memref<128x128xf32, #tpu.memory_space<hbm>>
      %dma_start3A_530 = arith.constant 0 : i32
      %dma_start3A_531 = arith.constant 0 : i32
      %dma_start3A_532 = tpu.memref_slice %arg6[%add3A_525, %dma_start3A_530, %dma_start3A_531] : memref<1280x128x128xf32, #tpu.memory_space<hbm>> -> memref<1x128x128xf32, #tpu.memory_space<hbm>>
      %dma_start3A_533 = tpu.memref_squeeze %dma_start3A_532 : memref<1x128x128xf32, #tpu.memory_space<hbm>> -> memref<128x128xf32, #tpu.memory_space<hbm>>
      tpu.enqueue_dma source(%arg13 : memref<128x128xf32, #tpu.memory_space<vmem>>) target(%dma_start3A_533 : memref<128x128xf32, #tpu.memory_space<hbm>>) target_semaphore(%arg21 : memref<!tpu.dma_semaphore, #tpu.memory_space<semaphore_mem>>)
      %dma_start3A_534 = arith.constant 0 : i32
      %dma_start3A_535 = arith.constant 0 : i32
      %dma_start3A_536 = tpu.memref_slice %arg7[%add3A_525, %dma_start3A_534, %dma_start3A_535] : memref<1280x32x128xf32, #tpu.memory_space<hbm>> -> memref<1x32x128xf32, #tpu.memory_space<hbm>>
      %dma_start3A_537 = tpu.memref_squeeze %dma_start3A_536 : memref<1x32x128xf32, #tpu.memory_space<hbm>> -> memref<32x128xf32, #tpu.memory_space<hbm>>
      %dma_start3A_538 = arith.constant 0 : i32
      %dma_start3A_539 = arith.constant 0 : i32
      %dma_start3A_540 = tpu.memref_slice %arg7[%add3A_525, %dma_start3A_538, %dma_start3A_539] : memref<1280x32x128xf32, #tpu.memory_space<hbm>> -> memref<1x32x128xf32, #tpu.memory_space<hbm>>
      %dma_start3A_541 = tpu.memref_squeeze %dma_start3A_540 : memref<1x32x128xf32, #tpu.memory_space<hbm>> -> memref<32x128xf32, #tpu.memory_space<hbm>>
      tpu.enqueue_dma source(%arg17 : memref<32x128xf32, #tpu.memory_space<vmem>>) target(%dma_start3A_541 : memref<32x128xf32, #tpu.memory_space<hbm>>) target_semaphore(%arg21 : memref<!tpu.dma_semaphore, #tpu.memory_space<semaphore_mem>>)
      %add3A_542 = arith.addi %add3A, %add3A_462 : i32
      %dma_wait3A_543 = arith.constant 0 : i32
      %dma_wait3A_544 = arith.constant 0 : i32
      %dma_wait3A_545 = tpu.memref_slice %arg6[%add3A_542, %dma_wait3A_543, %dma_wait3A_544] : memref<1280x128x128xf32, #tpu.memory_space<hbm>> -> memref<1x128x128xf32, #tpu.memory_space<hbm>>
      %dma_wait3A_546 = tpu.memref_squeeze %dma_wait3A_545 : memref<1x128x128xf32, #tpu.memory_space<hbm>> -> memref<128x128xf32, #tpu.memory_space<hbm>>
      %dma_wait3A_547 = arith.constant 0 : i32
      %dma_wait3A_548 = arith.constant 0 : i32
      %dma_wait3A_549 = tpu.memref_slice %arg6[%add3A_542, %dma_wait3A_547, %dma_wait3A_548] : memref<1280x128x128xf32, #tpu.memory_space<hbm>> -> memref<1x128x128xf32, #tpu.memory_space<hbm>>
      %dma_wait3A_550 = tpu.memref_squeeze %dma_wait3A_549 : memref<1x128x128xf32, #tpu.memory_space<hbm>> -> memref<128x128xf32, #tpu.memory_space<hbm>>
      tpu.wait_dma2 semaphore(%arg21 : memref<!tpu.dma_semaphore, #tpu.memory_space<semaphore_mem>>) src(%arg13 : memref<128x128xf32, #tpu.memory_space<vmem>>) dst(%dma_wait3A_550 : memref<128x128xf32, #tpu.memory_space<hbm>>)
      %dma_wait3A_551 = arith.constant 0 : i32
      %dma_wait3A_552 = arith.constant 0 : i32
      %dma_wait3A_553 = tpu.memref_slice %arg7[%add3A_542, %dma_wait3A_551, %dma_wait3A_552] : memref<1280x32x128xf32, #tpu.memory_space<hbm>> -> memref<1x32x128xf32, #tpu.memory_space<hbm>>
      %dma_wait3A_554 = tpu.memref_squeeze %dma_wait3A_553 : memref<1x32x128xf32, #tpu.memory_space<hbm>> -> memref<32x128xf32, #tpu.memory_space<hbm>>
      %dma_wait3A_555 = arith.constant 0 : i32
      %dma_wait3A_556 = arith.constant 0 : i32
      %dma_wait3A_557 = tpu.memref_slice %arg7[%add3A_542, %dma_wait3A_555, %dma_wait3A_556] : memref<1280x32x128xf32, #tpu.memory_space<hbm>> -> memref<1x32x128xf32, #tpu.memory_space<hbm>>
      %dma_wait3A_558 = tpu.memref_squeeze %dma_wait3A_557 : memref<1x32x128xf32, #tpu.memory_space<hbm>> -> memref<32x128xf32, #tpu.memory_space<hbm>>
      tpu.wait_dma2 semaphore(%arg21 : memref<!tpu.dma_semaphore, #tpu.memory_space<semaphore_mem>>) src(%arg17 : memref<32x128xf32, #tpu.memory_space<vmem>>) dst(%dma_wait3A_558 : memref<32x128xf32, #tpu.memory_space<hbm>>)
      %add3A_559 = arith.constant 2 : i32
      %add3A_560 = arith.addi %add3A_462, %add3A_559 : i32
      %mul3A_561 = arith.constant 2 : i32
      %mul3A_562 = arith.muli %add3A_560, %mul3A_561 : i32
      %add3A_563 = arith.constant 0 : i32
      %add3A_564 = arith.addi %mul3A_562, %add3A_563 : i32
      %dma_start3A_565 = arith.constant 0 : i32
      %dma_start3A_566 = arith.constant 0 : i32
      %dma_start3A_567 = tpu.memref_slice %arg11[%dma_start3A_565, %dma_start3A_566] : memref<256x128xbf16, #tpu.memory_space<vmem>> -> memref<128x128xbf16, #tpu.memory_space<vmem>>
      %dma_start3A_568 = arith.constant 0 : i32
      %dma_start3A_569 = tpu.memref_slice %arg8[%add3A_564, %dma_start3A_568] : memref<124x128xi32, #tpu.memory_space<vmem>> -> memref<1x128xi32, #tpu.memory_space<vmem>>
      %dma_start3A_570 = tpu.memref_squeeze %dma_start3A_569 : memref<1x128xi32, #tpu.memory_space<vmem>> -> memref<128xi32, #tpu.memory_space<vmem>>
      %dma_start3A_571 = arith.constant 0 : i32
      %dma_start3A_572 = arith.constant 0 : i32
      %dma_start3A_573 = tpu.memref_slice %arg2[%dma_start3A_571, %dma_start3A_572] : memref<10000x128xbf16, #tpu.memory_space<hbm>> -> memref<10000x128xbf16, #tpu.memory_space<hbm>>
      tpu.enqueue_indirect_dma source(%dma_start3A_573 : memref<10000x128xbf16, #tpu.memory_space<hbm>>) target(%dma_start3A_567 : memref<128x128xbf16, #tpu.memory_space<vmem>>) offsets(%dma_start3A_570 : memref<128xi32, #tpu.memory_space<vmem>>) semaphore(%arg19 : memref<!tpu.dma_semaphore, #tpu.memory_space<semaphore_mem>>)
      %mul3A_574 = arith.constant 2 : i32
      %mul3A_575 = arith.muli %add3A_560, %mul3A_574 : i32
      %add3A_576 = arith.constant 0 : i32
      %add3A_577 = arith.addi %mul3A_575, %add3A_576 : i32
      %dma_start3A_578 = arith.constant 0 : i32
      %dma_start3A_579 = arith.constant 0 : i32
      %dma_start3A_580 = tpu.memref_slice %arg15[%dma_start3A_578, %dma_start3A_579] : memref<256x16xf32, #tpu.memory_space<vmem>> -> memref<128x16xf32, #tpu.memory_space<vmem>>
      %dma_start3A_581 = arith.constant 0 : i32
      %dma_start3A_582 = tpu.memref_slice %arg9[%add3A_577, %dma_start3A_581] : memref<124x128xi32, #tpu.memory_space<vmem>> -> memref<1x128xi32, #tpu.memory_space<vmem>>
      %dma_start3A_583 = tpu.memref_squeeze %dma_start3A_582 : memref<1x128xi32, #tpu.memory_space<vmem>> -> memref<128xi32, #tpu.memory_space<vmem>>
      %dma_start3A_584 = arith.constant 0 : i32
      %dma_start3A_585 = arith.constant 0 : i32
      %dma_start3A_586 = tpu.memref_slice %arg4[%dma_start3A_584, %dma_start3A_585] : memref<320000x16xf32, #tpu.memory_space<hbm>> -> memref<320000x16xf32, #tpu.memory_space<hbm>>
      tpu.enqueue_indirect_dma source(%dma_start3A_586 : memref<320000x16xf32, #tpu.memory_space<hbm>>) target(%dma_start3A_580 : memref<128x16xf32, #tpu.memory_space<vmem>>) offsets(%dma_start3A_583 : memref<128xi32, #tpu.memory_space<vmem>>) semaphore(%arg19 : memref<!tpu.dma_semaphore, #tpu.memory_space<semaphore_mem>>)
      %mul3A_587 = arith.constant 2 : i32
      %mul3A_588 = arith.muli %add3A_560, %mul3A_587 : i32
      %add3A_589 = arith.constant 1 : i32
      %add3A_590 = arith.addi %mul3A_588, %add3A_589 : i32
      %dma_start3A_591 = arith.constant 128 : i32
      %dma_start3A_592 = arith.constant 0 : i32
      %dma_start3A_593 = tpu.memref_slice %arg11[%dma_start3A_591, %dma_start3A_592] : memref<256x128xbf16, #tpu.memory_space<vmem>> -> memref<128x128xbf16, #tpu.memory_space<vmem>>
      %dma_start3A_594 = arith.constant 0 : i32
      %dma_start3A_595 = tpu.memref_slice %arg8[%add3A_590, %dma_start3A_594] : memref<124x128xi32, #tpu.memory_space<vmem>> -> memref<1x128xi32, #tpu.memory_space<vmem>>
      %dma_start3A_596 = tpu.memref_squeeze %dma_start3A_595 : memref<1x128xi32, #tpu.memory_space<vmem>> -> memref<128xi32, #tpu.memory_space<vmem>>
      %dma_start3A_597 = arith.constant 0 : i32
      %dma_start3A_598 = arith.constant 0 : i32
      %dma_start3A_599 = tpu.memref_slice %arg2[%dma_start3A_597, %dma_start3A_598] : memref<10000x128xbf16, #tpu.memory_space<hbm>> -> memref<10000x128xbf16, #tpu.memory_space<hbm>>
      tpu.enqueue_indirect_dma source(%dma_start3A_599 : memref<10000x128xbf16, #tpu.memory_space<hbm>>) target(%dma_start3A_593 : memref<128x128xbf16, #tpu.memory_space<vmem>>) offsets(%dma_start3A_596 : memref<128xi32, #tpu.memory_space<vmem>>) semaphore(%arg19 : memref<!tpu.dma_semaphore, #tpu.memory_space<semaphore_mem>>)
      %mul3A_600 = arith.constant 2 : i32
      %mul3A_601 = arith.muli %add3A_560, %mul3A_600 : i32
      %add3A_602 = arith.constant 1 : i32
      %add3A_603 = arith.addi %mul3A_601, %add3A_602 : i32
      %dma_start3A_604 = arith.constant 128 : i32
      %dma_start3A_605 = arith.constant 0 : i32
      %dma_start3A_606 = tpu.memref_slice %arg15[%dma_start3A_604, %dma_start3A_605] : memref<256x16xf32, #tpu.memory_space<vmem>> -> memref<128x16xf32, #tpu.memory_space<vmem>>
      %dma_start3A_607 = arith.constant 0 : i32
      %dma_start3A_608 = tpu.memref_slice %arg9[%add3A_603, %dma_start3A_607] : memref<124x128xi32, #tpu.memory_space<vmem>> -> memref<1x128xi32, #tpu.memory_space<vmem>>
      %dma_start3A_609 = tpu.memref_squeeze %dma_start3A_608 : memref<1x128xi32, #tpu.memory_space<vmem>> -> memref<128xi32, #tpu.memory_space<vmem>>
      %dma_start3A_610 = arith.constant 0 : i32
      %dma_start3A_611 = arith.constant 0 : i32
      %dma_start3A_612 = tpu.memref_slice %arg4[%dma_start3A_610, %dma_start3A_611] : memref<320000x16xf32, #tpu.memory_space<hbm>> -> memref<320000x16xf32, #tpu.memory_space<hbm>>
      tpu.enqueue_indirect_dma source(%dma_start3A_612 : memref<320000x16xf32, #tpu.memory_space<hbm>>) target(%dma_start3A_606 : memref<128x16xf32, #tpu.memory_space<vmem>>) offsets(%dma_start3A_609 : memref<128xi32, #tpu.memory_space<vmem>>) semaphore(%arg19 : memref<!tpu.dma_semaphore, #tpu.memory_space<semaphore_mem>>)
    }
    %while3A_107 = arith.constant 1 : i32
    scf.for %while3A_306 = %while3A_105 to %while3A_101 step %while3A_107  : i32 {
      %mul3A_307 = arith.muli %while3A_306, %while3A : i32
      %add3A_308 = arith.addi %while3A_98, %mul3A_307 : i32
      %add3A_309 = arith.constant 0 : i32
      %add3A_310 = arith.addi %add3A_308, %add3A_309 : i32
      %mul3A_311 = arith.constant 2 : i32
      %mul3A_312 = arith.muli %add3A_310, %mul3A_311 : i32
      %add3A_313 = arith.constant 0 : i32
      %add3A_314 = arith.addi %mul3A_312, %add3A_313 : i32
      %dma_wait3A_315 = arith.constant 0 : i32
      %dma_wait3A_316 = arith.constant 0 : i32
      %dma_wait3A_317 = tpu.memref_slice %arg10[%dma_wait3A_315, %dma_wait3A_316] : memref<256x128xbf16, #tpu.memory_space<vmem>> -> memref<128x128xbf16, #tpu.memory_space<vmem>>
      %dma_wait3A_318 = arith.constant 0 : i32
      %dma_wait3A_319 = tpu.memref_slice %arg8[%add3A_314, %dma_wait3A_318] : memref<124x128xi32, #tpu.memory_space<vmem>> -> memref<1x128xi32, #tpu.memory_space<vmem>>
      %dma_wait3A_320 = tpu.memref_squeeze %dma_wait3A_319 : memref<1x128xi32, #tpu.memory_space<vmem>> -> memref<128xi32, #tpu.memory_space<vmem>>
      %dma_wait3A_321 = arith.constant 0 : i32
      %dma_wait3A_322 = arith.constant 0 : i32
      %dma_wait3A_323 = tpu.memref_slice %arg2[%dma_wait3A_321, %dma_wait3A_322] : memref<10000x128xbf16, #tpu.memory_space<hbm>> -> memref<10000x128xbf16, #tpu.memory_space<hbm>>
      tpu.wait_indirect_dma semaphore(%arg18 : memref<!tpu.dma_semaphore, #tpu.memory_space<semaphore_mem>>) src(%dma_wait3A_323 : memref<10000x128xbf16, #tpu.memory_space<hbm>>) dst(%dma_wait3A_317 : memref<128x128xbf16, #tpu.memory_space<vmem>>)
      %mul3A_324 = arith.constant 2 : i32
      %mul3A_325 = arith.muli %add3A_310, %mul3A_324 : i32
      %add3A_326 = arith.constant 0 : i32
      %add3A_327 = arith.addi %mul3A_325, %add3A_326 : i32
      %dma_wait3A_328 = arith.constant 0 : i32
      %dma_wait3A_329 = arith.constant 0 : i32
      %dma_wait3A_330 = tpu.memref_slice %arg14[%dma_wait3A_328, %dma_wait3A_329] : memref<256x16xf32, #tpu.memory_space<vmem>> -> memref<128x16xf32, #tpu.memory_space<vmem>>
      %dma_wait3A_331 = arith.constant 0 : i32
      %dma_wait3A_332 = tpu.memref_slice %arg9[%add3A_327, %dma_wait3A_331] : memref<124x128xi32, #tpu.memory_space<vmem>> -> memref<1x128xi32, #tpu.memory_space<vmem>>
      %dma_wait3A_333 = tpu.memref_squeeze %dma_wait3A_332 : memref<1x128xi32, #tpu.memory_space<vmem>> -> memref<128xi32, #tpu.memory_space<vmem>>
      %dma_wait3A_334 = arith.constant 0 : i32
      %dma_wait3A_335 = arith.constant 0 : i32
      %dma_wait3A_336 = tpu.memref_slice %arg4[%dma_wait3A_334, %dma_wait3A_335] : memref<320000x16xf32, #tpu.memory_space<hbm>> -> memref<320000x16xf32, #tpu.memory_space<hbm>>
      tpu.wait_indirect_dma semaphore(%arg18 : memref<!tpu.dma_semaphore, #tpu.memory_space<semaphore_mem>>) src(%dma_wait3A_336 : memref<320000x16xf32, #tpu.memory_space<hbm>>) dst(%dma_wait3A_330 : memref<128x16xf32, #tpu.memory_space<vmem>>)
      %mul3A_337 = arith.constant 2 : i32
      %mul3A_338 = arith.muli %add3A_310, %mul3A_337 : i32
      %add3A_339 = arith.constant 1 : i32
      %add3A_340 = arith.addi %mul3A_338, %add3A_339 : i32
      %dma_wait3A_341 = arith.constant 128 : i32
      %dma_wait3A_342 = arith.constant 0 : i32
      %dma_wait3A_343 = tpu.memref_slice %arg10[%dma_wait3A_341, %dma_wait3A_342] : memref<256x128xbf16, #tpu.memory_space<vmem>> -> memref<128x128xbf16, #tpu.memory_space<vmem>>
      %dma_wait3A_344 = arith.constant 0 : i32
      %dma_wait3A_345 = tpu.memref_slice %arg8[%add3A_340, %dma_wait3A_344] : memref<124x128xi32, #tpu.memory_space<vmem>> -> memref<1x128xi32, #tpu.memory_space<vmem>>
      %dma_wait3A_346 = tpu.memref_squeeze %dma_wait3A_345 : memref<1x128xi32, #tpu.memory_space<vmem>> -> memref<128xi32, #tpu.memory_space<vmem>>
      %dma_wait3A_347 = arith.constant 0 : i32
      %dma_wait3A_348 = arith.constant 0 : i32
      %dma_wait3A_349 = tpu.memref_slice %arg2[%dma_wait3A_347, %dma_wait3A_348] : memref<10000x128xbf16, #tpu.memory_space<hbm>> -> memref<10000x128xbf16, #tpu.memory_space<hbm>>
      tpu.wait_indirect_dma semaphore(%arg18 : memref<!tpu.dma_semaphore, #tpu.memory_space<semaphore_mem>>) src(%dma_wait3A_349 : memref<10000x128xbf16, #tpu.memory_space<hbm>>) dst(%dma_wait3A_343 : memref<128x128xbf16, #tpu.memory_space<vmem>>)
      %mul3A_350 = arith.constant 2 : i32
      %mul3A_351 = arith.muli %add3A_310, %mul3A_350 : i32
      %add3A_352 = arith.constant 1 : i32
      %add3A_353 = arith.addi %mul3A_351, %add3A_352 : i32
      %dma_wait3A_354 = arith.constant 128 : i32
      %dma_wait3A_355 = arith.constant 0 : i32
      %dma_wait3A_356 = tpu.memref_slice %arg14[%dma_wait3A_354, %dma_wait3A_355] : memref<256x16xf32, #tpu.memory_space<vmem>> -> memref<128x16xf32, #tpu.memory_space<vmem>>
      %dma_wait3A_357 = arith.constant 0 : i32
      %dma_wait3A_358 = tpu.memref_slice %arg9[%add3A_353, %dma_wait3A_357] : memref<124x128xi32, #tpu.memory_space<vmem>> -> memref<1x128xi32, #tpu.memory_space<vmem>>
      %dma_wait3A_359 = tpu.memref_squeeze %dma_wait3A_358 : memref<1x128xi32, #tpu.memory_space<vmem>> -> memref<128xi32, #tpu.memory_space<vmem>>
      %dma_wait3A_360 = arith.constant 0 : i32
      %dma_wait3A_361 = arith.constant 0 : i32
      %dma_wait3A_362 = tpu.memref_slice %arg4[%dma_wait3A_360, %dma_wait3A_361] : memref<320000x16xf32, #tpu.memory_space<hbm>> -> memref<320000x16xf32, #tpu.memory_space<hbm>>
      tpu.wait_indirect_dma semaphore(%arg18 : memref<!tpu.dma_semaphore, #tpu.memory_space<semaphore_mem>>) src(%dma_wait3A_362 : memref<320000x16xf32, #tpu.memory_space<hbm>>) dst(%dma_wait3A_356 : memref<128x16xf32, #tpu.memory_space<vmem>>)
      %scan3A_363 = arith.constant 0 : i32
      %scan3A_364 = arith.constant 128 : i32
      %scan3A_365 = arith.addi %scan3A_363, %scan3A_364 : i32
      %scan3A_366 = arith.constant 1 : i32
      scf.for %scan3A_613 = %scan3A_363 to %scan3A_365 step %scan3A_366  : i32 {
        %mul3A_614 = arith.constant 1 : i32
        %mul3A_615 = arith.muli %scan3A_613, %mul3A_614 : i32
        %add3A_616 = arith.constant 0 : i32
        %add3A_617 = arith.addi %add3A_616, %mul3A_615 : i32
        %mul3A_618 = arith.constant 2 : i32
        %mul3A_619 = arith.muli %mul3A_618, %add3A_617 : i32
        %get3A = arith.index_cast %mul3A_619 : i32 to index
        %get3A_620 = arith.constant 0 : index
        %get3A_621 = tpu.vector_load %arg10[%get3A, %get3A_620] {strides = array<i32>} : memref<256x128xbf16, #tpu.memory_space<vmem>>, vector<32xbf16>,
        %bitcast3A = vector.bitcast %get3A_621 : vector<32xbf16> to vector<16xf32>
        %swap3A = arith.index_cast %add3A_617 : i32 to index
        %swap3A_622 = arith.constant 0 : index
        %swap3A_623 = tpu.vector_load %arg12[%swap3A, %swap3A_622] {strides = array<i32>} : memref<128x128xf32, #tpu.memory_space<vmem>>, vector<16xf32>,
        tpu.vector_store %arg12[%swap3A, %swap3A_622], %bitcast3A {strides = array<i32>} : memref<128x128xf32, #tpu.memory_space<vmem>>, vector<16xf32>,
        %mul3A_624 = arith.constant 2 : i32
        %mul3A_625 = arith.muli %mul3A_624, %add3A_617 : i32
        %add3A_626 = arith.constant 1 : i32
        %add3A_627 = arith.addi %mul3A_625, %add3A_626 : i32
        %get3A_628 = arith.index_cast %add3A_627 : i32 to index
        %get3A_629 = arith.constant 0 : index
        %get3A_630 = tpu.vector_load %arg10[%get3A_628, %get3A_629] {strides = array<i32>} : memref<256x128xbf16, #tpu.memory_space<vmem>>, vector<32xbf16>,
        %bitcast3A_631 = vector.bitcast %get3A_630 : vector<32xbf16> to vector<16xf32>
        %swap3A_632 = arith.index_cast %add3A_617 : i32 to index
        %swap3A_633 = arith.constant 64 : index
        %swap3A_634 = tpu.vector_load %arg12[%swap3A_632, %swap3A_633] {strides = array<i32>} : memref<128x128xf32, #tpu.memory_space<vmem>>, vector<16xf32>,
        tpu.vector_store %arg12[%swap3A_632, %swap3A_633], %bitcast3A_631 {strides = array<i32>} : memref<128x128xf32, #tpu.memory_space<vmem>>, vector<16xf32>,
        %mul3A_635 = arith.constant 2 : i32
        %mul3A_636 = arith.muli %mul3A_635, %add3A_617 : i32
        %get3A_637 = arith.index_cast %mul3A_636 : i32 to index
        %get3A_638 = arith.constant 32 : index
        %get3A_639 = tpu.vector_load %arg10[%get3A_637, %get3A_638] {strides = array<i32>} : memref<256x128xbf16, #tpu.memory_space<vmem>>, vector<32xbf16>,
        %bitcast3A_640 = vector.bitcast %get3A_639 : vector<32xbf16> to vector<16xf32>
        %swap3A_641 = arith.index_cast %add3A_617 : i32 to index
        %swap3A_642 = arith.constant 16 : index
        %swap3A_643 = tpu.vector_load %arg12[%swap3A_641, %swap3A_642] {strides = array<i32>} : memref<128x128xf32, #tpu.memory_space<vmem>>, vector<16xf32>,
        tpu.vector_store %arg12[%swap3A_641, %swap3A_642], %bitcast3A_640 {strides = array<i32>} : memref<128x128xf32, #tpu.memory_space<vmem>>, vector<16xf32>,
        %mul3A_644 = arith.constant 2 : i32
        %mul3A_645 = arith.muli %mul3A_644, %add3A_617 : i32
        %add3A_646 = arith.constant 1 : i32
        %add3A_647 = arith.addi %mul3A_645, %add3A_646 : i32
        %get3A_648 = arith.index_cast %add3A_647 : i32 to index
        %get3A_649 = arith.constant 32 : index
        %get3A_650 = tpu.vector_load %arg10[%get3A_648, %get3A_649] {strides = array<i32>} : memref<256x128xbf16, #tpu.memory_space<vmem>>, vector<32xbf16>,
        %bitcast3A_651 = vector.bitcast %get3A_650 : vector<32xbf16> to vector<16xf32>
        %swap3A_652 = arith.index_cast %add3A_617 : i32 to index
        %swap3A_653 = arith.constant 80 : index
        %swap3A_654 = tpu.vector_load %arg12[%swap3A_652, %swap3A_653] {strides = array<i32>} : memref<128x128xf32, #tpu.memory_space<vmem>>, vector<16xf32>,
        tpu.vector_store %arg12[%swap3A_652, %swap3A_653], %bitcast3A_651 {strides = array<i32>} : memref<128x128xf32, #tpu.memory_space<vmem>>, vector<16xf32>,
        %mul3A_655 = arith.constant 2 : i32
        %mul3A_656 = arith.muli %mul3A_655, %add3A_617 : i32
        %get3A_657 = arith.index_cast %mul3A_656 : i32 to index
        %get3A_658 = arith.constant 64 : index
        %get3A_659 = tpu.vector_load %arg10[%get3A_657, %get3A_658] {strides = array<i32>} : memref<256x128xbf16, #tpu.memory_space<vmem>>, vector<32xbf16>,
        %bitcast3A_660 = vector.bitcast %get3A_659 : vector<32xbf16> to vector<16xf32>
        %swap3A_661 = arith.index_cast %add3A_617 : i32 to index
        %swap3A_662 = arith.constant 32 : index
        %swap3A_663 = tpu.vector_load %arg12[%swap3A_661, %swap3A_662] {strides = array<i32>} : memref<128x128xf32, #tpu.memory_space<vmem>>, vector<16xf32>,
        tpu.vector_store %arg12[%swap3A_661, %swap3A_662], %bitcast3A_660 {strides = array<i32>} : memref<128x128xf32, #tpu.memory_space<vmem>>, vector<16xf32>,
        %mul3A_664 = arith.constant 2 : i32
        %mul3A_665 = arith.muli %mul3A_664, %add3A_617 : i32
        %add3A_666 = arith.constant 1 : i32
        %add3A_667 = arith.addi %mul3A_665, %add3A_666 : i32
        %get3A_668 = arith.index_cast %add3A_667 : i32 to index
        %get3A_669 = arith.constant 64 : index
        %get3A_670 = tpu.vector_load %arg10[%get3A_668, %get3A_669] {strides = array<i32>} : memref<256x128xbf16, #tpu.memory_space<vmem>>, vector<32xbf16>,
        %bitcast3A_671 = vector.bitcast %get3A_670 : vector<32xbf16> to vector<16xf32>
        %swap3A_672 = arith.index_cast %add3A_617 : i32 to index
        %swap3A_673 = arith.constant 96 : index
        %swap3A_674 = tpu.vector_load %arg12[%swap3A_672, %swap3A_673] {strides = array<i32>} : memref<128x128xf32, #tpu.memory_space<vmem>>, vector<16xf32>,
        tpu.vector_store %arg12[%swap3A_672, %swap3A_673], %bitcast3A_671 {strides = array<i32>} : memref<128x128xf32, #tpu.memory_space<vmem>>, vector<16xf32>,
        %mul3A_675 = arith.constant 2 : i32
        %mul3A_676 = arith.muli %mul3A_675, %add3A_617 : i32
        %get3A_677 = arith.index_cast %mul3A_676 : i32 to index
        %get3A_678 = arith.constant 96 : index
        %get3A_679 = tpu.vector_load %arg10[%get3A_677, %get3A_678] {strides = array<i32>} : memref<256x128xbf16, #tpu.memory_space<vmem>>, vector<32xbf16>,
        %bitcast3A_680 = vector.bitcast %get3A_679 : vector<32xbf16> to vector<16xf32>
        %swap3A_681 = arith.index_cast %add3A_617 : i32 to index
        %swap3A_682 = arith.constant 48 : index
        %swap3A_683 = tpu.vector_load %arg12[%swap3A_681, %swap3A_682] {strides = array<i32>} : memref<128x128xf32, #tpu.memory_space<vmem>>, vector<16xf32>,
        tpu.vector_store %arg12[%swap3A_681, %swap3A_682], %bitcast3A_680 {strides = array<i32>} : memref<128x128xf32, #tpu.memory_space<vmem>>, vector<16xf32>,
        %mul3A_684 = arith.constant 2 : i32
        %mul3A_685 = arith.muli %mul3A_684, %add3A_617 : i32
        %add3A_686 = arith.constant 1 : i32
        %add3A_687 = arith.addi %mul3A_685, %add3A_686 : i32
        %get3A_688 = arith.index_cast %add3A_687 : i32 to index
        %get3A_689 = arith.constant 96 : index
        %get3A_690 = tpu.vector_load %arg10[%get3A_688, %get3A_689] {strides = array<i32>} : memref<256x128xbf16, #tpu.memory_space<vmem>>, vector<32xbf16>,
        %bitcast3A_691 = vector.bitcast %get3A_690 : vector<32xbf16> to vector<16xf32>
        %swap3A_692 = arith.index_cast %add3A_617 : i32 to index
        %swap3A_693 = arith.constant 112 : index
        %swap3A_694 = tpu.vector_load %arg12[%swap3A_692, %swap3A_693] {strides = array<i32>} : memref<128x128xf32, #tpu.memory_space<vmem>>, vector<16xf32>,
        tpu.vector_store %arg12[%swap3A_692, %swap3A_693], %bitcast3A_691 {strides = array<i32>} : memref<128x128xf32, #tpu.memory_space<vmem>>, vector<16xf32>,
      }
      %scan3A_367 = arith.constant 128 : i32
      %scan3A_368 = arith.constant 0 : i32
      %scan3A_369 = arith.constant 32 : i32
      %scan3A_370 = arith.addi %scan3A_368, %scan3A_369 : i32
      %scan3A_371 = arith.constant 1 : i32
      scf.for %scan3A_613 = %scan3A_368 to %scan3A_370 step %scan3A_371  : i32 {
        %mul3A_614 = arith.constant 1 : i32
        %mul3A_615 = arith.muli %scan3A_613, %mul3A_614 : i32
        %add3A_616 = arith.constant 0 : i32
        %add3A_617 = arith.addi %add3A_616, %mul3A_615 : i32
        %mul3A_618 = arith.constant 8 : i32
        %mul3A_619 = arith.muli %mul3A_618, %add3A_617 : i32
        %add3A_620 = arith.constant 0 : i32
        %add3A_621 = arith.addi %mul3A_619, %add3A_620 : i32
        %get3A = arith.index_cast %add3A_621 : i32 to index
        %get3A_622 = arith.constant 0 : index
        %get3A_623 = tpu.vector_load %arg14[%get3A, %get3A_622] {strides = array<i32>} : memref<256x16xf32, #tpu.memory_space<vmem>>, vector<16xf32>,
        %swap3A = arith.index_cast %add3A_617 : i32 to index
        %swap3A_624 = arith.constant 0 : index
        %swap3A_625 = tpu.vector_load %arg16[%swap3A, %swap3A_624] {strides = array<i32>} : memref<32x128xf32, #tpu.memory_space<vmem>>, vector<16xf32>,
        tpu.vector_store %arg16[%swap3A, %swap3A_624], %get3A_623 {strides = array<i32>} : memref<32x128xf32, #tpu.memory_space<vmem>>, vector<16xf32>,
        %mul3A_626 = arith.constant 8 : i32
        %mul3A_627 = arith.muli %mul3A_626, %add3A_617 : i32
        %add3A_628 = arith.constant 1 : i32
        %add3A_629 = arith.addi %mul3A_627, %add3A_628 : i32
        %get3A_630 = arith.index_cast %add3A_629 : i32 to index
        %get3A_631 = arith.constant 0 : index
        %get3A_632 = tpu.vector_load %arg14[%get3A_630, %get3A_631] {strides = array<i32>} : memref<256x16xf32, #tpu.memory_space<vmem>>, vector<16xf32>,
        %swap3A_633 = arith.index_cast %add3A_617 : i32 to index
        %swap3A_634 = arith.constant 16 : index
        %swap3A_635 = tpu.vector_load %arg16[%swap3A_633, %swap3A_634] {strides = array<i32>} : memref<32x128xf32, #tpu.memory_space<vmem>>, vector<16xf32>,
        tpu.vector_store %arg16[%swap3A_633, %swap3A_634], %get3A_632 {strides = array<i32>} : memref<32x128xf32, #tpu.memory_space<vmem>>, vector<16xf32>,
        %mul3A_636 = arith.constant 8 : i32
        %mul3A_637 = arith.muli %mul3A_636, %add3A_617 : i32
        %add3A_638 = arith.constant 2 : i32
        %add3A_639 = arith.addi %mul3A_637, %add3A_638 : i32
        %get3A_640 = arith.index_cast %add3A_639 : i32 to index
        %get3A_641 = arith.constant 0 : index
        %get3A_642 = tpu.vector_load %arg14[%get3A_640, %get3A_641] {strides = array<i32>} : memref<256x16xf32, #tpu.memory_space<vmem>>, vector<16xf32>,
        %swap3A_643 = arith.index_cast %add3A_617 : i32 to index
        %swap3A_644 = arith.constant 32 : index
        %swap3A_645 = tpu.vector_load %arg16[%swap3A_643, %swap3A_644] {strides = array<i32>} : memref<32x128xf32, #tpu.memory_space<vmem>>, vector<16xf32>,
        tpu.vector_store %arg16[%swap3A_643, %swap3A_644], %get3A_642 {strides = array<i32>} : memref<32x128xf32, #tpu.memory_space<vmem>>, vector<16xf32>,
        %mul3A_646 = arith.constant 8 : i32
        %mul3A_647 = arith.muli %mul3A_646, %add3A_617 : i32
        %add3A_648 = arith.constant 3 : i32
        %add3A_649 = arith.addi %mul3A_647, %add3A_648 : i32
        %get3A_650 = arith.index_cast %add3A_649 : i32 to index
        %get3A_651 = arith.constant 0 : index
        %get3A_652 = tpu.vector_load %arg14[%get3A_650, %get3A_651] {strides = array<i32>} : memref<256x16xf32, #tpu.memory_space<vmem>>, vector<16xf32>,
        %swap3A_653 = arith.index_cast %add3A_617 : i32 to index
        %swap3A_654 = arith.constant 48 : index
        %swap3A_655 = tpu.vector_load %arg16[%swap3A_653, %swap3A_654] {strides = array<i32>} : memref<32x128xf32, #tpu.memory_space<vmem>>, vector<16xf32>,
        tpu.vector_store %arg16[%swap3A_653, %swap3A_654], %get3A_652 {strides = array<i32>} : memref<32x128xf32, #tpu.memory_space<vmem>>, vector<16xf32>,
        %mul3A_656 = arith.constant 8 : i32
        %mul3A_657 = arith.muli %mul3A_656, %add3A_617 : i32
        %add3A_658 = arith.constant 4 : i32
        %add3A_659 = arith.addi %mul3A_657, %add3A_658 : i32
        %get3A_660 = arith.index_cast %add3A_659 : i32 to index
        %get3A_661 = arith.constant 0 : index
        %get3A_662 = tpu.vector_load %arg14[%get3A_660, %get3A_661] {strides = array<i32>} : memref<256x16xf32, #tpu.memory_space<vmem>>, vector<16xf32>,
        %swap3A_663 = arith.index_cast %add3A_617 : i32 to index
        %swap3A_664 = arith.constant 64 : index
        %swap3A_665 = tpu.vector_load %arg16[%swap3A_663, %swap3A_664] {strides = array<i32>} : memref<32x128xf32, #tpu.memory_space<vmem>>, vector<16xf32>,
        tpu.vector_store %arg16[%swap3A_663, %swap3A_664], %get3A_662 {strides = array<i32>} : memref<32x128xf32, #tpu.memory_space<vmem>>, vector<16xf32>,
        %mul3A_666 = arith.constant 8 : i32
        %mul3A_667 = arith.muli %mul3A_666, %add3A_617 : i32
        %add3A_668 = arith.constant 5 : i32
        %add3A_669 = arith.addi %mul3A_667, %add3A_668 : i32
        %get3A_670 = arith.index_cast %add3A_669 : i32 to index
        %get3A_671 = arith.constant 0 : index
        %get3A_672 = tpu.vector_load %arg14[%get3A_670, %get3A_671] {strides = array<i32>} : memref<256x16xf32, #tpu.memory_space<vmem>>, vector<16xf32>,
        %swap3A_673 = arith.index_cast %add3A_617 : i32 to index
        %swap3A_674 = arith.constant 80 : index
        %swap3A_675 = tpu.vector_load %arg16[%swap3A_673, %swap3A_674] {strides = array<i32>} : memref<32x128xf32, #tpu.memory_space<vmem>>, vector<16xf32>,
        tpu.vector_store %arg16[%swap3A_673, %swap3A_674], %get3A_672 {strides = array<i32>} : memref<32x128xf32, #tpu.memory_space<vmem>>, vector<16xf32>,
        %mul3A_676 = arith.constant 8 : i32
        %mul3A_677 = arith.muli %mul3A_676, %add3A_617 : i32
        %add3A_678 = arith.constant 6 : i32
        %add3A_679 = arith.addi %mul3A_677, %add3A_678 : i32
        %get3A_680 = arith.index_cast %add3A_679 : i32 to index
        %get3A_681 = arith.constant 0 : index
        %get3A_682 = tpu.vector_load %arg14[%get3A_680, %get3A_681] {strides = array<i32>} : memref<256x16xf32, #tpu.memory_space<vmem>>, vector<16xf32>,
        %swap3A_683 = arith.index_cast %add3A_617 : i32 to index
        %swap3A_684 = arith.constant 96 : index
        %swap3A_685 = tpu.vector_load %arg16[%swap3A_683, %swap3A_684] {strides = array<i32>} : memref<32x128xf32, #tpu.memory_space<vmem>>, vector<16xf32>,
        tpu.vector_store %arg16[%swap3A_683, %swap3A_684], %get3A_682 {strides = array<i32>} : memref<32x128xf32, #tpu.memory_space<vmem>>, vector<16xf32>,
        %mul3A_686 = arith.constant 8 : i32
        %mul3A_687 = arith.muli %mul3A_686, %add3A_617 : i32
        %add3A_688 = arith.constant 7 : i32
        %add3A_689 = arith.addi %mul3A_687, %add3A_688 : i32
        %get3A_690 = arith.index_cast %add3A_689 : i32 to index
        %get3A_691 = arith.constant 0 : index
        %get3A_692 = tpu.vector_load %arg14[%get3A_690, %get3A_691] {strides = array<i32>} : memref<256x16xf32, #tpu.memory_space<vmem>>, vector<16xf32>,
        %swap3A_693 = arith.index_cast %add3A_617 : i32 to index
        %swap3A_694 = arith.constant 112 : index
        %swap3A_695 = tpu.vector_load %arg16[%swap3A_693, %swap3A_694] {strides = array<i32>} : memref<32x128xf32, #tpu.memory_space<vmem>>, vector<16xf32>,
        tpu.vector_store %arg16[%swap3A_693, %swap3A_694], %get3A_692 {strides = array<i32>} : memref<32x128xf32, #tpu.memory_space<vmem>>, vector<16xf32>,
      }
      %scan3A_372 = arith.constant 32 : i32
      %add3A_373 = arith.addi %add3A, %add3A_310 : i32
      %dma_start3A_374 = arith.constant 0 : i32
      %dma_start3A_375 = arith.constant 0 : i32
      %dma_start3A_376 = tpu.memref_slice %arg6[%add3A_373, %dma_start3A_374, %dma_start3A_375] : memref<1280x128x128xf32, #tpu.memory_space<hbm>> -> memref<1x128x128xf32, #tpu.memory_space<hbm>>
      %dma_start3A_377 = tpu.memref_squeeze %dma_start3A_376 : memref<1x128x128xf32, #tpu.memory_space<hbm>> -> memref<128x128xf32, #tpu.memory_space<hbm>>
      %dma_start3A_378 = arith.constant 0 : i32
      %dma_start3A_379 = arith.constant 0 : i32
      %dma_start3A_380 = tpu.memref_slice %arg6[%add3A_373, %dma_start3A_378, %dma_start3A_379] : memref<1280x128x128xf32, #tpu.memory_space<hbm>> -> memref<1x128x128xf32, #tpu.memory_space<hbm>>
      %dma_start3A_381 = tpu.memref_squeeze %dma_start3A_380 : memref<1x128x128xf32, #tpu.memory_space<hbm>> -> memref<128x128xf32, #tpu.memory_space<hbm>>
      tpu.enqueue_dma source(%arg12 : memref<128x128xf32, #tpu.memory_space<vmem>>) target(%dma_start3A_381 : memref<128x128xf32, #tpu.memory_space<hbm>>) target_semaphore(%arg20 : memref<!tpu.dma_semaphore, #tpu.memory_space<semaphore_mem>>)
      %dma_start3A_382 = arith.constant 0 : i32
      %dma_start3A_383 = arith.constant 0 : i32
      %dma_start3A_384 = tpu.memref_slice %arg7[%add3A_373, %dma_start3A_382, %dma_start3A_383] : memref<1280x32x128xf32, #tpu.memory_space<hbm>> -> memref<1x32x128xf32, #tpu.memory_space<hbm>>
      %dma_start3A_385 = tpu.memref_squeeze %dma_start3A_384 : memref<1x32x128xf32, #tpu.memory_space<hbm>> -> memref<32x128xf32, #tpu.memory_space<hbm>>
      %dma_start3A_386 = arith.constant 0 : i32
      %dma_start3A_387 = arith.constant 0 : i32
      %dma_start3A_388 = tpu.memref_slice %arg7[%add3A_373, %dma_start3A_386, %dma_start3A_387] : memref<1280x32x128xf32, #tpu.memory_space<hbm>> -> memref<1x32x128xf32, #tpu.memory_space<hbm>>
      %dma_start3A_389 = tpu.memref_squeeze %dma_start3A_388 : memref<1x32x128xf32, #tpu.memory_space<hbm>> -> memref<32x128xf32, #tpu.memory_space<hbm>>
      tpu.enqueue_dma source(%arg16 : memref<32x128xf32, #tpu.memory_space<vmem>>) target(%dma_start3A_389 : memref<32x128xf32, #tpu.memory_space<hbm>>) target_semaphore(%arg20 : memref<!tpu.dma_semaphore, #tpu.memory_space<semaphore_mem>>)
      %add3A_390 = arith.addi %add3A, %add3A_310 : i32
      %dma_wait3A_391 = arith.constant 0 : i32
      %dma_wait3A_392 = arith.constant 0 : i32
      %dma_wait3A_393 = tpu.memref_slice %arg6[%add3A_390, %dma_wait3A_391, %dma_wait3A_392] : memref<1280x128x128xf32, #tpu.memory_space<hbm>> -> memref<1x128x128xf32, #tpu.memory_space<hbm>>
      %dma_wait3A_394 = tpu.memref_squeeze %dma_wait3A_393 : memref<1x128x128xf32, #tpu.memory_space<hbm>> -> memref<128x128xf32, #tpu.memory_space<hbm>>
      %dma_wait3A_395 = arith.constant 0 : i32
      %dma_wait3A_396 = arith.constant 0 : i32
      %dma_wait3A_397 = tpu.memref_slice %arg6[%add3A_390, %dma_wait3A_395, %dma_wait3A_396] : memref<1280x128x128xf32, #tpu.memory_space<hbm>> -> memref<1x128x128xf32, #tpu.memory_space<hbm>>
      %dma_wait3A_398 = tpu.memref_squeeze %dma_wait3A_397 : memref<1x128x128xf32, #tpu.memory_space<hbm>> -> memref<128x128xf32, #tpu.memory_space<hbm>>
      tpu.wait_dma2 semaphore(%arg20 : memref<!tpu.dma_semaphore, #tpu.memory_space<semaphore_mem>>) src(%arg12 : memref<128x128xf32, #tpu.memory_space<vmem>>) dst(%dma_wait3A_398 : memref<128x128xf32, #tpu.memory_space<hbm>>)
      %dma_wait3A_399 = arith.constant 0 : i32
      %dma_wait3A_400 = arith.constant 0 : i32
      %dma_wait3A_401 = tpu.memref_slice %arg7[%add3A_390, %dma_wait3A_399, %dma_wait3A_400] : memref<1280x32x128xf32, #tpu.memory_space<hbm>> -> memref<1x32x128xf32, #tpu.memory_space<hbm>>
      %dma_wait3A_402 = tpu.memref_squeeze %dma_wait3A_401 : memref<1x32x128xf32, #tpu.memory_space<hbm>> -> memref<32x128xf32, #tpu.memory_space<hbm>>
      %dma_wait3A_403 = arith.constant 0 : i32
      %dma_wait3A_404 = arith.constant 0 : i32
      %dma_wait3A_405 = tpu.memref_slice %arg7[%add3A_390, %dma_wait3A_403, %dma_wait3A_404] : memref<1280x32x128xf32, #tpu.memory_space<hbm>> -> memref<1x32x128xf32, #tpu.memory_space<hbm>>
      %dma_wait3A_406 = tpu.memref_squeeze %dma_wait3A_405 : memref<1x32x128xf32, #tpu.memory_space<hbm>> -> memref<32x128xf32, #tpu.memory_space<hbm>>
      tpu.wait_dma2 semaphore(%arg20 : memref<!tpu.dma_semaphore, #tpu.memory_space<semaphore_mem>>) src(%arg16 : memref<32x128xf32, #tpu.memory_space<vmem>>) dst(%dma_wait3A_406 : memref<32x128xf32, #tpu.memory_space<hbm>>)
      %add3A_407 = arith.constant 2 : i32
      %add3A_408 = arith.addi %add3A_310, %add3A_407 : i32
      %mul3A_409 = arith.constant 2 : i32
      %mul3A_410 = arith.muli %add3A_408, %mul3A_409 : i32
      %add3A_411 = arith.constant 0 : i32
      %add3A_412 = arith.addi %mul3A_410, %add3A_411 : i32
      %dma_start3A_413 = arith.constant 0 : i32
      %dma_start3A_414 = arith.constant 0 : i32
      %dma_start3A_415 = tpu.memref_slice %arg10[%dma_start3A_413, %dma_start3A_414] : memref<256x128xbf16, #tpu.memory_space<vmem>> -> memref<128x128xbf16, #tpu.memory_space<vmem>>
      %dma_start3A_416 = arith.constant 0 : i32
      %dma_start3A_417 = tpu.memref_slice %arg8[%add3A_412, %dma_start3A_416] : memref<124x128xi32, #tpu.memory_space<vmem>> -> memref<1x128xi32, #tpu.memory_space<vmem>>
      %dma_start3A_418 = tpu.memref_squeeze %dma_start3A_417 : memref<1x128xi32, #tpu.memory_space<vmem>> -> memref<128xi32, #tpu.memory_space<vmem>>
      %dma_start3A_419 = arith.constant 0 : i32
      %dma_start3A_420 = arith.constant 0 : i32
      %dma_start3A_421 = tpu.memref_slice %arg2[%dma_start3A_419, %dma_start3A_420] : memref<10000x128xbf16, #tpu.memory_space<hbm>> -> memref<10000x128xbf16, #tpu.memory_space<hbm>>
      tpu.enqueue_indirect_dma source(%dma_start3A_421 : memref<10000x128xbf16, #tpu.memory_space<hbm>>) target(%dma_start3A_415 : memref<128x128xbf16, #tpu.memory_space<vmem>>) offsets(%dma_start3A_418 : memref<128xi32, #tpu.memory_space<vmem>>) semaphore(%arg18 : memref<!tpu.dma_semaphore, #tpu.memory_space<semaphore_mem>>)
      %mul3A_422 = arith.constant 2 : i32
      %mul3A_423 = arith.muli %add3A_408, %mul3A_422 : i32
      %add3A_424 = arith.constant 0 : i32
      %add3A_425 = arith.addi %mul3A_423, %add3A_424 : i32
      %dma_start3A_426 = arith.constant 0 : i32
      %dma_start3A_427 = arith.constant 0 : i32
      %dma_start3A_428 = tpu.memref_slice %arg14[%dma_start3A_426, %dma_start3A_427] : memref<256x16xf32, #tpu.memory_space<vmem>> -> memref<128x16xf32, #tpu.memory_space<vmem>>
      %dma_start3A_429 = arith.constant 0 : i32
      %dma_start3A_430 = tpu.memref_slice %arg9[%add3A_425, %dma_start3A_429] : memref<124x128xi32, #tpu.memory_space<vmem>> -> memref<1x128xi32, #tpu.memory_space<vmem>>
      %dma_start3A_431 = tpu.memref_squeeze %dma_start3A_430 : memref<1x128xi32, #tpu.memory_space<vmem>> -> memref<128xi32, #tpu.memory_space<vmem>>
      %dma_start3A_432 = arith.constant 0 : i32
      %dma_start3A_433 = arith.constant 0 : i32
      %dma_start3A_434 = tpu.memref_slice %arg4[%dma_start3A_432, %dma_start3A_433] : memref<320000x16xf32, #tpu.memory_space<hbm>> -> memref<320000x16xf32, #tpu.memory_space<hbm>>
      tpu.enqueue_indirect_dma source(%dma_start3A_434 : memref<320000x16xf32, #tpu.memory_space<hbm>>) target(%dma_start3A_428 : memref<128x16xf32, #tpu.memory_space<vmem>>) offsets(%dma_start3A_431 : memref<128xi32, #tpu.memory_space<vmem>>) semaphore(%arg18 : memref<!tpu.dma_semaphore, #tpu.memory_space<semaphore_mem>>)
      %mul3A_435 = arith.constant 2 : i32
      %mul3A_436 = arith.muli %add3A_408, %mul3A_435 : i32
      %add3A_437 = arith.constant 1 : i32
      %add3A_438 = arith.addi %mul3A_436, %add3A_437 : i32
      %dma_start3A_439 = arith.constant 128 : i32
      %dma_start3A_440 = arith.constant 0 : i32
      %dma_start3A_441 = tpu.memref_slice %arg10[%dma_start3A_439, %dma_start3A_440] : memref<256x128xbf16, #tpu.memory_space<vmem>> -> memref<128x128xbf16, #tpu.memory_space<vmem>>
      %dma_start3A_442 = arith.constant 0 : i32
      %dma_start3A_443 = tpu.memref_slice %arg8[%add3A_438, %dma_start3A_442] : memref<124x128xi32, #tpu.memory_space<vmem>> -> memref<1x128xi32, #tpu.memory_space<vmem>>
      %dma_start3A_444 = tpu.memref_squeeze %dma_start3A_443 : memref<1x128xi32, #tpu.memory_space<vmem>> -> memref<128xi32, #tpu.memory_space<vmem>>
      %dma_start3A_445 = arith.constant 0 : i32
      %dma_start3A_446 = arith.constant 0 : i32
      %dma_start3A_447 = tpu.memref_slice %arg2[%dma_start3A_445, %dma_start3A_446] : memref<10000x128xbf16, #tpu.memory_space<hbm>> -> memref<10000x128xbf16, #tpu.memory_space<hbm>>
      tpu.enqueue_indirect_dma source(%dma_start3A_447 : memref<10000x128xbf16, #tpu.memory_space<hbm>>) target(%dma_start3A_441 : memref<128x128xbf16, #tpu.memory_space<vmem>>) offsets(%dma_start3A_444 : memref<128xi32, #tpu.memory_space<vmem>>) semaphore(%arg18 : memref<!tpu.dma_semaphore, #tpu.memory_space<semaphore_mem>>)
      %mul3A_448 = arith.constant 2 : i32
      %mul3A_449 = arith.muli %add3A_408, %mul3A_448 : i32
      %add3A_450 = arith.constant 1 : i32
      %add3A_451 = arith.addi %mul3A_449, %add3A_450 : i32
      %dma_start3A_452 = arith.constant 128 : i32
      %dma_start3A_453 = arith.constant 0 : i32
      %dma_start3A_454 = tpu.memref_slice %arg14[%dma_start3A_452, %dma_start3A_453] : memref<256x16xf32, #tpu.memory_space<vmem>> -> memref<128x16xf32, #tpu.memory_space<vmem>>
      %dma_start3A_455 = arith.constant 0 : i32
      %dma_start3A_456 = tpu.memref_slice %arg9[%add3A_451, %dma_start3A_455] : memref<124x128xi32, #tpu.memory_space<vmem>> -> memref<1x128xi32, #tpu.memory_space<vmem>>
      %dma_start3A_457 = tpu.memref_squeeze %dma_start3A_456 : memref<1x128xi32, #tpu.memory_space<vmem>> -> memref<128xi32, #tpu.memory_space<vmem>>
      %dma_start3A_458 = arith.constant 0 : i32
      %dma_start3A_459 = arith.constant 0 : i32
      %dma_start3A_460 = tpu.memref_slice %arg4[%dma_start3A_458, %dma_start3A_459] : memref<320000x16xf32, #tpu.memory_space<hbm>> -> memref<320000x16xf32, #tpu.memory_space<hbm>>
      tpu.enqueue_indirect_dma source(%dma_start3A_460 : memref<320000x16xf32, #tpu.memory_space<hbm>>) target(%dma_start3A_454 : memref<128x16xf32, #tpu.memory_space<vmem>>) offsets(%dma_start3A_457 : memref<128xi32, #tpu.memory_space<vmem>>) semaphore(%arg18 : memref<!tpu.dma_semaphore, #tpu.memory_space<semaphore_mem>>)
      %add3A_461 = arith.constant 1 : i32
      %add3A_462 = arith.addi %add3A_308, %add3A_461 : i32
      %mul3A_463 = arith.constant 2 : i32
      %mul3A_464 = arith.muli %add3A_462, %mul3A_463 : i32
      %add3A_465 = arith.constant 0 : i32
      %add3A_466 = arith.addi %mul3A_464, %add3A_465 : i32
      %dma_wait3A_467 = arith.constant 0 : i32
      %dma_wait3A_468 = arith.constant 0 : i32
      %dma_wait3A_469 = tpu.memref_slice %arg11[%dma_wait3A_467, %dma_wait3A_468] : memref<256x128xbf16, #tpu.memory_space<vmem>> -> memref<128x128xbf16, #tpu.memory_space<vmem>>
      %dma_wait3A_470 = arith.constant 0 : i32
      %dma_wait3A_471 = tpu.memref_slice %arg8[%add3A_466, %dma_wait3A_470] : memref<124x128xi32, #tpu.memory_space<vmem>> -> memref<1x128xi32, #tpu.memory_space<vmem>>
      %dma_wait3A_472 = tpu.memref_squeeze %dma_wait3A_471 : memref<1x128xi32, #tpu.memory_space<vmem>> -> memref<128xi32, #tpu.memory_space<vmem>>
      %dma_wait3A_473 = arith.constant 0 : i32
      %dma_wait3A_474 = arith.constant 0 : i32
      %dma_wait3A_475 = tpu.memref_slice %arg2[%dma_wait3A_473, %dma_wait3A_474] : memref<10000x128xbf16, #tpu.memory_space<hbm>> -> memref<10000x128xbf16, #tpu.memory_space<hbm>>
      tpu.wait_indirect_dma semaphore(%arg19 : memref<!tpu.dma_semaphore, #tpu.memory_space<semaphore_mem>>) src(%dma_wait3A_475 : memref<10000x128xbf16, #tpu.memory_space<hbm>>) dst(%dma_wait3A_469 : memref<128x128xbf16, #tpu.memory_space<vmem>>)
      %mul3A_476 = arith.constant 2 : i32
      %mul3A_477 = arith.muli %add3A_462, %mul3A_476 : i32
      %add3A_478 = arith.constant 0 : i32
      %add3A_479 = arith.addi %mul3A_477, %add3A_478 : i32
      %dma_wait3A_480 = arith.constant 0 : i32
      %dma_wait3A_481 = arith.constant 0 : i32
      %dma_wait3A_482 = tpu.memref_slice %arg15[%dma_wait3A_480, %dma_wait3A_481] : memref<256x16xf32, #tpu.memory_space<vmem>> -> memref<128x16xf32, #tpu.memory_space<vmem>>
      %dma_wait3A_483 = arith.constant 0 : i32
      %dma_wait3A_484 = tpu.memref_slice %arg9[%add3A_479, %dma_wait3A_483] : memref<124x128xi32, #tpu.memory_space<vmem>> -> memref<1x128xi32, #tpu.memory_space<vmem>>
      %dma_wait3A_485 = tpu.memref_squeeze %dma_wait3A_484 : memref<1x128xi32, #tpu.memory_space<vmem>> -> memref<128xi32, #tpu.memory_space<vmem>>
      %dma_wait3A_486 = arith.constant 0 : i32
      %dma_wait3A_487 = arith.constant 0 : i32
      %dma_wait3A_488 = tpu.memref_slice %arg4[%dma_wait3A_486, %dma_wait3A_487] : memref<320000x16xf32, #tpu.memory_space<hbm>> -> memref<320000x16xf32, #tpu.memory_space<hbm>>
      tpu.wait_indirect_dma semaphore(%arg19 : memref<!tpu.dma_semaphore, #tpu.memory_space<semaphore_mem>>) src(%dma_wait3A_488 : memref<320000x16xf32, #tpu.memory_space<hbm>>) dst(%dma_wait3A_482 : memref<128x16xf32, #tpu.memory_space<vmem>>)
      %mul3A_489 = arith.constant 2 : i32
      %mul3A_490 = arith.muli %add3A_462, %mul3A_489 : i32
      %add3A_491 = arith.constant 1 : i32
      %add3A_492 = arith.addi %mul3A_490, %add3A_491 : i32
      %dma_wait3A_493 = arith.constant 128 : i32
      %dma_wait3A_494 = arith.constant 0 : i32
      %dma_wait3A_495 = tpu.memref_slice %arg11[%dma_wait3A_493, %dma_wait3A_494] : memref<256x128xbf16, #tpu.memory_space<vmem>> -> memref<128x128xbf16, #tpu.memory_space<vmem>>
      %dma_wait3A_496 = arith.constant 0 : i32
      %dma_wait3A_497 = tpu.memref_slice %arg8[%add3A_492, %dma_wait3A_496] : memref<124x128xi32, #tpu.memory_space<vmem>> -> memref<1x128xi32, #tpu.memory_space<vmem>>
      %dma_wait3A_498 = tpu.memref_squeeze %dma_wait3A_497 : memref<1x128xi32, #tpu.memory_space<vmem>> -> memref<128xi32, #tpu.memory_space<vmem>>
      %dma_wait3A_499 = arith.constant 0 : i32
      %dma_wait3A_500 = arith.constant 0 : i32
      %dma_wait3A_501 = tpu.memref_slice %arg2[%dma_wait3A_499, %dma_wait3A_500] : memref<10000x128xbf16, #tpu.memory_space<hbm>> -> memref<10000x128xbf16, #tpu.memory_space<hbm>>
      tpu.wait_indirect_dma semaphore(%arg19 : memref<!tpu.dma_semaphore, #tpu.memory_space<semaphore_mem>>) src(%dma_wait3A_501 : memref<10000x128xbf16, #tpu.memory_space<hbm>>) dst(%dma_wait3A_495 : memref<128x128xbf16, #tpu.memory_space<vmem>>)
      %mul3A_502 = arith.constant 2 : i32
      %mul3A_503 = arith.muli %add3A_462, %mul3A_502 : i32
      %add3A_504 = arith.constant 1 : i32
      %add3A_505 = arith.addi %mul3A_503, %add3A_504 : i32
      %dma_wait3A_506 = arith.constant 128 : i32
      %dma_wait3A_507 = arith.constant 0 : i32
      %dma_wait3A_508 = tpu.memref_slice %arg15[%dma_wait3A_506, %dma_wait3A_507] : memref<256x16xf32, #tpu.memory_space<vmem>> -> memref<128x16xf32, #tpu.memory_space<vmem>>
      %dma_wait3A_509 = arith.constant 0 : i32
      %dma_wait3A_510 = tpu.memref_slice %arg9[%add3A_505, %dma_wait3A_509] : memref<124x128xi32, #tpu.memory_space<vmem>> -> memref<1x128xi32, #tpu.memory_space<vmem>>
      %dma_wait3A_511 = tpu.memref_squeeze %dma_wait3A_510 : memref<1x128xi32, #tpu.memory_space<vmem>> -> memref<128xi32, #tpu.memory_space<vmem>>
      %dma_wait3A_512 = arith.constant 0 : i32
      %dma_wait3A_513 = arith.constant 0 : i32
      %dma_wait3A_514 = tpu.memref_slice %arg4[%dma_wait3A_512, %dma_wait3A_513] : memref<320000x16xf32, #tpu.memory_space<hbm>> -> memref<320000x16xf32, #tpu.memory_space<hbm>>
      tpu.wait_indirect_dma semaphore(%arg19 : memref<!tpu.dma_semaphore, #tpu.memory_space<semaphore_mem>>) src(%dma_wait3A_514 : memref<320000x16xf32, #tpu.memory_space<hbm>>) dst(%dma_wait3A_508 : memref<128x16xf32, #tpu.memory_space<vmem>>)
      %scan3A_515 = arith.constant 0 : i32
      %scan3A_516 = arith.constant 128 : i32
      %scan3A_517 = arith.addi %scan3A_515, %scan3A_516 : i32
      %scan3A_518 = arith.constant 1 : i32
      scf.for %scan3A_613 = %scan3A_515 to %scan3A_517 step %scan3A_518  : i32 {
        %mul3A_614 = arith.constant 1 : i32
        %mul3A_615 = arith.muli %scan3A_613, %mul3A_614 : i32
        %add3A_616 = arith.constant 0 : i32
        %add3A_617 = arith.addi %add3A_616, %mul3A_615 : i32
        %mul3A_618 = arith.constant 2 : i32
        %mul3A_619 = arith.muli %mul3A_618, %add3A_617 : i32
        %get3A = arith.index_cast %mul3A_619 : i32 to index
        %get3A_620 = arith.constant 0 : index
        %get3A_621 = tpu.vector_load %arg11[%get3A, %get3A_620] {strides = array<i32>} : memref<256x128xbf16, #tpu.memory_space<vmem>>, vector<32xbf16>,
        %bitcast3A = vector.bitcast %get3A_621 : vector<32xbf16> to vector<16xf32>
        %swap3A = arith.index_cast %add3A_617 : i32 to index
        %swap3A_622 = arith.constant 0 : index
        %swap3A_623 = tpu.vector_load %arg13[%swap3A, %swap3A_622] {strides = array<i32>} : memref<128x128xf32, #tpu.memory_space<vmem>>, vector<16xf32>,
        tpu.vector_store %arg13[%swap3A, %swap3A_622], %bitcast3A {strides = array<i32>} : memref<128x128xf32, #tpu.memory_space<vmem>>, vector<16xf32>,
        %mul3A_624 = arith.constant 2 : i32
        %mul3A_625 = arith.muli %mul3A_624, %add3A_617 : i32
        %add3A_626 = arith.constant 1 : i32
        %add3A_627 = arith.addi %mul3A_625, %add3A_626 : i32
        %get3A_628 = arith.index_cast %add3A_627 : i32 to index
        %get3A_629 = arith.constant 0 : index
        %get3A_630 = tpu.vector_load %arg11[%get3A_628, %get3A_629] {strides = array<i32>} : memref<256x128xbf16, #tpu.memory_space<vmem>>, vector<32xbf16>,
        %bitcast3A_631 = vector.bitcast %get3A_630 : vector<32xbf16> to vector<16xf32>
        %swap3A_632 = arith.index_cast %add3A_617 : i32 to index
        %swap3A_633 = arith.constant 64 : index
        %swap3A_634 = tpu.vector_load %arg13[%swap3A_632, %swap3A_633] {strides = array<i32>} : memref<128x128xf32, #tpu.memory_space<vmem>>, vector<16xf32>,
        tpu.vector_store %arg13[%swap3A_632, %swap3A_633], %bitcast3A_631 {strides = array<i32>} : memref<128x128xf32, #tpu.memory_space<vmem>>, vector<16xf32>,
        %mul3A_635 = arith.constant 2 : i32
        %mul3A_636 = arith.muli %mul3A_635, %add3A_617 : i32
        %get3A_637 = arith.index_cast %mul3A_636 : i32 to index
        %get3A_638 = arith.constant 32 : index
        %get3A_639 = tpu.vector_load %arg11[%get3A_637, %get3A_638] {strides = array<i32>} : memref<256x128xbf16, #tpu.memory_space<vmem>>, vector<32xbf16>,
        %bitcast3A_640 = vector.bitcast %get3A_639 : vector<32xbf16> to vector<16xf32>
        %swap3A_641 = arith.index_cast %add3A_617 : i32 to index
        %swap3A_642 = arith.constant 16 : index
        %swap3A_643 = tpu.vector_load %arg13[%swap3A_641, %swap3A_642] {strides = array<i32>} : memref<128x128xf32, #tpu.memory_space<vmem>>, vector<16xf32>,
        tpu.vector_store %arg13[%swap3A_641, %swap3A_642], %bitcast3A_640 {strides = array<i32>} : memref<128x128xf32, #tpu.memory_space<vmem>>, vector<16xf32>,
        %mul3A_644 = arith.constant 2 : i32
        %mul3A_645 = arith.muli %mul3A_644, %add3A_617 : i32
        %add3A_646 = arith.constant 1 : i32
        %add3A_647 = arith.addi %mul3A_645, %add3A_646 : i32
        %get3A_648 = arith.index_cast %add3A_647 : i32 to index
        %get3A_649 = arith.constant 32 : index
        %get3A_650 = tpu.vector_load %arg11[%get3A_648, %get3A_649] {strides = array<i32>} : memref<256x128xbf16, #tpu.memory_space<vmem>>, vector<32xbf16>,
        %bitcast3A_651 = vector.bitcast %get3A_650 : vector<32xbf16> to vector<16xf32>
        %swap3A_652 = arith.index_cast %add3A_617 : i32 to index
        %swap3A_653 = arith.constant 80 : index
        %swap3A_654 = tpu.vector_load %arg13[%swap3A_652, %swap3A_653] {strides = array<i32>} : memref<128x128xf32, #tpu.memory_space<vmem>>, vector<16xf32>,
        tpu.vector_store %arg13[%swap3A_652, %swap3A_653], %bitcast3A_651 {strides = array<i32>} : memref<128x128xf32, #tpu.memory_space<vmem>>, vector<16xf32>,
        %mul3A_655 = arith.constant 2 : i32
        %mul3A_656 = arith.muli %mul3A_655, %add3A_617 : i32
        %get3A_657 = arith.index_cast %mul3A_656 : i32 to index
        %get3A_658 = arith.constant 64 : index
        %get3A_659 = tpu.vector_load %arg11[%get3A_657, %get3A_658] {strides = array<i32>} : memref<256x128xbf16, #tpu.memory_space<vmem>>, vector<32xbf16>,
        %bitcast3A_660 = vector.bitcast %get3A_659 : vector<32xbf16> to vector<16xf32>
        %swap3A_661 = arith.index_cast %add3A_617 : i32 to index
        %swap3A_662 = arith.constant 32 : index
        %swap3A_663 = tpu.vector_load %arg13[%swap3A_661, %swap3A_662] {strides = array<i32>} : memref<128x128xf32, #tpu.memory_space<vmem>>, vector<16xf32>,
        tpu.vector_store %arg13[%swap3A_661, %swap3A_662], %bitcast3A_660 {strides = array<i32>} : memref<128x128xf32, #tpu.memory_space<vmem>>, vector<16xf32>,
        %mul3A_664 = arith.constant 2 : i32
        %mul3A_665 = arith.muli %mul3A_664, %add3A_617 : i32
        %add3A_666 = arith.constant 1 : i32
        %add3A_667 = arith.addi %mul3A_665, %add3A_666 : i32
        %get3A_668 = arith.index_cast %add3A_667 : i32 to index
        %get3A_669 = arith.constant 64 : index
        %get3A_670 = tpu.vector_load %arg11[%get3A_668, %get3A_669] {strides = array<i32>} : memref<256x128xbf16, #tpu.memory_space<vmem>>, vector<32xbf16>,
        %bitcast3A_671 = vector.bitcast %get3A_670 : vector<32xbf16> to vector<16xf32>
        %swap3A_672 = arith.index_cast %add3A_617 : i32 to index
        %swap3A_673 = arith.constant 96 : index
        %swap3A_674 = tpu.vector_load %arg13[%swap3A_672, %swap3A_673] {strides = array<i32>} : memref<128x128xf32, #tpu.memory_space<vmem>>, vector<16xf32>,
        tpu.vector_store %arg13[%swap3A_672, %swap3A_673], %bitcast3A_671 {strides = array<i32>} : memref<128x128xf32, #tpu.memory_space<vmem>>, vector<16xf32>,
        %mul3A_675 = arith.constant 2 : i32
        %mul3A_676 = arith.muli %mul3A_675, %add3A_617 : i32
        %get3A_677 = arith.index_cast %mul3A_676 : i32 to index
        %get3A_678 = arith.constant 96 : index
        %get3A_679 = tpu.vector_load %arg11[%get3A_677, %get3A_678] {strides = array<i32>} : memref<256x128xbf16, #tpu.memory_space<vmem>>, vector<32xbf16>,
        %bitcast3A_680 = vector.bitcast %get3A_679 : vector<32xbf16> to vector<16xf32>
        %swap3A_681 = arith.index_cast %add3A_617 : i32 to index
        %swap3A_682 = arith.constant 48 : index
        %swap3A_683 = tpu.vector_load %arg13[%swap3A_681, %swap3A_682] {strides = array<i32>} : memref<128x128xf32, #tpu.memory_space<vmem>>, vector<16xf32>,
        tpu.vector_store %arg13[%swap3A_681, %swap3A_682], %bitcast3A_680 {strides = array<i32>} : memref<128x128xf32, #tpu.memory_space<vmem>>, vector<16xf32>,
        %mul3A_684 = arith.constant 2 : i32
        %mul3A_685 = arith.muli %mul3A_684, %add3A_617 : i32
        %add3A_686 = arith.constant 1 : i32
        %add3A_687 = arith.addi %mul3A_685, %add3A_686 : i32
        %get3A_688 = arith.index_cast %add3A_687 : i32 to index
        %get3A_689 = arith.constant 96 : index
        %get3A_690 = tpu.vector_load %arg11[%get3A_688, %get3A_689] {strides = array<i32>} : memref<256x128xbf16, #tpu.memory_space<vmem>>, vector<32xbf16>,
        %bitcast3A_691 = vector.bitcast %get3A_690 : vector<32xbf16> to vector<16xf32>
        %swap3A_692 = arith.index_cast %add3A_617 : i32 to index
        %swap3A_693 = arith.constant 112 : index
        %swap3A_694 = tpu.vector_load %arg13[%swap3A_692, %swap3A_693] {strides = array<i32>} : memref<128x128xf32, #tpu.memory_space<vmem>>, vector<16xf32>,
        tpu.vector_store %arg13[%swap3A_692, %swap3A_693], %bitcast3A_691 {strides = array<i32>} : memref<128x128xf32, #tpu.memory_space<vmem>>, vector<16xf32>,
      }
      %scan3A_519 = arith.constant 128 : i32
      %scan3A_520 = arith.constant 0 : i32
      %scan3A_521 = arith.constant 32 : i32
      %scan3A_522 = arith.addi %scan3A_520, %scan3A_521 : i32
      %scan3A_523 = arith.constant 1 : i32
      scf.for %scan3A_613 = %scan3A_520 to %scan3A_522 step %scan3A_523  : i32 {
        %mul3A_614 = arith.constant 1 : i32
        %mul3A_615 = arith.muli %scan3A_613, %mul3A_614 : i32
        %add3A_616 = arith.constant 0 : i32
        %add3A_617 = arith.addi %add3A_616, %mul3A_615 : i32
        %mul3A_618 = arith.constant 8 : i32
        %mul3A_619 = arith.muli %mul3A_618, %add3A_617 : i32
        %add3A_620 = arith.constant 0 : i32
        %add3A_621 = arith.addi %mul3A_619, %add3A_620 : i32
        %get3A = arith.index_cast %add3A_621 : i32 to index
        %get3A_622 = arith.constant 0 : index
        %get3A_623 = tpu.vector_load %arg15[%get3A, %get3A_622] {strides = array<i32>} : memref<256x16xf32, #tpu.memory_space<vmem>>, vector<16xf32>,
        %swap3A = arith.index_cast %add3A_617 : i32 to index
        %swap3A_624 = arith.constant 0 : index
        %swap3A_625 = tpu.vector_load %arg17[%swap3A, %swap3A_624] {strides = array<i32>} : memref<32x128xf32, #tpu.memory_space<vmem>>, vector<16xf32>,
        tpu.vector_store %arg17[%swap3A, %swap3A_624], %get3A_623 {strides = array<i32>} : memref<32x128xf32, #tpu.memory_space<vmem>>, vector<16xf32>,
        %mul3A_626 = arith.constant 8 : i32
        %mul3A_627 = arith.muli %mul3A_626, %add3A_617 : i32
        %add3A_628 = arith.constant 1 : i32
        %add3A_629 = arith.addi %mul3A_627, %add3A_628 : i32
        %get3A_630 = arith.index_cast %add3A_629 : i32 to index
        %get3A_631 = arith.constant 0 : index
        %get3A_632 = tpu.vector_load %arg15[%get3A_630, %get3A_631] {strides = array<i32>} : memref<256x16xf32, #tpu.memory_space<vmem>>, vector<16xf32>,
        %swap3A_633 = arith.index_cast %add3A_617 : i32 to index
        %swap3A_634 = arith.constant 16 : index
        %swap3A_635 = tpu.vector_load %arg17[%swap3A_633, %swap3A_634] {strides = array<i32>} : memref<32x128xf32, #tpu.memory_space<vmem>>, vector<16xf32>,
        tpu.vector_store %arg17[%swap3A_633, %swap3A_634], %get3A_632 {strides = array<i32>} : memref<32x128xf32, #tpu.memory_space<vmem>>, vector<16xf32>,
        %mul3A_636 = arith.constant 8 : i32
        %mul3A_637 = arith.muli %mul3A_636, %add3A_617 : i32
        %add3A_638 = arith.constant 2 : i32
        %add3A_639 = arith.addi %mul3A_637, %add3A_638 : i32
        %get3A_640 = arith.index_cast %add3A_639 : i32 to index
        %get3A_641 = arith.constant 0 : index
        %get3A_642 = tpu.vector_load %arg15[%get3A_640, %get3A_641] {strides = array<i32>} : memref<256x16xf32, #tpu.memory_space<vmem>>, vector<16xf32>,
        %swap3A_643 = arith.index_cast %add3A_617 : i32 to index
        %swap3A_644 = arith.constant 32 : index
        %swap3A_645 = tpu.vector_load %arg17[%swap3A_643, %swap3A_644] {strides = array<i32>} : memref<32x128xf32, #tpu.memory_space<vmem>>, vector<16xf32>,
        tpu.vector_store %arg17[%swap3A_643, %swap3A_644], %get3A_642 {strides = array<i32>} : memref<32x128xf32, #tpu.memory_space<vmem>>, vector<16xf32>,
        %mul3A_646 = arith.constant 8 : i32
        %mul3A_647 = arith.muli %mul3A_646, %add3A_617 : i32
        %add3A_648 = arith.constant 3 : i32
        %add3A_649 = arith.addi %mul3A_647, %add3A_648 : i32
        %get3A_650 = arith.index_cast %add3A_649 : i32 to index
        %get3A_651 = arith.constant 0 : index
        %get3A_652 = tpu.vector_load %arg15[%get3A_650, %get3A_651] {strides = array<i32>} : memref<256x16xf32, #tpu.memory_space<vmem>>, vector<16xf32>,
        %swap3A_653 = arith.index_cast %add3A_617 : i32 to index
        %swap3A_654 = arith.constant 48 : index
        %swap3A_655 = tpu.vector_load %arg17[%swap3A_653, %swap3A_654] {strides = array<i32>} : memref<32x128xf32, #tpu.memory_space<vmem>>, vector<16xf32>,
        tpu.vector_store %arg17[%swap3A_653, %swap3A_654], %get3A_652 {strides = array<i32>} : memref<32x128xf32, #tpu.memory_space<vmem>>, vector<16xf32>,
        %mul3A_656 = arith.constant 8 : i32
        %mul3A_657 = arith.muli %mul3A_656, %add3A_617 : i32
        %add3A_658 = arith.constant 4 : i32
        %add3A_659 = arith.addi %mul3A_657, %add3A_658 : i32
        %get3A_660 = arith.index_cast %add3A_659 : i32 to index
        %get3A_661 = arith.constant 0 : index
        %get3A_662 = tpu.vector_load %arg15[%get3A_660, %get3A_661] {strides = array<i32>} : memref<256x16xf32, #tpu.memory_space<vmem>>, vector<16xf32>,
        %swap3A_663 = arith.index_cast %add3A_617 : i32 to index
        %swap3A_664 = arith.constant 64 : index
        %swap3A_665 = tpu.vector_load %arg17[%swap3A_663, %swap3A_664] {strides = array<i32>} : memref<32x128xf32, #tpu.memory_space<vmem>>, vector<16xf32>,
        tpu.vector_store %arg17[%swap3A_663, %swap3A_664], %get3A_662 {strides = array<i32>} : memref<32x128xf32, #tpu.memory_space<vmem>>, vector<16xf32>,
        %mul3A_666 = arith.constant 8 : i32
        %mul3A_667 = arith.muli %mul3A_666, %add3A_617 : i32
        %add3A_668 = arith.constant 5 : i32
        %add3A_669 = arith.addi %mul3A_667, %add3A_668 : i32
        %get3A_670 = arith.index_cast %add3A_669 : i32 to index
        %get3A_671 = arith.constant 0 : index
        %get3A_672 = tpu.vector_load %arg15[%get3A_670, %get3A_671] {strides = array<i32>} : memref<256x16xf32, #tpu.memory_space<vmem>>, vector<16xf32>,
        %swap3A_673 = arith.index_cast %add3A_617 : i32 to index
        %swap3A_674 = arith.constant 80 : index
        %swap3A_675 = tpu.vector_load %arg17[%swap3A_673, %swap3A_674] {strides = array<i32>} : memref<32x128xf32, #tpu.memory_space<vmem>>, vector<16xf32>,
        tpu.vector_store %arg17[%swap3A_673, %swap3A_674], %get3A_672 {strides = array<i32>} : memref<32x128xf32, #tpu.memory_space<vmem>>, vector<16xf32>,
        %mul3A_676 = arith.constant 8 : i32
        %mul3A_677 = arith.muli %mul3A_676, %add3A_617 : i32
        %add3A_678 = arith.constant 6 : i32
        %add3A_679 = arith.addi %mul3A_677, %add3A_678 : i32
        %get3A_680 = arith.index_cast %add3A_679 : i32 to index
        %get3A_681 = arith.constant 0 : index
        %get3A_682 = tpu.vector_load %arg15[%get3A_680, %get3A_681] {strides = array<i32>} : memref<256x16xf32, #tpu.memory_space<vmem>>, vector<16xf32>,
        %swap3A_683 = arith.index_cast %add3A_617 : i32 to index
        %swap3A_684 = arith.constant 96 : index
        %swap3A_685 = tpu.vector_load %arg17[%swap3A_683, %swap3A_684] {strides = array<i32>} : memref<32x128xf32, #tpu.memory_space<vmem>>, vector<16xf32>,
        tpu.vector_store %arg17[%swap3A_683, %swap3A_684], %get3A_682 {strides = array<i32>} : memref<32x128xf32, #tpu.memory_space<vmem>>, vector<16xf32>,
        %mul3A_686 = arith.constant 8 : i32
        %mul3A_687 = arith.muli %mul3A_686, %add3A_617 : i32
        %add3A_688 = arith.constant 7 : i32
        %add3A_689 = arith.addi %mul3A_687, %add3A_688 : i32
        %get3A_690 = arith.index_cast %add3A_689 : i32 to index
        %get3A_691 = arith.constant 0 : index
        %get3A_692 = tpu.vector_load %arg15[%get3A_690, %get3A_691] {strides = array<i32>} : memref<256x16xf32, #tpu.memory_space<vmem>>, vector<16xf32>,
        %swap3A_693 = arith.index_cast %add3A_617 : i32 to index
        %swap3A_694 = arith.constant 112 : index
        %swap3A_695 = tpu.vector_load %arg17[%swap3A_693, %swap3A_694] {strides = array<i32>} : memref<32x128xf32, #tpu.memory_space<vmem>>, vector<16xf32>,
        tpu.vector_store %arg17[%swap3A_693, %swap3A_694], %get3A_692 {strides = array<i32>} : memref<32x128xf32, #tpu.memory_space<vmem>>, vector<16xf32>,
      }
      %scan3A_524 = arith.constant 32 : i32
      %add3A_525 = arith.addi %add3A, %add3A_462 : i32
      %dma_start3A_526 = arith.constant 0 : i32
      %dma_start3A_527 = arith.constant 0 : i32
      %dma_start3A_528 = tpu.memref_slice %arg6[%add3A_525, %dma_start3A_526, %dma_start3A_527] : memref<1280x128x128xf32, #tpu.memory_space<hbm>> -> memref<1x128x128xf32, #tpu.memory_space<hbm>>
      %dma_start3A_529 = tpu.memref_squeeze %dma_start3A_528 : memref<1x128x128xf32, #tpu.memory_space<hbm>> -> memref<128x128xf32, #tpu.memory_space<hbm>>
      %dma_start3A_530 = arith.constant 0 : i32
      %dma_start3A_531 = arith.constant 0 : i32
      %dma_start3A_532 = tpu.memref_slice %arg6[%add3A_525, %dma_start3A_530, %dma_start3A_531] : memref<1280x128x128xf32, #tpu.memory_space<hbm>> -> memref<1x128x128xf32, #tpu.memory_space<hbm>>
      %dma_start3A_533 = tpu.memref_squeeze %dma_start3A_532 : memref<1x128x128xf32, #tpu.memory_space<hbm>> -> memref<128x128xf32, #tpu.memory_space<hbm>>
      tpu.enqueue_dma source(%arg13 : memref<128x128xf32, #tpu.memory_space<vmem>>) target(%dma_start3A_533 : memref<128x128xf32, #tpu.memory_space<hbm>>) target_semaphore(%arg21 : memref<!tpu.dma_semaphore, #tpu.memory_space<semaphore_mem>>)
      %dma_start3A_534 = arith.constant 0 : i32
      %dma_start3A_535 = arith.constant 0 : i32
      %dma_start3A_536 = tpu.memref_slice %arg7[%add3A_525, %dma_start3A_534, %dma_start3A_535] : memref<1280x32x128xf32, #tpu.memory_space<hbm>> -> memref<1x32x128xf32, #tpu.memory_space<hbm>>
      %dma_start3A_537 = tpu.memref_squeeze %dma_start3A_536 : memref<1x32x128xf32, #tpu.memory_space<hbm>> -> memref<32x128xf32, #tpu.memory_space<hbm>>
      %dma_start3A_538 = arith.constant 0 : i32
      %dma_start3A_539 = arith.constant 0 : i32
      %dma_start3A_540 = tpu.memref_slice %arg7[%add3A_525, %dma_start3A_538, %dma_start3A_539] : memref<1280x32x128xf32, #tpu.memory_space<hbm>> -> memref<1x32x128xf32, #tpu.memory_space<hbm>>
      %dma_start3A_541 = tpu.memref_squeeze %dma_start3A_540 : memref<1x32x128xf32, #tpu.memory_space<hbm>> -> memref<32x128xf32, #tpu.memory_space<hbm>>
      tpu.enqueue_dma source(%arg17 : memref<32x128xf32, #tpu.memory_space<vmem>>) target(%dma_start3A_541 : memref<32x128xf32, #tpu.memory_space<hbm>>) target_semaphore(%arg21 : memref<!tpu.dma_semaphore, #tpu.memory_space<semaphore_mem>>)
      %add3A_542 = arith.addi %add3A, %add3A_462 : i32
      %dma_wait3A_543 = arith.constant 0 : i32
      %dma_wait3A_544 = arith.constant 0 : i32
      %dma_wait3A_545 = tpu.memref_slice %arg6[%add3A_542, %dma_wait3A_543, %dma_wait3A_544] : memref<1280x128x128xf32, #tpu.memory_space<hbm>> -> memref<1x128x128xf32, #tpu.memory_space<hbm>>
      %dma_wait3A_546 = tpu.memref_squeeze %dma_wait3A_545 : memref<1x128x128xf32, #tpu.memory_space<hbm>> -> memref<128x128xf32, #tpu.memory_space<hbm>>
      %dma_wait3A_547 = arith.constant 0 : i32
      %dma_wait3A_548 = arith.constant 0 : i32
      %dma_wait3A_549 = tpu.memref_slice %arg6[%add3A_542, %dma_wait3A_547, %dma_wait3A_548] : memref<1280x128x128xf32, #tpu.memory_space<hbm>> -> memref<1x128x128xf32, #tpu.memory_space<hbm>>
      %dma_wait3A_550 = tpu.memref_squeeze %dma_wait3A_549 : memref<1x128x128xf32, #tpu.memory_space<hbm>> -> memref<128x128xf32, #tpu.memory_space<hbm>>
      tpu.wait_dma2 semaphore(%arg21 : memref<!tpu.dma_semaphore, #tpu.memory_space<semaphore_mem>>) src(%arg13 : memref<128x128xf32, #tpu.memory_space<vmem>>) dst(%dma_wait3A_550 : memref<128x128xf32, #tpu.memory_space<hbm>>)
      %dma_wait3A_551 = arith.constant 0 : i32
      %dma_wait3A_552 = arith.constant 0 : i32
      %dma_wait3A_553 = tpu.memref_slice %arg7[%add3A_542, %dma_wait3A_551, %dma_wait3A_552] : memref<1280x32x128xf32, #tpu.memory_space<hbm>> -> memref<1x32x128xf32, #tpu.memory_space<hbm>>
      %dma_wait3A_554 = tpu.memref_squeeze %dma_wait3A_553 : memref<1x32x128xf32, #tpu.memory_space<hbm>> -> memref<32x128xf32, #tpu.memory_space<hbm>>
      %dma_wait3A_555 = arith.constant 0 : i32
      %dma_wait3A_556 = arith.constant 0 : i32
      %dma_wait3A_557 = tpu.memref_slice %arg7[%add3A_542, %dma_wait3A_555, %dma_wait3A_556] : memref<1280x32x128xf32, #tpu.memory_space<hbm>> -> memref<1x32x128xf32, #tpu.memory_space<hbm>>
      %dma_wait3A_558 = tpu.memref_squeeze %dma_wait3A_557 : memref<1x32x128xf32, #tpu.memory_space<hbm>> -> memref<32x128xf32, #tpu.memory_space<hbm>>
      tpu.wait_dma2 semaphore(%arg21 : memref<!tpu.dma_semaphore, #tpu.memory_space<semaphore_mem>>) src(%arg17 : memref<32x128xf32, #tpu.memory_space<vmem>>) dst(%dma_wait3A_558 : memref<32x128xf32, #tpu.memory_space<hbm>>)
      %add3A_559 = arith.constant 2 : i32
      %add3A_560 = arith.addi %add3A_462, %add3A_559 : i32
      %mul3A_561 = arith.constant 2 : i32
      %mul3A_562 = arith.muli %add3A_560, %mul3A_561 : i32
      %add3A_563 = arith.constant 0 : i32
      %add3A_564 = arith.addi %mul3A_562, %add3A_563 : i32
      %dma_start3A_565 = arith.constant 0 : i32
      %dma_start3A_566 = arith.constant 0 : i32
      %dma_start3A_567 = tpu.memref_slice %arg11[%dma_start3A_565, %dma_start3A_566] : memref<256x128xbf16, #tpu.memory_space<vmem>> -> memref<128x128xbf16, #tpu.memory_space<vmem>>
      %dma_start3A_568 = arith.constant 0 : i32
      %dma_start3A_569 = tpu.memref_slice %arg8[%add3A_564, %dma_start3A_568] : memref<124x128xi32, #tpu.memory_space<vmem>> -> memref<1x128xi32, #tpu.memory_space<vmem>>
      %dma_start3A_570 = tpu.memref_squeeze %dma_start3A_569 : memref<1x128xi32, #tpu.memory_space<vmem>> -> memref<128xi32, #tpu.memory_space<vmem>>
      %dma_start3A_571 = arith.constant 0 : i32
      %dma_start3A_572 = arith.constant 0 : i32
      %dma_start3A_573 = tpu.memref_slice %arg2[%dma_start3A_571, %dma_start3A_572] : memref<10000x128xbf16, #tpu.memory_space<hbm>> -> memref<10000x128xbf16, #tpu.memory_space<hbm>>
      tpu.enqueue_indirect_dma source(%dma_start3A_573 : memref<10000x128xbf16, #tpu.memory_space<hbm>>) target(%dma_start3A_567 : memref<128x128xbf16, #tpu.memory_space<vmem>>) offsets(%dma_start3A_570 : memref<128xi32, #tpu.memory_space<vmem>>) semaphore(%arg19 : memref<!tpu.dma_semaphore, #tpu.memory_space<semaphore_mem>>)
      %mul3A_574 = arith.constant 2 : i32
      %mul3A_575 = arith.muli %add3A_560, %mul3A_574 : i32
      %add3A_576 = arith.constant 0 : i32
      %add3A_577 = arith.addi %mul3A_575, %add3A_576 : i32
      %dma_start3A_578 = arith.constant 0 : i32
      %dma_start3A_579 = arith.constant 0 : i32
      %dma_start3A_580 = tpu.memref_slice %arg15[%dma_start3A_578, %dma_start3A_579] : memref<256x16xf32, #tpu.memory_space<vmem>> -> memref<128x16xf32, #tpu.memory_space<vmem>>
      %dma_start3A_581 = arith.constant 0 : i32
      %dma_start3A_582 = tpu.memref_slice %arg9[%add3A_577, %dma_start3A_581] : memref<124x128xi32, #tpu.memory_space<vmem>> -> memref<1x128xi32, #tpu.memory_space<vmem>>
      %dma_start3A_583 = tpu.memref_squeeze %dma_start3A_582 : memref<1x128xi32, #tpu.memory_space<vmem>> -> memref<128xi32, #tpu.memory_space<vmem>>
      %dma_start3A_584 = arith.constant 0 : i32
      %dma_start3A_585 = arith.constant 0 : i32
      %dma_start3A_586 = tpu.memref_slice %arg4[%dma_start3A_584, %dma_start3A_585] : memref<320000x16xf32, #tpu.memory_space<hbm>> -> memref<320000x16xf32, #tpu.memory_space<hbm>>
      tpu.enqueue_indirect_dma source(%dma_start3A_586 : memref<320000x16xf32, #tpu.memory_space<hbm>>) target(%dma_start3A_580 : memref<128x16xf32, #tpu.memory_space<vmem>>) offsets(%dma_start3A_583 : memref<128xi32, #tpu.memory_space<vmem>>) semaphore(%arg19 : memref<!tpu.dma_semaphore, #tpu.memory_space<semaphore_mem>>)
      %mul3A_587 = arith.constant 2 : i32
      %mul3A_588 = arith.muli %add3A_560, %mul3A_587 : i32
      %add3A_589 = arith.constant 1 : i32
      %add3A_590 = arith.addi %mul3A_588, %add3A_589 : i32
      %dma_start3A_591 = arith.constant 128 : i32
      %dma_start3A_592 = arith.constant 0 : i32
      %dma_start3A_593 = tpu.memref_slice %arg11[%dma_start3A_591, %dma_start3A_592] : memref<256x128xbf16, #tpu.memory_space<vmem>> -> memref<128x128xbf16, #tpu.memory_space<vmem>>
      %dma_start3A_594 = arith.constant 0 : i32
      %dma_start3A_595 = tpu.memref_slice %arg8[%add3A_590, %dma_start3A_594] : memref<124x128xi32, #tpu.memory_space<vmem>> -> memref<1x128xi32, #tpu.memory_space<vmem>>
      %dma_start3A_596 = tpu.memref_squeeze %dma_start3A_595 : memref<1x128xi32, #tpu.memory_space<vmem>> -> memref<128xi32, #tpu.memory_space<vmem>>
      %dma_start3A_597 = arith.constant 0 : i32
      %dma_start3A_598 = arith.constant 0 : i32
      %dma_start3A_599 = tpu.memref_slice %arg2[%dma_start3A_597, %dma_start3A_598] : memref<10000x128xbf16, #tpu.memory_space<hbm>> -> memref<10000x128xbf16, #tpu.memory_space<hbm>>
      tpu.enqueue_indirect_dma source(%dma_start3A_599 : memref<10000x128xbf16, #tpu.memory_space<hbm>>) target(%dma_start3A_593 : memref<128x128xbf16, #tpu.memory_space<vmem>>) offsets(%dma_start3A_596 : memref<128xi32, #tpu.memory_space<vmem>>) semaphore(%arg19 : memref<!tpu.dma_semaphore, #tpu.memory_space<semaphore_mem>>)
      %mul3A_600 = arith.constant 2 : i32
      %mul3A_601 = arith.muli %add3A_560, %mul3A_600 : i32
      %add3A_602 = arith.constant 1 : i32
      %add3A_603 = arith.addi %mul3A_601, %add3A_602 : i32
      %dma_start3A_604 = arith.constant 128 : i32
      %dma_start3A_605 = arith.constant 0 : i32
      %dma_start3A_606 = tpu.memref_slice %arg15[%dma_start3A_604, %dma_start3A_605] : memref<256x16xf32, #tpu.memory_space<vmem>> -> memref<128x16xf32, #tpu.memory_space<vmem>>
      %dma_start3A_607 = arith.constant 0 : i32
      %dma_start3A_608 = tpu.memref_slice %arg9[%add3A_603, %dma_start3A_607] : memref<124x128xi32, #tpu.memory_space<vmem>> -> memref<1x128xi32, #tpu.memory_space<vmem>>
      %dma_start3A_609 = tpu.memref_squeeze %dma_start3A_608 : memref<1x128xi32, #tpu.memory_space<vmem>> -> memref<128xi32, #tpu.memory_space<vmem>>
      %dma_start3A_610 = arith.constant 0 : i32
      %dma_start3A_611 = arith.constant 0 : i32
      %dma_start3A_612 = tpu.memref_slice %arg4[%dma_start3A_610, %dma_start3A_611] : memref<320000x16xf32, #tpu.memory_space<hbm>> -> memref<320000x16xf32, #tpu.memory_space<hbm>>
      tpu.enqueue_indirect_dma source(%dma_start3A_612 : memref<320000x16xf32, #tpu.memory_space<hbm>>) target(%dma_start3A_606 : memref<128x16xf32, #tpu.memory_space<vmem>>) offsets(%dma_start3A_609 : memref<128xi32, #tpu.memory_space<vmem>>) semaphore(%arg19 : memref<!tpu.dma_semaphore, #tpu.memory_space<semaphore_mem>>)
    }
    %sub3A_108 = arith.constant 2 : i32
    %sub3A_109 = arith.subi %add3A_6, %sub3A_108 : i32
    %add3A_110 = arith.constant 0 : i32
    %add3A_111 = arith.addi %sub3A_109, %add3A_110 : i32
    %mul3A_112 = arith.constant 2 : i32
    %mul3A_113 = arith.muli %add3A_111, %mul3A_112 : i32
    %add3A_114 = arith.constant 0 : i32
    %add3A_115 = arith.addi %mul3A_113, %add3A_114 : i32
    %dma_wait3A = arith.constant 0 : i32
    %dma_wait3A_116 = arith.constant 0 : i32
    %dma_wait3A_117 = tpu.memref_slice %arg10[%dma_wait3A, %dma_wait3A_116] : memref<256x128xbf16, #tpu.memory_space<vmem>> -> memref<128x128xbf16, #tpu.memory_space<vmem>>
    %dma_wait3A_118 = arith.constant 0 : i32
    %dma_wait3A_119 = tpu.memref_slice %arg8[%add3A_115, %dma_wait3A_118] : memref<124x128xi32, #tpu.memory_space<vmem>> -> memref<1x128xi32, #tpu.memory_space<vmem>>
    %dma_wait3A_120 = tpu.memref_squeeze %dma_wait3A_119 : memref<1x128xi32, #tpu.memory_space<vmem>> -> memref<128xi32, #tpu.memory_space<vmem>>
    %dma_wait3A_121 = arith.constant 0 : i32
    %dma_wait3A_122 = arith.constant 0 : i32
    %dma_wait3A_123 = tpu.memref_slice %arg2[%dma_wait3A_121, %dma_wait3A_122] : memref<10000x128xbf16, #tpu.memory_space<hbm>> -> memref<10000x128xbf16, #tpu.memory_space<hbm>>
    tpu.wait_indirect_dma semaphore(%arg18 : memref<!tpu.dma_semaphore, #tpu.memory_space<semaphore_mem>>) src(%dma_wait3A_123 : memref<10000x128xbf16, #tpu.memory_space<hbm>>) dst(%dma_wait3A_117 : memref<128x128xbf16, #tpu.memory_space<vmem>>)
    %mul3A_124 = arith.constant 2 : i32
    %mul3A_125 = arith.muli %add3A_111, %mul3A_124 : i32
    %add3A_126 = arith.constant 0 : i32
    %add3A_127 = arith.addi %mul3A_125, %add3A_126 : i32
    %dma_wait3A_128 = arith.constant 0 : i32
    %dma_wait3A_129 = arith.constant 0 : i32
    %dma_wait3A_130 = tpu.memref_slice %arg14[%dma_wait3A_128, %dma_wait3A_129] : memref<256x16xf32, #tpu.memory_space<vmem>> -> memref<128x16xf32, #tpu.memory_space<vmem>>
    %dma_wait3A_131 = arith.constant 0 : i32
    %dma_wait3A_132 = tpu.memref_slice %arg9[%add3A_127, %dma_wait3A_131] : memref<124x128xi32, #tpu.memory_space<vmem>> -> memref<1x128xi32, #tpu.memory_space<vmem>>
    %dma_wait3A_133 = tpu.memref_squeeze %dma_wait3A_132 : memref<1x128xi32, #tpu.memory_space<vmem>> -> memref<128xi32, #tpu.memory_space<vmem>>
    %dma_wait3A_134 = arith.constant 0 : i32
    %dma_wait3A_135 = arith.constant 0 : i32
    %dma_wait3A_136 = tpu.memref_slice %arg4[%dma_wait3A_134, %dma_wait3A_135] : memref<320000x16xf32, #tpu.memory_space<hbm>> -> memref<320000x16xf32, #tpu.memory_space<hbm>>
    tpu.wait_indirect_dma semaphore(%arg18 : memref<!tpu.dma_semaphore, #tpu.memory_space<semaphore_mem>>) src(%dma_wait3A_136 : memref<320000x16xf32, #tpu.memory_space<hbm>>) dst(%dma_wait3A_130 : memref<128x16xf32, #tpu.memory_space<vmem>>)
    %mul3A_137 = arith.constant 2 : i32
    %mul3A_138 = arith.muli %add3A_111, %mul3A_137 : i32
    %add3A_139 = arith.constant 1 : i32
    %add3A_140 = arith.addi %mul3A_138, %add3A_139 : i32
    %dma_wait3A_141 = arith.constant 128 : i32
    %dma_wait3A_142 = arith.constant 0 : i32
    %dma_wait3A_143 = tpu.memref_slice %arg10[%dma_wait3A_141, %dma_wait3A_142] : memref<256x128xbf16, #tpu.memory_space<vmem>> -> memref<128x128xbf16, #tpu.memory_space<vmem>>
    %dma_wait3A_144 = arith.constant 0 : i32
    %dma_wait3A_145 = tpu.memref_slice %arg8[%add3A_140, %dma_wait3A_144] : memref<124x128xi32, #tpu.memory_space<vmem>> -> memref<1x128xi32, #tpu.memory_space<vmem>>
    %dma_wait3A_146 = tpu.memref_squeeze %dma_wait3A_145 : memref<1x128xi32, #tpu.memory_space<vmem>> -> memref<128xi32, #tpu.memory_space<vmem>>
    %dma_wait3A_147 = arith.constant 0 : i32
    %dma_wait3A_148 = arith.constant 0 : i32
    %dma_wait3A_149 = tpu.memref_slice %arg2[%dma_wait3A_147, %dma_wait3A_148] : memref<10000x128xbf16, #tpu.memory_space<hbm>> -> memref<10000x128xbf16, #tpu.memory_space<hbm>>
    tpu.wait_indirect_dma semaphore(%arg18 : memref<!tpu.dma_semaphore, #tpu.memory_space<semaphore_mem>>) src(%dma_wait3A_149 : memref<10000x128xbf16, #tpu.memory_space<hbm>>) dst(%dma_wait3A_143 : memref<128x128xbf16, #tpu.memory_space<vmem>>)
    %mul3A_150 = arith.constant 2 : i32
    %mul3A_151 = arith.muli %add3A_111, %mul3A_150 : i32
    %add3A_152 = arith.constant 1 : i32
    %add3A_153 = arith.addi %mul3A_151, %add3A_152 : i32
    %dma_wait3A_154 = arith.constant 128 : i32
    %dma_wait3A_155 = arith.constant 0 : i32
    %dma_wait3A_156 = tpu.memref_slice %arg14[%dma_wait3A_154, %dma_wait3A_155] : memref<256x16xf32, #tpu.memory_space<vmem>> -> memref<128x16xf32, #tpu.memory_space<vmem>>
    %dma_wait3A_157 = arith.constant 0 : i32
    %dma_wait3A_158 = tpu.memref_slice %arg9[%add3A_153, %dma_wait3A_157] : memref<124x128xi32, #tpu.memory_space<vmem>> -> memref<1x128xi32, #tpu.memory_space<vmem>>
    %dma_wait3A_159 = tpu.memref_squeeze %dma_wait3A_158 : memref<1x128xi32, #tpu.memory_space<vmem>> -> memref<128xi32, #tpu.memory_space<vmem>>
    %dma_wait3A_160 = arith.constant 0 : i32
    %dma_wait3A_161 = arith.constant 0 : i32
    %dma_wait3A_162 = tpu.memref_slice %arg4[%dma_wait3A_160, %dma_wait3A_161] : memref<320000x16xf32, #tpu.memory_space<hbm>> -> memref<320000x16xf32, #tpu.memory_space<hbm>>
    tpu.wait_indirect_dma semaphore(%arg18 : memref<!tpu.dma_semaphore, #tpu.memory_space<semaphore_mem>>) src(%dma_wait3A_162 : memref<320000x16xf32, #tpu.memory_space<hbm>>) dst(%dma_wait3A_156 : memref<128x16xf32, #tpu.memory_space<vmem>>)
    %scan3A = arith.constant 0 : i32
    %scan3A_163 = arith.constant 128 : i32
    %scan3A_164 = arith.addi %scan3A, %scan3A_163 : i32
    %scan3A_165 = arith.constant 1 : i32
    scf.for %scan3A_306 = %scan3A to %scan3A_164 step %scan3A_165  : i32 {
      %mul3A_307 = arith.constant 1 : i32
      %mul3A_308 = arith.muli %scan3A_306, %mul3A_307 : i32
      %add3A_309 = arith.constant 0 : i32
      %add3A_310 = arith.addi %add3A_309, %mul3A_308 : i32
      %mul3A_311 = arith.constant 2 : i32
      %mul3A_312 = arith.muli %mul3A_311, %add3A_310 : i32
      %get3A = arith.index_cast %mul3A_312 : i32 to index
      %get3A_313 = arith.constant 0 : index
      %get3A_314 = tpu.vector_load %arg10[%get3A, %get3A_313] {strides = array<i32>} : memref<256x128xbf16, #tpu.memory_space<vmem>>, vector<32xbf16>,
      %bitcast3A = vector.bitcast %get3A_314 : vector<32xbf16> to vector<16xf32>
      %swap3A = arith.index_cast %add3A_310 : i32 to index
      %swap3A_315 = arith.constant 0 : index
      %swap3A_316 = tpu.vector_load %arg12[%swap3A, %swap3A_315] {strides = array<i32>} : memref<128x128xf32, #tpu.memory_space<vmem>>, vector<16xf32>,
      tpu.vector_store %arg12[%swap3A, %swap3A_315], %bitcast3A {strides = array<i32>} : memref<128x128xf32, #tpu.memory_space<vmem>>, vector<16xf32>,
      %mul3A_317 = arith.constant 2 : i32
      %mul3A_318 = arith.muli %mul3A_317, %add3A_310 : i32
      %add3A_319 = arith.constant 1 : i32
      %add3A_320 = arith.addi %mul3A_318, %add3A_319 : i32
      %get3A_321 = arith.index_cast %add3A_320 : i32 to index
      %get3A_322 = arith.constant 0 : index
      %get3A_323 = tpu.vector_load %arg10[%get3A_321, %get3A_322] {strides = array<i32>} : memref<256x128xbf16, #tpu.memory_space<vmem>>, vector<32xbf16>,
      %bitcast3A_324 = vector.bitcast %get3A_323 : vector<32xbf16> to vector<16xf32>
      %swap3A_325 = arith.index_cast %add3A_310 : i32 to index
      %swap3A_326 = arith.constant 64 : index
      %swap3A_327 = tpu.vector_load %arg12[%swap3A_325, %swap3A_326] {strides = array<i32>} : memref<128x128xf32, #tpu.memory_space<vmem>>, vector<16xf32>,
      tpu.vector_store %arg12[%swap3A_325, %swap3A_326], %bitcast3A_324 {strides = array<i32>} : memref<128x128xf32, #tpu.memory_space<vmem>>, vector<16xf32>,
      %mul3A_328 = arith.constant 2 : i32
      %mul3A_329 = arith.muli %mul3A_328, %add3A_310 : i32
      %get3A_330 = arith.index_cast %mul3A_329 : i32 to index
      %get3A_331 = arith.constant 32 : index
      %get3A_332 = tpu.vector_load %arg10[%get3A_330, %get3A_331] {strides = array<i32>} : memref<256x128xbf16, #tpu.memory_space<vmem>>, vector<32xbf16>,
      %bitcast3A_333 = vector.bitcast %get3A_332 : vector<32xbf16> to vector<16xf32>
      %swap3A_334 = arith.index_cast %add3A_310 : i32 to index
      %swap3A_335 = arith.constant 16 : index
      %swap3A_336 = tpu.vector_load %arg12[%swap3A_334, %swap3A_335] {strides = array<i32>} : memref<128x128xf32, #tpu.memory_space<vmem>>, vector<16xf32>,
      tpu.vector_store %arg12[%swap3A_334, %swap3A_335], %bitcast3A_333 {strides = array<i32>} : memref<128x128xf32, #tpu.memory_space<vmem>>, vector<16xf32>,
      %mul3A_337 = arith.constant 2 : i32
      %mul3A_338 = arith.muli %mul3A_337, %add3A_310 : i32
      %add3A_339 = arith.constant 1 : i32
      %add3A_340 = arith.addi %mul3A_338, %add3A_339 : i32
      %get3A_341 = arith.index_cast %add3A_340 : i32 to index
      %get3A_342 = arith.constant 32 : index
      %get3A_343 = tpu.vector_load %arg10[%get3A_341, %get3A_342] {strides = array<i32>} : memref<256x128xbf16, #tpu.memory_space<vmem>>, vector<32xbf16>,
      %bitcast3A_344 = vector.bitcast %get3A_343 : vector<32xbf16> to vector<16xf32>
      %swap3A_345 = arith.index_cast %add3A_310 : i32 to index
      %swap3A_346 = arith.constant 80 : index
      %swap3A_347 = tpu.vector_load %arg12[%swap3A_345, %swap3A_346] {strides = array<i32>} : memref<128x128xf32, #tpu.memory_space<vmem>>, vector<16xf32>,
      tpu.vector_store %arg12[%swap3A_345, %swap3A_346], %bitcast3A_344 {strides = array<i32>} : memref<128x128xf32, #tpu.memory_space<vmem>>, vector<16xf32>,
      %mul3A_348 = arith.constant 2 : i32
      %mul3A_349 = arith.muli %mul3A_348, %add3A_310 : i32
      %get3A_350 = arith.index_cast %mul3A_349 : i32 to index
      %get3A_351 = arith.constant 64 : index
      %get3A_352 = tpu.vector_load %arg10[%get3A_350, %get3A_351] {strides = array<i32>} : memref<256x128xbf16, #tpu.memory_space<vmem>>, vector<32xbf16>,
      %bitcast3A_353 = vector.bitcast %get3A_352 : vector<32xbf16> to vector<16xf32>
      %swap3A_354 = arith.index_cast %add3A_310 : i32 to index
      %swap3A_355 = arith.constant 32 : index
      %swap3A_356 = tpu.vector_load %arg12[%swap3A_354, %swap3A_355] {strides = array<i32>} : memref<128x128xf32, #tpu.memory_space<vmem>>, vector<16xf32>,
      tpu.vector_store %arg12[%swap3A_354, %swap3A_355], %bitcast3A_353 {strides = array<i32>} : memref<128x128xf32, #tpu.memory_space<vmem>>, vector<16xf32>,
      %mul3A_357 = arith.constant 2 : i32
      %mul3A_358 = arith.muli %mul3A_357, %add3A_310 : i32
      %add3A_359 = arith.constant 1 : i32
      %add3A_360 = arith.addi %mul3A_358, %add3A_359 : i32
      %get3A_361 = arith.index_cast %add3A_360 : i32 to index
      %get3A_362 = arith.constant 64 : index
      %get3A_363 = tpu.vector_load %arg10[%get3A_361, %get3A_362] {strides = array<i32>} : memref<256x128xbf16, #tpu.memory_space<vmem>>, vector<32xbf16>,
      %bitcast3A_364 = vector.bitcast %get3A_363 : vector<32xbf16> to vector<16xf32>
      %swap3A_365 = arith.index_cast %add3A_310 : i32 to index
      %swap3A_366 = arith.constant 96 : index
      %swap3A_367 = tpu.vector_load %arg12[%swap3A_365, %swap3A_366] {strides = array<i32>} : memref<128x128xf32, #tpu.memory_space<vmem>>, vector<16xf32>,
      tpu.vector_store %arg12[%swap3A_365, %swap3A_366], %bitcast3A_364 {strides = array<i32>} : memref<128x128xf32, #tpu.memory_space<vmem>>, vector<16xf32>,
      %mul3A_368 = arith.constant 2 : i32
      %mul3A_369 = arith.muli %mul3A_368, %add3A_310 : i32
      %get3A_370 = arith.index_cast %mul3A_369 : i32 to index
      %get3A_371 = arith.constant 96 : index
      %get3A_372 = tpu.vector_load %arg10[%get3A_370, %get3A_371] {strides = array<i32>} : memref<256x128xbf16, #tpu.memory_space<vmem>>, vector<32xbf16>,
      %bitcast3A_373 = vector.bitcast %get3A_372 : vector<32xbf16> to vector<16xf32>
      %swap3A_374 = arith.index_cast %add3A_310 : i32 to index
      %swap3A_375 = arith.constant 48 : index
      %swap3A_376 = tpu.vector_load %arg12[%swap3A_374, %swap3A_375] {strides = array<i32>} : memref<128x128xf32, #tpu.memory_space<vmem>>, vector<16xf32>,
      tpu.vector_store %arg12[%swap3A_374, %swap3A_375], %bitcast3A_373 {strides = array<i32>} : memref<128x128xf32, #tpu.memory_space<vmem>>, vector<16xf32>,
      %mul3A_377 = arith.constant 2 : i32
      %mul3A_378 = arith.muli %mul3A_377, %add3A_310 : i32
      %add3A_379 = arith.constant 1 : i32
      %add3A_380 = arith.addi %mul3A_378, %add3A_379 : i32
      %get3A_381 = arith.index_cast %add3A_380 : i32 to index
      %get3A_382 = arith.constant 96 : index
      %get3A_383 = tpu.vector_load %arg10[%get3A_381, %get3A_382] {strides = array<i32>} : memref<256x128xbf16, #tpu.memory_space<vmem>>, vector<32xbf16>,
      %bitcast3A_384 = vector.bitcast %get3A_383 : vector<32xbf16> to vector<16xf32>
      %swap3A_385 = arith.index_cast %add3A_310 : i32 to index
      %swap3A_386 = arith.constant 112 : index
      %swap3A_387 = tpu.vector_load %arg12[%swap3A_385, %swap3A_386] {strides = array<i32>} : memref<128x128xf32, #tpu.memory_space<vmem>>, vector<16xf32>,
      tpu.vector_store %arg12[%swap3A_385, %swap3A_386], %bitcast3A_384 {strides = array<i32>} : memref<128x128xf32, #tpu.memory_space<vmem>>, vector<16xf32>,
    }
    %scan3A_166 = arith.constant 128 : i32
    %scan3A_167 = arith.constant 0 : i32
    %scan3A_168 = arith.constant 32 : i32
    %scan3A_169 = arith.addi %scan3A_167, %scan3A_168 : i32
    %scan3A_170 = arith.constant 1 : i32
    scf.for %scan3A_306 = %scan3A_167 to %scan3A_169 step %scan3A_170  : i32 {
      %mul3A_307 = arith.constant 1 : i32
      %mul3A_308 = arith.muli %scan3A_306, %mul3A_307 : i32
      %add3A_309 = arith.constant 0 : i32
      %add3A_310 = arith.addi %add3A_309, %mul3A_308 : i32
      %mul3A_311 = arith.constant 8 : i32
      %mul3A_312 = arith.muli %mul3A_311, %add3A_310 : i32
      %add3A_313 = arith.constant 0 : i32
      %add3A_314 = arith.addi %mul3A_312, %add3A_313 : i32
      %get3A = arith.index_cast %add3A_314 : i32 to index
      %get3A_315 = arith.constant 0 : index
      %get3A_316 = tpu.vector_load %arg14[%get3A, %get3A_315] {strides = array<i32>} : memref<256x16xf32, #tpu.memory_space<vmem>>, vector<16xf32>,
      %swap3A = arith.index_cast %add3A_310 : i32 to index
      %swap3A_317 = arith.constant 0 : index
      %swap3A_318 = tpu.vector_load %arg16[%swap3A, %swap3A_317] {strides = array<i32>} : memref<32x128xf32, #tpu.memory_space<vmem>>, vector<16xf32>,
      tpu.vector_store %arg16[%swap3A, %swap3A_317], %get3A_316 {strides = array<i32>} : memref<32x128xf32, #tpu.memory_space<vmem>>, vector<16xf32>,
      %mul3A_319 = arith.constant 8 : i32
      %mul3A_320 = arith.muli %mul3A_319, %add3A_310 : i32
      %add3A_321 = arith.constant 1 : i32
      %add3A_322 = arith.addi %mul3A_320, %add3A_321 : i32
      %get3A_323 = arith.index_cast %add3A_322 : i32 to index
      %get3A_324 = arith.constant 0 : index
      %get3A_325 = tpu.vector_load %arg14[%get3A_323, %get3A_324] {strides = array<i32>} : memref<256x16xf32, #tpu.memory_space<vmem>>, vector<16xf32>,
      %swap3A_326 = arith.index_cast %add3A_310 : i32 to index
      %swap3A_327 = arith.constant 16 : index
      %swap3A_328 = tpu.vector_load %arg16[%swap3A_326, %swap3A_327] {strides = array<i32>} : memref<32x128xf32, #tpu.memory_space<vmem>>, vector<16xf32>,
      tpu.vector_store %arg16[%swap3A_326, %swap3A_327], %get3A_325 {strides = array<i32>} : memref<32x128xf32, #tpu.memory_space<vmem>>, vector<16xf32>,
      %mul3A_329 = arith.constant 8 : i32
      %mul3A_330 = arith.muli %mul3A_329, %add3A_310 : i32
      %add3A_331 = arith.constant 2 : i32
      %add3A_332 = arith.addi %mul3A_330, %add3A_331 : i32
      %get3A_333 = arith.index_cast %add3A_332 : i32 to index
      %get3A_334 = arith.constant 0 : index
      %get3A_335 = tpu.vector_load %arg14[%get3A_333, %get3A_334] {strides = array<i32>} : memref<256x16xf32, #tpu.memory_space<vmem>>, vector<16xf32>,
      %swap3A_336 = arith.index_cast %add3A_310 : i32 to index
      %swap3A_337 = arith.constant 32 : index
      %swap3A_338 = tpu.vector_load %arg16[%swap3A_336, %swap3A_337] {strides = array<i32>} : memref<32x128xf32, #tpu.memory_space<vmem>>, vector<16xf32>,
      tpu.vector_store %arg16[%swap3A_336, %swap3A_337], %get3A_335 {strides = array<i32>} : memref<32x128xf32, #tpu.memory_space<vmem>>, vector<16xf32>,
      %mul3A_339 = arith.constant 8 : i32
      %mul3A_340 = arith.muli %mul3A_339, %add3A_310 : i32
      %add3A_341 = arith.constant 3 : i32
      %add3A_342 = arith.addi %mul3A_340, %add3A_341 : i32
      %get3A_343 = arith.index_cast %add3A_342 : i32 to index
      %get3A_344 = arith.constant 0 : index
      %get3A_345 = tpu.vector_load %arg14[%get3A_343, %get3A_344] {strides = array<i32>} : memref<256x16xf32, #tpu.memory_space<vmem>>, vector<16xf32>,
      %swap3A_346 = arith.index_cast %add3A_310 : i32 to index
      %swap3A_347 = arith.constant 48 : index
      %swap3A_348 = tpu.vector_load %arg16[%swap3A_346, %swap3A_347] {strides = array<i32>} : memref<32x128xf32, #tpu.memory_space<vmem>>, vector<16xf32>,
      tpu.vector_store %arg16[%swap3A_346, %swap3A_347], %get3A_345 {strides = array<i32>} : memref<32x128xf32, #tpu.memory_space<vmem>>, vector<16xf32>,
      %mul3A_349 = arith.constant 8 : i32
      %mul3A_350 = arith.muli %mul3A_349, %add3A_310 : i32
      %add3A_351 = arith.constant 4 : i32
      %add3A_352 = arith.addi %mul3A_350, %add3A_351 : i32
      %get3A_353 = arith.index_cast %add3A_352 : i32 to index
      %get3A_354 = arith.constant 0 : index
      %get3A_355 = tpu.vector_load %arg14[%get3A_353, %get3A_354] {strides = array<i32>} : memref<256x16xf32, #tpu.memory_space<vmem>>, vector<16xf32>,
      %swap3A_356 = arith.index_cast %add3A_310 : i32 to index
      %swap3A_357 = arith.constant 64 : index
      %swap3A_358 = tpu.vector_load %arg16[%swap3A_356, %swap3A_357] {strides = array<i32>} : memref<32x128xf32, #tpu.memory_space<vmem>>, vector<16xf32>,
      tpu.vector_store %arg16[%swap3A_356, %swap3A_357], %get3A_355 {strides = array<i32>} : memref<32x128xf32, #tpu.memory_space<vmem>>, vector<16xf32>,
      %mul3A_359 = arith.constant 8 : i32
      %mul3A_360 = arith.muli %mul3A_359, %add3A_310 : i32
      %add3A_361 = arith.constant 5 : i32
      %add3A_362 = arith.addi %mul3A_360, %add3A_361 : i32
      %get3A_363 = arith.index_cast %add3A_362 : i32 to index
      %get3A_364 = arith.constant 0 : index
      %get3A_365 = tpu.vector_load %arg14[%get3A_363, %get3A_364] {strides = array<i32>} : memref<256x16xf32, #tpu.memory_space<vmem>>, vector<16xf32>,
      %swap3A_366 = arith.index_cast %add3A_310 : i32 to index
      %swap3A_367 = arith.constant 80 : index
      %swap3A_368 = tpu.vector_load %arg16[%swap3A_366, %swap3A_367] {strides = array<i32>} : memref<32x128xf32, #tpu.memory_space<vmem>>, vector<16xf32>,
      tpu.vector_store %arg16[%swap3A_366, %swap3A_367], %get3A_365 {strides = array<i32>} : memref<32x128xf32, #tpu.memory_space<vmem>>, vector<16xf32>,
      %mul3A_369 = arith.constant 8 : i32
      %mul3A_370 = arith.muli %mul3A_369, %add3A_310 : i32
      %add3A_371 = arith.constant 6 : i32
      %add3A_372 = arith.addi %mul3A_370, %add3A_371 : i32
      %get3A_373 = arith.index_cast %add3A_372 : i32 to index
      %get3A_374 = arith.constant 0 : index
      %get3A_375 = tpu.vector_load %arg14[%get3A_373, %get3A_374] {strides = array<i32>} : memref<256x16xf32, #tpu.memory_space<vmem>>, vector<16xf32>,
      %swap3A_376 = arith.index_cast %add3A_310 : i32 to index
      %swap3A_377 = arith.constant 96 : index
      %swap3A_378 = tpu.vector_load %arg16[%swap3A_376, %swap3A_377] {strides = array<i32>} : memref<32x128xf32, #tpu.memory_space<vmem>>, vector<16xf32>,
      tpu.vector_store %arg16[%swap3A_376, %swap3A_377], %get3A_375 {strides = array<i32>} : memref<32x128xf32, #tpu.memory_space<vmem>>, vector<16xf32>,
      %mul3A_379 = arith.constant 8 : i32
      %mul3A_380 = arith.muli %mul3A_379, %add3A_310 : i32
      %add3A_381 = arith.constant 7 : i32
      %add3A_382 = arith.addi %mul3A_380, %add3A_381 : i32
      %get3A_383 = arith.index_cast %add3A_382 : i32 to index
      %get3A_384 = arith.constant 0 : index
      %get3A_385 = tpu.vector_load %arg14[%get3A_383, %get3A_384] {strides = array<i32>} : memref<256x16xf32, #tpu.memory_space<vmem>>, vector<16xf32>,
      %swap3A_386 = arith.index_cast %add3A_310 : i32 to index
      %swap3A_387 = arith.constant 112 : index
      %swap3A_388 = tpu.vector_load %arg16[%swap3A_386, %swap3A_387] {strides = array<i32>} : memref<32x128xf32, #tpu.memory_space<vmem>>, vector<16xf32>,
      tpu.vector_store %arg16[%swap3A_386, %swap3A_387], %get3A_385 {strides = array<i32>} : memref<32x128xf32, #tpu.memory_space<vmem>>, vector<16xf32>,
    }
    %scan3A_171 = arith.constant 32 : i32
    %add3A_172 = arith.addi %add3A, %add3A_111 : i32
    %dma_start3A_173 = arith.constant 0 : i32
    %dma_start3A_174 = arith.constant 0 : i32
    %dma_start3A_175 = tpu.memref_slice %arg6[%add3A_172, %dma_start3A_173, %dma_start3A_174] : memref<1280x128x128xf32, #tpu.memory_space<hbm>> -> memref<1x128x128xf32, #tpu.memory_space<hbm>>
    %dma_start3A_176 = tpu.memref_squeeze %dma_start3A_175 : memref<1x128x128xf32, #tpu.memory_space<hbm>> -> memref<128x128xf32, #tpu.memory_space<hbm>>
    %dma_start3A_177 = arith.constant 0 : i32
    %dma_start3A_178 = arith.constant 0 : i32
    %dma_start3A_179 = tpu.memref_slice %arg6[%add3A_172, %dma_start3A_177, %dma_start3A_178] : memref<1280x128x128xf32, #tpu.memory_space<hbm>> -> memref<1x128x128xf32, #tpu.memory_space<hbm>>
    %dma_start3A_180 = tpu.memref_squeeze %dma_start3A_179 : memref<1x128x128xf32, #tpu.memory_space<hbm>> -> memref<128x128xf32, #tpu.memory_space<hbm>>
    tpu.enqueue_dma source(%arg12 : memref<128x128xf32, #tpu.memory_space<vmem>>) target(%dma_start3A_180 : memref<128x128xf32, #tpu.memory_space<hbm>>) target_semaphore(%arg20 : memref<!tpu.dma_semaphore, #tpu.memory_space<semaphore_mem>>)
    %dma_start3A_181 = arith.constant 0 : i32
    %dma_start3A_182 = arith.constant 0 : i32
    %dma_start3A_183 = tpu.memref_slice %arg7[%add3A_172, %dma_start3A_181, %dma_start3A_182] : memref<1280x32x128xf32, #tpu.memory_space<hbm>> -> memref<1x32x128xf32, #tpu.memory_space<hbm>>
    %dma_start3A_184 = tpu.memref_squeeze %dma_start3A_183 : memref<1x32x128xf32, #tpu.memory_space<hbm>> -> memref<32x128xf32, #tpu.memory_space<hbm>>
    %dma_start3A_185 = arith.constant 0 : i32
    %dma_start3A_186 = arith.constant 0 : i32
    %dma_start3A_187 = tpu.memref_slice %arg7[%add3A_172, %dma_start3A_185, %dma_start3A_186] : memref<1280x32x128xf32, #tpu.memory_space<hbm>> -> memref<1x32x128xf32, #tpu.memory_space<hbm>>
    %dma_start3A_188 = tpu.memref_squeeze %dma_start3A_187 : memref<1x32x128xf32, #tpu.memory_space<hbm>> -> memref<32x128xf32, #tpu.memory_space<hbm>>
    tpu.enqueue_dma source(%arg16 : memref<32x128xf32, #tpu.memory_space<vmem>>) target(%dma_start3A_188 : memref<32x128xf32, #tpu.memory_space<hbm>>) target_semaphore(%arg20 : memref<!tpu.dma_semaphore, #tpu.memory_space<semaphore_mem>>)
    %add3A_189 = arith.addi %add3A, %add3A_111 : i32
    %dma_wait3A_190 = arith.constant 0 : i32
    %dma_wait3A_191 = arith.constant 0 : i32
    %dma_wait3A_192 = tpu.memref_slice %arg6[%add3A_189, %dma_wait3A_190, %dma_wait3A_191] : memref<1280x128x128xf32, #tpu.memory_space<hbm>> -> memref<1x128x128xf32, #tpu.memory_space<hbm>>
    %dma_wait3A_193 = tpu.memref_squeeze %dma_wait3A_192 : memref<1x128x128xf32, #tpu.memory_space<hbm>> -> memref<128x128xf32, #tpu.memory_space<hbm>>
    %dma_wait3A_194 = arith.constant 0 : i32
    %dma_wait3A_195 = arith.constant 0 : i32
    %dma_wait3A_196 = tpu.memref_slice %arg6[%add3A_189, %dma_wait3A_194, %dma_wait3A_195] : memref<1280x128x128xf32, #tpu.memory_space<hbm>> -> memref<1x128x128xf32, #tpu.memory_space<hbm>>
    %dma_wait3A_197 = tpu.memref_squeeze %dma_wait3A_196 : memref<1x128x128xf32, #tpu.memory_space<hbm>> -> memref<128x128xf32, #tpu.memory_space<hbm>>
    tpu.wait_dma2 semaphore(%arg20 : memref<!tpu.dma_semaphore, #tpu.memory_space<semaphore_mem>>) src(%arg12 : memref<128x128xf32, #tpu.memory_space<vmem>>) dst(%dma_wait3A_197 : memref<128x128xf32, #tpu.memory_space<hbm>>)
    %dma_wait3A_198 = arith.constant 0 : i32
    %dma_wait3A_199 = arith.constant 0 : i32
    %dma_wait3A_200 = tpu.memref_slice %arg7[%add3A_189, %dma_wait3A_198, %dma_wait3A_199] : memref<1280x32x128xf32, #tpu.memory_space<hbm>> -> memref<1x32x128xf32, #tpu.memory_space<hbm>>
    %dma_wait3A_201 = tpu.memref_squeeze %dma_wait3A_200 : memref<1x32x128xf32, #tpu.memory_space<hbm>> -> memref<32x128xf32, #tpu.memory_space<hbm>>
    %dma_wait3A_202 = arith.constant 0 : i32
    %dma_wait3A_203 = arith.constant 0 : i32
    %dma_wait3A_204 = tpu.memref_slice %arg7[%add3A_189, %dma_wait3A_202, %dma_wait3A_203] : memref<1280x32x128xf32, #tpu.memory_space<hbm>> -> memref<1x32x128xf32, #tpu.memory_space<hbm>>
    %dma_wait3A_205 = tpu.memref_squeeze %dma_wait3A_204 : memref<1x32x128xf32, #tpu.memory_space<hbm>> -> memref<32x128xf32, #tpu.memory_space<hbm>>
    tpu.wait_dma2 semaphore(%arg20 : memref<!tpu.dma_semaphore, #tpu.memory_space<semaphore_mem>>) src(%arg16 : memref<32x128xf32, #tpu.memory_space<vmem>>) dst(%dma_wait3A_205 : memref<32x128xf32, #tpu.memory_space<hbm>>)
    %sub3A_206 = arith.constant 2 : i32
    %sub3A_207 = arith.subi %add3A_6, %sub3A_206 : i32
    %add3A_208 = arith.constant 1 : i32
    %add3A_209 = arith.addi %sub3A_207, %add3A_208 : i32
    %mul3A_210 = arith.constant 2 : i32
    %mul3A_211 = arith.muli %add3A_209, %mul3A_210 : i32
    %add3A_212 = arith.constant 0 : i32
    %add3A_213 = arith.addi %mul3A_211, %add3A_212 : i32
    %dma_wait3A_214 = arith.constant 0 : i32
    %dma_wait3A_215 = arith.constant 0 : i32
    %dma_wait3A_216 = tpu.memref_slice %arg11[%dma_wait3A_214, %dma_wait3A_215] : memref<256x128xbf16, #tpu.memory_space<vmem>> -> memref<128x128xbf16, #tpu.memory_space<vmem>>
    %dma_wait3A_217 = arith.constant 0 : i32
    %dma_wait3A_218 = tpu.memref_slice %arg8[%add3A_213, %dma_wait3A_217] : memref<124x128xi32, #tpu.memory_space<vmem>> -> memref<1x128xi32, #tpu.memory_space<vmem>>
    %dma_wait3A_219 = tpu.memref_squeeze %dma_wait3A_218 : memref<1x128xi32, #tpu.memory_space<vmem>> -> memref<128xi32, #tpu.memory_space<vmem>>
    %dma_wait3A_220 = arith.constant 0 : i32
    %dma_wait3A_221 = arith.constant 0 : i32
    %dma_wait3A_222 = tpu.memref_slice %arg2[%dma_wait3A_220, %dma_wait3A_221] : memref<10000x128xbf16, #tpu.memory_space<hbm>> -> memref<10000x128xbf16, #tpu.memory_space<hbm>>
    tpu.wait_indirect_dma semaphore(%arg19 : memref<!tpu.dma_semaphore, #tpu.memory_space<semaphore_mem>>) src(%dma_wait3A_222 : memref<10000x128xbf16, #tpu.memory_space<hbm>>) dst(%dma_wait3A_216 : memref<128x128xbf16, #tpu.memory_space<vmem>>)
    %mul3A_223 = arith.constant 2 : i32
    %mul3A_224 = arith.muli %add3A_209, %mul3A_223 : i32
    %add3A_225 = arith.constant 0 : i32
    %add3A_226 = arith.addi %mul3A_224, %add3A_225 : i32
    %dma_wait3A_227 = arith.constant 0 : i32
    %dma_wait3A_228 = arith.constant 0 : i32
    %dma_wait3A_229 = tpu.memref_slice %arg15[%dma_wait3A_227, %dma_wait3A_228] : memref<256x16xf32, #tpu.memory_space<vmem>> -> memref<128x16xf32, #tpu.memory_space<vmem>>
    %dma_wait3A_230 = arith.constant 0 : i32
    %dma_wait3A_231 = tpu.memref_slice %arg9[%add3A_226, %dma_wait3A_230] : memref<124x128xi32, #tpu.memory_space<vmem>> -> memref<1x128xi32, #tpu.memory_space<vmem>>
    %dma_wait3A_232 = tpu.memref_squeeze %dma_wait3A_231 : memref<1x128xi32, #tpu.memory_space<vmem>> -> memref<128xi32, #tpu.memory_space<vmem>>
    %dma_wait3A_233 = arith.constant 0 : i32
    %dma_wait3A_234 = arith.constant 0 : i32
    %dma_wait3A_235 = tpu.memref_slice %arg4[%dma_wait3A_233, %dma_wait3A_234] : memref<320000x16xf32, #tpu.memory_space<hbm>> -> memref<320000x16xf32, #tpu.memory_space<hbm>>
    tpu.wait_indirect_dma semaphore(%arg19 : memref<!tpu.dma_semaphore, #tpu.memory_space<semaphore_mem>>) src(%dma_wait3A_235 : memref<320000x16xf32, #tpu.memory_space<hbm>>) dst(%dma_wait3A_229 : memref<128x16xf32, #tpu.memory_space<vmem>>)
    %mul3A_236 = arith.constant 2 : i32
    %mul3A_237 = arith.muli %add3A_209, %mul3A_236 : i32
    %add3A_238 = arith.constant 1 : i32
    %add3A_239 = arith.addi %mul3A_237, %add3A_238 : i32
    %dma_wait3A_240 = arith.constant 128 : i32
    %dma_wait3A_241 = arith.constant 0 : i32
    %dma_wait3A_242 = tpu.memref_slice %arg11[%dma_wait3A_240, %dma_wait3A_241] : memref<256x128xbf16, #tpu.memory_space<vmem>> -> memref<128x128xbf16, #tpu.memory_space<vmem>>
    %dma_wait3A_243 = arith.constant 0 : i32
    %dma_wait3A_244 = tpu.memref_slice %arg8[%add3A_239, %dma_wait3A_243] : memref<124x128xi32, #tpu.memory_space<vmem>> -> memref<1x128xi32, #tpu.memory_space<vmem>>
    %dma_wait3A_245 = tpu.memref_squeeze %dma_wait3A_244 : memref<1x128xi32, #tpu.memory_space<vmem>> -> memref<128xi32, #tpu.memory_space<vmem>>
    %dma_wait3A_246 = arith.constant 0 : i32
    %dma_wait3A_247 = arith.constant 0 : i32
    %dma_wait3A_248 = tpu.memref_slice %arg2[%dma_wait3A_246, %dma_wait3A_247] : memref<10000x128xbf16, #tpu.memory_space<hbm>> -> memref<10000x128xbf16, #tpu.memory_space<hbm>>
    tpu.wait_indirect_dma semaphore(%arg19 : memref<!tpu.dma_semaphore, #tpu.memory_space<semaphore_mem>>) src(%dma_wait3A_248 : memref<10000x128xbf16, #tpu.memory_space<hbm>>) dst(%dma_wait3A_242 : memref<128x128xbf16, #tpu.memory_space<vmem>>)
    %mul3A_249 = arith.constant 2 : i32
    %mul3A_250 = arith.muli %add3A_209, %mul3A_249 : i32
    %add3A_251 = arith.constant 1 : i32
    %add3A_252 = arith.addi %mul3A_250, %add3A_251 : i32
    %dma_wait3A_253 = arith.constant 128 : i32
    %dma_wait3A_254 = arith.constant 0 : i32
    %dma_wait3A_255 = tpu.memref_slice %arg15[%dma_wait3A_253, %dma_wait3A_254] : memref<256x16xf32, #tpu.memory_space<vmem>> -> memref<128x16xf32, #tpu.memory_space<vmem>>
    %dma_wait3A_256 = arith.constant 0 : i32
    %dma_wait3A_257 = tpu.memref_slice %arg9[%add3A_252, %dma_wait3A_256] : memref<124x128xi32, #tpu.memory_space<vmem>> -> memref<1x128xi32, #tpu.memory_space<vmem>>
    %dma_wait3A_258 = tpu.memref_squeeze %dma_wait3A_257 : memref<1x128xi32, #tpu.memory_space<vmem>> -> memref<128xi32, #tpu.memory_space<vmem>>
    %dma_wait3A_259 = arith.constant 0 : i32
    %dma_wait3A_260 = arith.constant 0 : i32
    %dma_wait3A_261 = tpu.memref_slice %arg4[%dma_wait3A_259, %dma_wait3A_260] : memref<320000x16xf32, #tpu.memory_space<hbm>> -> memref<320000x16xf32, #tpu.memory_space<hbm>>
    tpu.wait_indirect_dma semaphore(%arg19 : memref<!tpu.dma_semaphore, #tpu.memory_space<semaphore_mem>>) src(%dma_wait3A_261 : memref<320000x16xf32, #tpu.memory_space<hbm>>) dst(%dma_wait3A_255 : memref<128x16xf32, #tpu.memory_space<vmem>>)
    %scan3A_262 = arith.constant 0 : i32
    %scan3A_263 = arith.constant 128 : i32
    %scan3A_264 = arith.addi %scan3A_262, %scan3A_263 : i32
    %scan3A_265 = arith.constant 1 : i32
    scf.for %scan3A_306 = %scan3A_262 to %scan3A_264 step %scan3A_265  : i32 {
      %mul3A_307 = arith.constant 1 : i32
      %mul3A_308 = arith.muli %scan3A_306, %mul3A_307 : i32
      %add3A_309 = arith.constant 0 : i32
      %add3A_310 = arith.addi %add3A_309, %mul3A_308 : i32
      %mul3A_311 = arith.constant 2 : i32
      %mul3A_312 = arith.muli %mul3A_311, %add3A_310 : i32
      %get3A = arith.index_cast %mul3A_312 : i32 to index
      %get3A_313 = arith.constant 0 : index
      %get3A_314 = tpu.vector_load %arg11[%get3A, %get3A_313] {strides = array<i32>} : memref<256x128xbf16, #tpu.memory_space<vmem>>, vector<32xbf16>,
      %bitcast3A = vector.bitcast %get3A_314 : vector<32xbf16> to vector<16xf32>
      %swap3A = arith.index_cast %add3A_310 : i32 to index
      %swap3A_315 = arith.constant 0 : index
      %swap3A_316 = tpu.vector_load %arg13[%swap3A, %swap3A_315] {strides = array<i32>} : memref<128x128xf32, #tpu.memory_space<vmem>>, vector<16xf32>,
      tpu.vector_store %arg13[%swap3A, %swap3A_315], %bitcast3A {strides = array<i32>} : memref<128x128xf32, #tpu.memory_space<vmem>>, vector<16xf32>,
      %mul3A_317 = arith.constant 2 : i32
      %mul3A_318 = arith.muli %mul3A_317, %add3A_310 : i32
      %add3A_319 = arith.constant 1 : i32
      %add3A_320 = arith.addi %mul3A_318, %add3A_319 : i32
      %get3A_321 = arith.index_cast %add3A_320 : i32 to index
      %get3A_322 = arith.constant 0 : index
      %get3A_323 = tpu.vector_load %arg11[%get3A_321, %get3A_322] {strides = array<i32>} : memref<256x128xbf16, #tpu.memory_space<vmem>>, vector<32xbf16>,
      %bitcast3A_324 = vector.bitcast %get3A_323 : vector<32xbf16> to vector<16xf32>
      %swap3A_325 = arith.index_cast %add3A_310 : i32 to index
      %swap3A_326 = arith.constant 64 : index
      %swap3A_327 = tpu.vector_load %arg13[%swap3A_325, %swap3A_326] {strides = array<i32>} : memref<128x128xf32, #tpu.memory_space<vmem>>, vector<16xf32>,
      tpu.vector_store %arg13[%swap3A_325, %swap3A_326], %bitcast3A_324 {strides = array<i32>} : memref<128x128xf32, #tpu.memory_space<vmem>>, vector<16xf32>,
      %mul3A_328 = arith.constant 2 : i32
      %mul3A_329 = arith.muli %mul3A_328, %add3A_310 : i32
      %get3A_330 = arith.index_cast %mul3A_329 : i32 to index
      %get3A_331 = arith.constant 32 : index
      %get3A_332 = tpu.vector_load %arg11[%get3A_330, %get3A_331] {strides = array<i32>} : memref<256x128xbf16, #tpu.memory_space<vmem>>, vector<32xbf16>,
      %bitcast3A_333 = vector.bitcast %get3A_332 : vector<32xbf16> to vector<16xf32>
      %swap3A_334 = arith.index_cast %add3A_310 : i32 to index
      %swap3A_335 = arith.constant 16 : index
      %swap3A_336 = tpu.vector_load %arg13[%swap3A_334, %swap3A_335] {strides = array<i32>} : memref<128x128xf32, #tpu.memory_space<vmem>>, vector<16xf32>,
      tpu.vector_store %arg13[%swap3A_334, %swap3A_335], %bitcast3A_333 {strides = array<i32>} : memref<128x128xf32, #tpu.memory_space<vmem>>, vector<16xf32>,
      %mul3A_337 = arith.constant 2 : i32
      %mul3A_338 = arith.muli %mul3A_337, %add3A_310 : i32
      %add3A_339 = arith.constant 1 : i32
      %add3A_340 = arith.addi %mul3A_338, %add3A_339 : i32
      %get3A_341 = arith.index_cast %add3A_340 : i32 to index
      %get3A_342 = arith.constant 32 : index
      %get3A_343 = tpu.vector_load %arg11[%get3A_341, %get3A_342] {strides = array<i32>} : memref<256x128xbf16, #tpu.memory_space<vmem>>, vector<32xbf16>,
      %bitcast3A_344 = vector.bitcast %get3A_343 : vector<32xbf16> to vector<16xf32>
      %swap3A_345 = arith.index_cast %add3A_310 : i32 to index
      %swap3A_346 = arith.constant 80 : index
      %swap3A_347 = tpu.vector_load %arg13[%swap3A_345, %swap3A_346] {strides = array<i32>} : memref<128x128xf32, #tpu.memory_space<vmem>>, vector<16xf32>,
      tpu.vector_store %arg13[%swap3A_345, %swap3A_346], %bitcast3A_344 {strides = array<i32>} : memref<128x128xf32, #tpu.memory_space<vmem>>, vector<16xf32>,
      %mul3A_348 = arith.constant 2 : i32
      %mul3A_349 = arith.muli %mul3A_348, %add3A_310 : i32
      %get3A_350 = arith.index_cast %mul3A_349 : i32 to index
      %get3A_351 = arith.constant 64 : index
      %get3A_352 = tpu.vector_load %arg11[%get3A_350, %get3A_351] {strides = array<i32>} : memref<256x128xbf16, #tpu.memory_space<vmem>>, vector<32xbf16>,
      %bitcast3A_353 = vector.bitcast %get3A_352 : vector<32xbf16> to vector<16xf32>
      %swap3A_354 = arith.index_cast %add3A_310 : i32 to index
      %swap3A_355 = arith.constant 32 : index
      %swap3A_356 = tpu.vector_load %arg13[%swap3A_354, %swap3A_355] {strides = array<i32>} : memref<128x128xf32, #tpu.memory_space<vmem>>, vector<16xf32>,
      tpu.vector_store %arg13[%swap3A_354, %swap3A_355], %bitcast3A_353 {strides = array<i32>} : memref<128x128xf32, #tpu.memory_space<vmem>>, vector<16xf32>,
      %mul3A_357 = arith.constant 2 : i32
      %mul3A_358 = arith.muli %mul3A_357, %add3A_310 : i32
      %add3A_359 = arith.constant 1 : i32
      %add3A_360 = arith.addi %mul3A_358, %add3A_359 : i32
      %get3A_361 = arith.index_cast %add3A_360 : i32 to index
      %get3A_362 = arith.constant 64 : index
      %get3A_363 = tpu.vector_load %arg11[%get3A_361, %get3A_362] {strides = array<i32>} : memref<256x128xbf16, #tpu.memory_space<vmem>>, vector<32xbf16>,
      %bitcast3A_364 = vector.bitcast %get3A_363 : vector<32xbf16> to vector<16xf32>
      %swap3A_365 = arith.index_cast %add3A_310 : i32 to index
      %swap3A_366 = arith.constant 96 : index
      %swap3A_367 = tpu.vector_load %arg13[%swap3A_365, %swap3A_366] {strides = array<i32>} : memref<128x128xf32, #tpu.memory_space<vmem>>, vector<16xf32>,
      tpu.vector_store %arg13[%swap3A_365, %swap3A_366], %bitcast3A_364 {strides = array<i32>} : memref<128x128xf32, #tpu.memory_space<vmem>>, vector<16xf32>,
      %mul3A_368 = arith.constant 2 : i32
      %mul3A_369 = arith.muli %mul3A_368, %add3A_310 : i32
      %get3A_370 = arith.index_cast %mul3A_369 : i32 to index
      %get3A_371 = arith.constant 96 : index
      %get3A_372 = tpu.vector_load %arg11[%get3A_370, %get3A_371] {strides = array<i32>} : memref<256x128xbf16, #tpu.memory_space<vmem>>, vector<32xbf16>,
      %bitcast3A_373 = vector.bitcast %get3A_372 : vector<32xbf16> to vector<16xf32>
      %swap3A_374 = arith.index_cast %add3A_310 : i32 to index
      %swap3A_375 = arith.constant 48 : index
      %swap3A_376 = tpu.vector_load %arg13[%swap3A_374, %swap3A_375] {strides = array<i32>} : memref<128x128xf32, #tpu.memory_space<vmem>>, vector<16xf32>,
      tpu.vector_store %arg13[%swap3A_374, %swap3A_375], %bitcast3A_373 {strides = array<i32>} : memref<128x128xf32, #tpu.memory_space<vmem>>, vector<16xf32>,
      %mul3A_377 = arith.constant 2 : i32
      %mul3A_378 = arith.muli %mul3A_377, %add3A_310 : i32
      %add3A_379 = arith.constant 1 : i32
      %add3A_380 = arith.addi %mul3A_378, %add3A_379 : i32
      %get3A_381 = arith.index_cast %add3A_380 : i32 to index
      %get3A_382 = arith.constant 96 : index
      %get3A_383 = tpu.vector_load %arg11[%get3A_381, %get3A_382] {strides = array<i32>} : memref<256x128xbf16, #tpu.memory_space<vmem>>, vector<32xbf16>,
      %bitcast3A_384 = vector.bitcast %get3A_383 : vector<32xbf16> to vector<16xf32>
      %swap3A_385 = arith.index_cast %add3A_310 : i32 to index
      %swap3A_386 = arith.constant 112 : index
      %swap3A_387 = tpu.vector_load %arg13[%swap3A_385, %swap3A_386] {strides = array<i32>} : memref<128x128xf32, #tpu.memory_space<vmem>>, vector<16xf32>,
      tpu.vector_store %arg13[%swap3A_385, %swap3A_386], %bitcast3A_384 {strides = array<i32>} : memref<128x128xf32, #tpu.memory_space<vmem>>, vector<16xf32>,
    }
    %scan3A_266 = arith.constant 128 : i32
    %scan3A_267 = arith.constant 0 : i32
    %scan3A_268 = arith.constant 32 : i32
    %scan3A_269 = arith.addi %scan3A_267, %scan3A_268 : i32
    %scan3A_270 = arith.constant 1 : i32
    scf.for %scan3A_306 = %scan3A_267 to %scan3A_269 step %scan3A_270  : i32 {
      %mul3A_307 = arith.constant 1 : i32
      %mul3A_308 = arith.muli %scan3A_306, %mul3A_307 : i32
      %add3A_309 = arith.constant 0 : i32
      %add3A_310 = arith.addi %add3A_309, %mul3A_308 : i32
      %mul3A_311 = arith.constant 8 : i32
      %mul3A_312 = arith.muli %mul3A_311, %add3A_310 : i32
      %add3A_313 = arith.constant 0 : i32
      %add3A_314 = arith.addi %mul3A_312, %add3A_313 : i32
      %get3A = arith.index_cast %add3A_314 : i32 to index
      %get3A_315 = arith.constant 0 : index
      %get3A_316 = tpu.vector_load %arg15[%get3A, %get3A_315] {strides = array<i32>} : memref<256x16xf32, #tpu.memory_space<vmem>>, vector<16xf32>,
      %swap3A = arith.index_cast %add3A_310 : i32 to index
      %swap3A_317 = arith.constant 0 : index
      %swap3A_318 = tpu.vector_load %arg17[%swap3A, %swap3A_317] {strides = array<i32>} : memref<32x128xf32, #tpu.memory_space<vmem>>, vector<16xf32>,
      tpu.vector_store %arg17[%swap3A, %swap3A_317], %get3A_316 {strides = array<i32>} : memref<32x128xf32, #tpu.memory_space<vmem>>, vector<16xf32>,
      %mul3A_319 = arith.constant 8 : i32
      %mul3A_320 = arith.muli %mul3A_319, %add3A_310 : i32
      %add3A_321 = arith.constant 1 : i32
      %add3A_322 = arith.addi %mul3A_320, %add3A_321 : i32
      %get3A_323 = arith.index_cast %add3A_322 : i32 to index
      %get3A_324 = arith.constant 0 : index
      %get3A_325 = tpu.vector_load %arg15[%get3A_323, %get3A_324] {strides = array<i32>} : memref<256x16xf32, #tpu.memory_space<vmem>>, vector<16xf32>,
      %swap3A_326 = arith.index_cast %add3A_310 : i32 to index
      %swap3A_327 = arith.constant 16 : index
      %swap3A_328 = tpu.vector_load %arg17[%swap3A_326, %swap3A_327] {strides = array<i32>} : memref<32x128xf32, #tpu.memory_space<vmem>>, vector<16xf32>,
      tpu.vector_store %arg17[%swap3A_326, %swap3A_327], %get3A_325 {strides = array<i32>} : memref<32x128xf32, #tpu.memory_space<vmem>>, vector<16xf32>,
      %mul3A_329 = arith.constant 8 : i32
      %mul3A_330 = arith.muli %mul3A_329, %add3A_310 : i32
      %add3A_331 = arith.constant 2 : i32
      %add3A_332 = arith.addi %mul3A_330, %add3A_331 : i32
      %get3A_333 = arith.index_cast %add3A_332 : i32 to index
      %get3A_334 = arith.constant 0 : index
      %get3A_335 = tpu.vector_load %arg15[%get3A_333, %get3A_334] {strides = array<i32>} : memref<256x16xf32, #tpu.memory_space<vmem>>, vector<16xf32>,
      %swap3A_336 = arith.index_cast %add3A_310 : i32 to index
      %swap3A_337 = arith.constant 32 : index
      %swap3A_338 = tpu.vector_load %arg17[%swap3A_336, %swap3A_337] {strides = array<i32>} : memref<32x128xf32, #tpu.memory_space<vmem>>, vector<16xf32>,
      tpu.vector_store %arg17[%swap3A_336, %swap3A_337], %get3A_335 {strides = array<i32>} : memref<32x128xf32, #tpu.memory_space<vmem>>, vector<16xf32>,
      %mul3A_339 = arith.constant 8 : i32
      %mul3A_340 = arith.muli %mul3A_339, %add3A_310 : i32
      %add3A_341 = arith.constant 3 : i32
      %add3A_342 = arith.addi %mul3A_340, %add3A_341 : i32
      %get3A_343 = arith.index_cast %add3A_342 : i32 to index
      %get3A_344 = arith.constant 0 : index
      %get3A_345 = tpu.vector_load %arg15[%get3A_343, %get3A_344] {strides = array<i32>} : memref<256x16xf32, #tpu.memory_space<vmem>>, vector<16xf32>,
      %swap3A_346 = arith.index_cast %add3A_310 : i32 to index
      %swap3A_347 = arith.constant 48 : index
      %swap3A_348 = tpu.vector_load %arg17[%swap3A_346, %swap3A_347] {strides = array<i32>} : memref<32x128xf32, #tpu.memory_space<vmem>>, vector<16xf32>,
      tpu.vector_store %arg17[%swap3A_346, %swap3A_347], %get3A_345 {strides = array<i32>} : memref<32x128xf32, #tpu.memory_space<vmem>>, vector<16xf32>,
      %mul3A_349 = arith.constant 8 : i32
      %mul3A_350 = arith.muli %mul3A_349, %add3A_310 : i32
      %add3A_351 = arith.constant 4 : i32
      %add3A_352 = arith.addi %mul3A_350, %add3A_351 : i32
      %get3A_353 = arith.index_cast %add3A_352 : i32 to index
      %get3A_354 = arith.constant 0 : index
      %get3A_355 = tpu.vector_load %arg15[%get3A_353, %get3A_354] {strides = array<i32>} : memref<256x16xf32, #tpu.memory_space<vmem>>, vector<16xf32>,
      %swap3A_356 = arith.index_cast %add3A_310 : i32 to index
      %swap3A_357 = arith.constant 64 : index
      %swap3A_358 = tpu.vector_load %arg17[%swap3A_356, %swap3A_357] {strides = array<i32>} : memref<32x128xf32, #tpu.memory_space<vmem>>, vector<16xf32>,
      tpu.vector_store %arg17[%swap3A_356, %swap3A_357], %get3A_355 {strides = array<i32>} : memref<32x128xf32, #tpu.memory_space<vmem>>, vector<16xf32>,
      %mul3A_359 = arith.constant 8 : i32
      %mul3A_360 = arith.muli %mul3A_359, %add3A_310 : i32
      %add3A_361 = arith.constant 5 : i32
      %add3A_362 = arith.addi %mul3A_360, %add3A_361 : i32
      %get3A_363 = arith.index_cast %add3A_362 : i32 to index
      %get3A_364 = arith.constant 0 : index
      %get3A_365 = tpu.vector_load %arg15[%get3A_363, %get3A_364] {strides = array<i32>} : memref<256x16xf32, #tpu.memory_space<vmem>>, vector<16xf32>,
      %swap3A_366 = arith.index_cast %add3A_310 : i32 to index
      %swap3A_367 = arith.constant 80 : index
      %swap3A_368 = tpu.vector_load %arg17[%swap3A_366, %swap3A_367] {strides = array<i32>} : memref<32x128xf32, #tpu.memory_space<vmem>>, vector<16xf32>,
      tpu.vector_store %arg17[%swap3A_366, %swap3A_367], %get3A_365 {strides = array<i32>} : memref<32x128xf32, #tpu.memory_space<vmem>>, vector<16xf32>,
      %mul3A_369 = arith.constant 8 : i32
      %mul3A_370 = arith.muli %mul3A_369, %add3A_310 : i32
      %add3A_371 = arith.constant 6 : i32
      %add3A_372 = arith.addi %mul3A_370, %add3A_371 : i32
      %get3A_373 = arith.index_cast %add3A_372 : i32 to index
      %get3A_374 = arith.constant 0 : index
      %get3A_375 = tpu.vector_load %arg15[%get3A_373, %get3A_374] {strides = array<i32>} : memref<256x16xf32, #tpu.memory_space<vmem>>, vector<16xf32>,
      %swap3A_376 = arith.index_cast %add3A_310 : i32 to index
      %swap3A_377 = arith.constant 96 : index
      %swap3A_378 = tpu.vector_load %arg17[%swap3A_376, %swap3A_377] {strides = array<i32>} : memref<32x128xf32, #tpu.memory_space<vmem>>, vector<16xf32>,
      tpu.vector_store %arg17[%swap3A_376, %swap3A_377], %get3A_375 {strides = array<i32>} : memref<32x128xf32, #tpu.memory_space<vmem>>, vector<16xf32>,
      %mul3A_379 = arith.constant 8 : i32
      %mul3A_380 = arith.muli %mul3A_379, %add3A_310 : i32
      %add3A_381 = arith.constant 7 : i32
      %add3A_382 = arith.addi %mul3A_380, %add3A_381 : i32
      %get3A_383 = arith.index_cast %add3A_382 : i32 to index
      %get3A_384 = arith.constant 0 : index
      %get3A_385 = tpu.vector_load %arg15[%get3A_383, %get3A_384] {strides = array<i32>} : memref<256x16xf32, #tpu.memory_space<vmem>>, vector<16xf32>,
      %swap3A_386 = arith.index_cast %add3A_310 : i32 to index
      %swap3A_387 = arith.constant 112 : index
      %swap3A_388 = tpu.vector_load %arg17[%swap3A_386, %swap3A_387] {strides = array<i32>} : memref<32x128xf32, #tpu.memory_space<vmem>>, vector<16xf32>,
      tpu.vector_store %arg17[%swap3A_386, %swap3A_387], %get3A_385 {strides = array<i32>} : memref<32x128xf32, #tpu.memory_space<vmem>>, vector<16xf32>,
    }
    %scan3A_271 = arith.constant 32 : i32
    %add3A_272 = arith.addi %add3A, %add3A_209 : i32
    %dma_start3A_273 = arith.constant 0 : i32
    %dma_start3A_274 = arith.constant 0 : i32
    %dma_start3A_275 = tpu.memref_slice %arg6[%add3A_272, %dma_start3A_273, %dma_start3A_274] : memref<1280x128x128xf32, #tpu.memory_space<hbm>> -> memref<1x128x128xf32, #tpu.memory_space<hbm>>
    %dma_start3A_276 = tpu.memref_squeeze %dma_start3A_275 : memref<1x128x128xf32, #tpu.memory_space<hbm>> -> memref<128x128xf32, #tpu.memory_space<hbm>>
    %dma_start3A_277 = arith.constant 0 : i32
    %dma_start3A_278 = arith.constant 0 : i32
    %dma_start3A_279 = tpu.memref_slice %arg6[%add3A_272, %dma_start3A_277, %dma_start3A_278] : memref<1280x128x128xf32, #tpu.memory_space<hbm>> -> memref<1x128x128xf32, #tpu.memory_space<hbm>>
    %dma_start3A_280 = tpu.memref_squeeze %dma_start3A_279 : memref<1x128x128xf32, #tpu.memory_space<hbm>> -> memref<128x128xf32, #tpu.memory_space<hbm>>
    tpu.enqueue_dma source(%arg13 : memref<128x128xf32, #tpu.memory_space<vmem>>) target(%dma_start3A_280 : memref<128x128xf32, #tpu.memory_space<hbm>>) target_semaphore(%arg21 : memref<!tpu.dma_semaphore, #tpu.memory_space<semaphore_mem>>)
    %dma_start3A_281 = arith.constant 0 : i32
    %dma_start3A_282 = arith.constant 0 : i32
    %dma_start3A_283 = tpu.memref_slice %arg7[%add3A_272, %dma_start3A_281, %dma_start3A_282] : memref<1280x32x128xf32, #tpu.memory_space<hbm>> -> memref<1x32x128xf32, #tpu.memory_space<hbm>>
    %dma_start3A_284 = tpu.memref_squeeze %dma_start3A_283 : memref<1x32x128xf32, #tpu.memory_space<hbm>> -> memref<32x128xf32, #tpu.memory_space<hbm>>
    %dma_start3A_285 = arith.constant 0 : i32
    %dma_start3A_286 = arith.constant 0 : i32
    %dma_start3A_287 = tpu.memref_slice %arg7[%add3A_272, %dma_start3A_285, %dma_start3A_286] : memref<1280x32x128xf32, #tpu.memory_space<hbm>> -> memref<1x32x128xf32, #tpu.memory_space<hbm>>
    %dma_start3A_288 = tpu.memref_squeeze %dma_start3A_287 : memref<1x32x128xf32, #tpu.memory_space<hbm>> -> memref<32x128xf32, #tpu.memory_space<hbm>>
    tpu.enqueue_dma source(%arg17 : memref<32x128xf32, #tpu.memory_space<vmem>>) target(%dma_start3A_288 : memref<32x128xf32, #tpu.memory_space<hbm>>) target_semaphore(%arg21 : memref<!tpu.dma_semaphore, #tpu.memory_space<semaphore_mem>>)
    %add3A_289 = arith.addi %add3A, %add3A_209 : i32
    %dma_wait3A_290 = arith.constant 0 : i32
    %dma_wait3A_291 = arith.constant 0 : i32
    %dma_wait3A_292 = tpu.memref_slice %arg6[%add3A_289, %dma_wait3A_290, %dma_wait3A_291] : memref<1280x128x128xf32, #tpu.memory_space<hbm>> -> memref<1x128x128xf32, #tpu.memory_space<hbm>>
    %dma_wait3A_293 = tpu.memref_squeeze %dma_wait3A_292 : memref<1x128x128xf32, #tpu.memory_space<hbm>> -> memref<128x128xf32, #tpu.memory_space<hbm>>
    %dma_wait3A_294 = arith.constant 0 : i32
    %dma_wait3A_295 = arith.constant 0 : i32
    %dma_wait3A_296 = tpu.memref_slice %arg6[%add3A_289, %dma_wait3A_294, %dma_wait3A_295] : memref<1280x128x128xf32, #tpu.memory_space<hbm>> -> memref<1x128x128xf32, #tpu.memory_space<hbm>>
    %dma_wait3A_297 = tpu.memref_squeeze %dma_wait3A_296 : memref<1x128x128xf32, #tpu.memory_space<hbm>> -> memref<128x128xf32, #tpu.memory_space<hbm>>
    tpu.wait_dma2 semaphore(%arg21 : memref<!tpu.dma_semaphore, #tpu.memory_space<semaphore_mem>>) src(%arg13 : memref<128x128xf32, #tpu.memory_space<vmem>>) dst(%dma_wait3A_297 : memref<128x128xf32, #tpu.memory_space<hbm>>)
    %dma_wait3A_298 = arith.constant 0 : i32
    %dma_wait3A_299 = arith.constant 0 : i32
    %dma_wait3A_300 = tpu.memref_slice %arg7[%add3A_289, %dma_wait3A_298, %dma_wait3A_299] : memref<1280x32x128xf32, #tpu.memory_space<hbm>> -> memref<1x32x128xf32, #tpu.memory_space<hbm>>
    %dma_wait3A_301 = tpu.memref_squeeze %dma_wait3A_300 : memref<1x32x128xf32, #tpu.memory_space<hbm>> -> memref<32x128xf32, #tpu.memory_space<hbm>>
    %dma_wait3A_302 = arith.constant 0 : i32
    %dma_wait3A_303 = arith.constant 0 : i32
    %dma_wait3A_304 = tpu.memref_slice %arg7[%add3A_289, %dma_wait3A_302, %dma_wait3A_303] : memref<1280x32x128xf32, #tpu.memory_space<hbm>> -> memref<1x32x128xf32, #tpu.memory_space<hbm>>
    %dma_wait3A_305 = tpu.memref_squeeze %dma_wait3A_304 : memref<1x32x128xf32, #tpu.memory_space<hbm>> -> memref<32x128xf32, #tpu.memory_space<hbm>>
    tpu.wait_dma2 semaphore(%arg21 : memref<!tpu.dma_semaphore, #tpu.memory_space<semaphore_mem>>) src(%arg17 : memref<32x128xf32, #tpu.memory_space<vmem>>) dst(%dma_wait3A_305 : memref<32x128xf32, #tpu.memory_space<hbm>>)
    return
  }
}

module attributes {stable_mosaic.version = 14 : i64} {
  func.func @_vp_matmul_kernel(%arg0: i32, %arg1: memref<1000x128xf32, #tpu.memory_space<vmem>>, %arg2: memref<128x128xf32, #tpu.memory_space<vmem>>, %arg3: memref<1000x128xbf16, #tpu.memory_space<vmem>>) attributes {dimension_semantics = [#tpu.dimension_semantics<arbitrary>], iteration_bounds = array<i64: 10>, scalar_prefetch = 0 : i64, scratch_operands = 0 : i64, tpu.core_type = #tpu.core_type<tc>, window_params = [{transform_indices = @transform_0, window_bounds = array<i64: 1000, 128>}, {pipeline_mode = #tpu.pipeline_mode<synchronous>, transform_indices = @transform_1, window_bounds = array<i64: 128, 128>}, {transform_indices = @transform_2, window_bounds = array<i64: 1000, 128>}]} {
    %get3A = arith.constant 0 : index
    %get3A_0 = arith.constant 0 : index
    %get3A_1 = vector.load %arg1[%get3A, %get3A_0] : memref<1000x128xf32, #tpu.memory_space<vmem>>, vector<1000x128xf32>
    %get3A_2 = arith.constant 0 : index
    %get3A_3 = arith.constant 0 : index
    %get3A_4 = vector.load %arg2[%get3A_2, %get3A_3] : memref<128x128xf32, #tpu.memory_space<vmem>>, vector<128x128xf32>
    %dot_general3A = arith.constant dense<0.000000e+00> : vector<1000x128xf32>
    %dot_general3A_5 = tpu.matmul %get3A_1, %get3A_4, %dot_general3A {dimension_numbers = #tpu.dot_dimension_numbers<[1], [0], [0], [1], [0, 0, 1, 1], [], []>, transpose_lhs_hint = false} : vector<1000x128xf32>, vector<128x128xf32>, vector<1000x128xf32> -> vector<1000x128xf32>
    %convert_element_type3A = arith.truncf %dot_general3A_5 : vector<1000x128xf32> to vector<1000x128xbf16>
    %swap3A = arith.constant 0 : index
    %swap3A_6 = arith.constant 0 : index
    %swap3A_7 = vector.load %arg3[%swap3A, %swap3A_6] : memref<1000x128xbf16, #tpu.memory_space<vmem>>, vector<1000x128xbf16>
    tpu.vector_store %arg3[%swap3A, %swap3A_6], %convert_element_type3A {strides = array<i32>} : memref<1000x128xbf16, #tpu.memory_space<vmem>>, vector<1000x128xbf16>,
    return
  }
  func.func @transform_0(%arg0: i32) -> (i32, i32) {
    %c0_i32 = arith.constant 0 : i32
    %c0_i32_0 = arith.constant 0 : i32
    return %arg0, %c0_i32 : i32, i32
  }
  func.func @transform_1(%arg0: i32) -> (i32, i32) {
    %c0_i32 = arith.constant 0 : i32
    %c0_i32_0 = arith.constant 0 : i32
    %c0_i32_1 = arith.constant 0 : i32
    return %c0_i32, %c0_i32_0 : i32, i32
  }
  func.func @transform_2(%arg0: i32) -> (i32, i32) {
    %c0_i32 = arith.constant 0 : i32
    %c0_i32_0 = arith.constant 0 : i32
    return %arg0, %c0_i32 : i32, i32
  }
}

module attributes {stable_mosaic.version = 14 : i64} {
  func.func @_fused_kernel(%arg0: i32, %arg1: memref<3200x128xf32, #tpu.memory_space<vmem>>, %arg2: memref<800x128xf32, #tpu.memory_space<vmem>>, %arg3: memref<200x128xf32, #tpu.memory_space<vmem>>, %arg4: memref<200x128xf32, #tpu.memory_space<vmem>>, %arg5: memref<200x16xf32, #tpu.memory_space<vmem>>, %arg6: memref<200x16xf32, #tpu.memory_space<vmem>>, %arg7: memref<128x512xbf16, #tpu.memory_space<vmem>>, %arg8: memref<128x512xbf16, #tpu.memory_space<vmem>>, %arg9: memref<1x128xf32, #tpu.memory_space<vmem>>, %arg10: memref<128x128xf32, #tpu.memory_space<vmem>>, %arg11: memref<128x128xf32, #tpu.memory_space<vmem>>, %arg12: memref<1x128xf32, #tpu.memory_space<vmem>>, %arg13: memref<128x128xf32, #tpu.memory_space<vmem>>, %arg14: memref<1x128xf32, #tpu.memory_space<vmem>>, %arg15: memref<200x128xf32, #tpu.memory_space<vmem>>) attributes {dimension_semantics = [#tpu.dimension_semantics<parallel>], iteration_bounds = array<i64: 50>, scalar_prefetch = 0 : i64, scratch_operands = 0 : i64, tpu.core_type = #tpu.core_type<tc>, window_params = [{transform_indices = @transform_0, window_bounds = array<i64: 3200, 128>}, {transform_indices = @transform_1, window_bounds = array<i64: 800, 128>}, {transform_indices = @transform_2, window_bounds = array<i64: 200, 128>}, {transform_indices = @transform_3, window_bounds = array<i64: 200, 128>}, {transform_indices = @transform_4, window_bounds = array<i64: 200, 16>}, {transform_indices = @transform_5, window_bounds = array<i64: 200, 16>}, {pipeline_mode = #tpu.pipeline_mode<synchronous>, transform_indices = @transform_6, window_bounds = array<i64: 128, 512>}, {pipeline_mode = #tpu.pipeline_mode<synchronous>, transform_indices = @transform_7, window_bounds = array<i64: 128, 512>}, {pipeline_mode = #tpu.pipeline_mode<synchronous>, transform_indices = @transform_8, window_bounds = array<i64: 1, 128>}, {pipeline_mode = #tpu.pipeline_mode<synchronous>, transform_indices = @transform_9, window_bounds = array<i64: 128, 128>}, {pipeline_mode = #tpu.pipeline_mode<synchronous>, transform_indices = @transform_10, window_bounds = array<i64: 128, 128>}, {pipeline_mode = #tpu.pipeline_mode<synchronous>, transform_indices = @transform_11, window_bounds = array<i64: 1, 128>}, {pipeline_mode = #tpu.pipeline_mode<synchronous>, transform_indices = @transform_12, window_bounds = array<i64: 128, 128>}, {pipeline_mode = #tpu.pipeline_mode<synchronous>, transform_indices = @transform_13, window_bounds = array<i64: 1, 128>}, {transform_indices = @transform_14, window_bounds = array<i64: 200, 128>}]} {
    %get3A = arith.constant 0 : index
    %get3A_0 = arith.constant 0 : index
    %get3A_1 = vector.load %arg1[%get3A, %get3A_0] : memref<3200x128xf32, #tpu.memory_space<vmem>>, vector<3200x128xf32>
    %bitcast3A = tpu.bitcast %get3A_1 : vector<3200x128xf32> -> vector<3200x128xi32>
    %shift_left3A = arith.constant 16 : i32
    %shift_left3A_2 = vector.broadcast %shift_left3A : i32 to vector<3200x128xi32>
    %shift_left3A_3 = arith.shli %bitcast3A, %shift_left3A_2 : vector<3200x128xi32>
    %bitcast3A_4 = tpu.bitcast %shift_left3A_3 : vector<3200x128xi32> -> vector<3200x128xf32>
    %and3A = arith.constant -65536 : i32
    %and3A_5 = vector.broadcast %and3A : i32 to vector<3200x128xi32>
    %and3A_6 = arith.andi %bitcast3A, %and3A_5 : vector<3200x128xi32>
    %bitcast3A_7 = tpu.bitcast %and3A_6 : vector<3200x128xi32> -> vector<3200x128xf32>
    %slice3A = vector.extract_strided_slice %bitcast3A_4 {offsets = [0, 0], sizes = [3200, 64], strides = [1, 1]} : vector<3200x128xf32> to vector<3200x64xf32>
    %slice3A_8 = vector.extract_strided_slice %bitcast3A_7 {offsets = [0, 0], sizes = [3200, 64], strides = [1, 1]} : vector<3200x128xf32> to vector<3200x64xf32>
    %concatenate3A = tpu.concatenate %slice3A, %slice3A_8 in 1 : vector<3200x64xf32>, vector<3200x64xf32> -> vector<3200x128xf32>
    %slice3A_9 = vector.extract_strided_slice %bitcast3A_4 {offsets = [0, 64], sizes = [3200, 64], strides = [1, 1]} : vector<3200x128xf32> to vector<3200x64xf32>
    %slice3A_10 = vector.extract_strided_slice %bitcast3A_7 {offsets = [0, 64], sizes = [3200, 64], strides = [1, 1]} : vector<3200x128xf32> to vector<3200x64xf32>
    %concatenate3A_11 = tpu.concatenate %slice3A_9, %slice3A_10 in 1 : vector<3200x64xf32>, vector<3200x64xf32> -> vector<3200x128xf32>
    %get3A_12 = arith.constant 0 : index
    %get3A_13 = arith.constant 0 : index
    %get3A_14 = vector.load %arg2[%get3A_12, %get3A_13] : memref<800x128xf32, #tpu.memory_space<vmem>>, vector<800x128xf32>
    %convert_element_type3A = arith.truncf %get3A_14 : vector<800x128xf32> to vector<800x128xbf16>
    %get3A_15 = arith.constant 0 : index
    %get3A_16 = arith.constant 0 : index
    %get3A_17 = vector.load %arg7[%get3A_15, %get3A_16] : memref<128x512xbf16, #tpu.memory_space<vmem>>, vector<128x512xbf16>
    %dot_general3A = arith.constant dense<0.000000e+00> : vector<800x512xf32>
    %dot_general3A_18 = tpu.matmul %convert_element_type3A, %get3A_17, %dot_general3A {dimension_numbers = #tpu.dot_dimension_numbers<[1], [0], [0], [1], [0, 0, 1, 1], [], []>, transpose_lhs_hint = false} : vector<800x128xbf16>, vector<128x512xbf16>, vector<800x512xf32> -> vector<800x512xf32>
    %get3A_19 = arith.constant 0 : index
    %get3A_20 = arith.constant 0 : index
    %get3A_21 = vector.load %arg8[%get3A_19, %get3A_20] : memref<128x512xbf16, #tpu.memory_space<vmem>>, vector<128x512xbf16>
    %dot_general3A_22 = arith.constant dense<0.000000e+00> : vector<800x512xf32>
    %dot_general3A_23 = tpu.matmul %convert_element_type3A, %get3A_21, %dot_general3A_22 {dimension_numbers = #tpu.dot_dimension_numbers<[1], [0], [0], [1], [0, 0, 1, 1], [], []>, transpose_lhs_hint = false} : vector<800x128xbf16>, vector<128x512xbf16>, vector<800x512xf32> -> vector<800x512xf32>
    %slice3A_24 = vector.extract_strided_slice %dot_general3A_18 {offsets = [0, 0], sizes = [800, 128], strides = [1, 1]} : vector<800x512xf32> to vector<800x128xf32>
    %slice3A_25 = vector.extract_strided_slice %dot_general3A_18 {offsets = [0, 128], sizes = [800, 128], strides = [1, 1]} : vector<800x512xf32> to vector<800x128xf32>
    %slice3A_26 = vector.extract_strided_slice %dot_general3A_18 {offsets = [0, 256], sizes = [800, 128], strides = [1, 1]} : vector<800x512xf32> to vector<800x128xf32>
    %slice3A_27 = vector.extract_strided_slice %dot_general3A_18 {offsets = [0, 384], sizes = [800, 128], strides = [1, 1]} : vector<800x512xf32> to vector<800x128xf32>
    %stack3A = vector.shape_cast %slice3A_24 : vector<800x128xf32> to vector<800x1x128xf32>
    %stack3A_28 = vector.shape_cast %slice3A_25 : vector<800x128xf32> to vector<800x1x128xf32>
    %stack3A_29 = vector.shape_cast %slice3A_26 : vector<800x128xf32> to vector<800x1x128xf32>
    %stack3A_30 = vector.shape_cast %slice3A_27 : vector<800x128xf32> to vector<800x1x128xf32>
    %stack3A_31 = tpu.concatenate %stack3A, %stack3A_28, %stack3A_29, %stack3A_30 in 1 : vector<800x1x128xf32>, vector<800x1x128xf32>, vector<800x1x128xf32>, vector<800x1x128xf32> -> vector<800x4x128xf32>
    %reshape3A = vector.shape_cast %stack3A_31 : vector<800x4x128xf32> to vector<3200x128xf32>
    %slice3A_32 = vector.extract_strided_slice %dot_general3A_23 {offsets = [0, 0], sizes = [800, 128], strides = [1, 1]} : vector<800x512xf32> to vector<800x128xf32>
    %slice3A_33 = vector.extract_strided_slice %dot_general3A_23 {offsets = [0, 128], sizes = [800, 128], strides = [1, 1]} : vector<800x512xf32> to vector<800x128xf32>
    %slice3A_34 = vector.extract_strided_slice %dot_general3A_23 {offsets = [0, 256], sizes = [800, 128], strides = [1, 1]} : vector<800x512xf32> to vector<800x128xf32>
    %slice3A_35 = vector.extract_strided_slice %dot_general3A_23 {offsets = [0, 384], sizes = [800, 128], strides = [1, 1]} : vector<800x512xf32> to vector<800x128xf32>
    %stack3A_36 = vector.shape_cast %slice3A_32 : vector<800x128xf32> to vector<800x1x128xf32>
    %stack3A_37 = vector.shape_cast %slice3A_33 : vector<800x128xf32> to vector<800x1x128xf32>
    %stack3A_38 = vector.shape_cast %slice3A_34 : vector<800x128xf32> to vector<800x1x128xf32>
    %stack3A_39 = vector.shape_cast %slice3A_35 : vector<800x128xf32> to vector<800x1x128xf32>
    %stack3A_40 = tpu.concatenate %stack3A_36, %stack3A_37, %stack3A_38, %stack3A_39 in 1 : vector<800x1x128xf32>, vector<800x1x128xf32>, vector<800x1x128xf32>, vector<800x1x128xf32> -> vector<800x4x128xf32>
    %reshape3A_41 = vector.shape_cast %stack3A_40 : vector<800x4x128xf32> to vector<3200x128xf32>
    %get3A_42 = arith.constant 0 : index
    %get3A_43 = arith.constant 0 : index
    %get3A_44 = vector.load %arg9[%get3A_42, %get3A_43] : memref<1x128xf32, #tpu.memory_space<vmem>>, vector<1x128xf32>
    %add3A = arith.addf %concatenate3A, %reshape3A : vector<3200x128xf32>
    %add3A_45 = vector.broadcast %get3A_44 : vector<1x128xf32> to vector<3200x128xf32>
    %add3A_46 = arith.addf %add3A, %add3A_45 : vector<3200x128xf32>
    %mul3A = arith.constant 5.000000e-01 : f32
    %mul3A_47 = vector.broadcast %mul3A : f32 to vector<3200x128xf32>
    %mul3A_48 = arith.mulf %mul3A_47, %add3A_46 : vector<3200x128xf32>
    %mul3A_49 = arith.constant 0.707106769 : f32
    %mul3A_50 = vector.broadcast %mul3A_49 : f32 to vector<3200x128xf32>
    %mul3A_51 = arith.mulf %add3A_46, %mul3A_50 : vector<3200x128xf32>
    %erf3A = math.erf %mul3A_51 : vector<3200x128xf32>
    %add3A_52 = arith.constant 1.000000e+00 : f32
    %add3A_53 = vector.broadcast %add3A_52 : f32 to vector<3200x128xf32>
    %add3A_54 = arith.addf %add3A_53, %erf3A : vector<3200x128xf32>
    %mul3A_55 = arith.mulf %mul3A_48, %add3A_54 : vector<3200x128xf32>
    %reshape3A_56 = vector.shape_cast %mul3A_55 : vector<3200x128xf32> to vector<200x16x128xf32>
    %get3A_57 = arith.constant 0 : index
    %get3A_58 = arith.constant 0 : index
    %get3A_59 = vector.load %arg5[%get3A_57, %get3A_58] : memref<200x16xf32, #tpu.memory_space<vmem>>, vector<200x16xf32>
    %broadcast_in_dim3A = vector.shape_cast %get3A_59 : vector<200x16xf32> to vector<200x16x1xf32>
    %mul3A_60 = vector.broadcast %broadcast_in_dim3A : vector<200x16x1xf32> to vector<200x16x128xf32>
    %mul3A_61 = arith.mulf %reshape3A_56, %mul3A_60 : vector<200x16x128xf32>
    %add3A_62 = arith.addf %concatenate3A_11, %reshape3A_41 : vector<3200x128xf32>
    %add3A_63 = vector.broadcast %get3A_44 : vector<1x128xf32> to vector<3200x128xf32>
    %add3A_64 = arith.addf %add3A_62, %add3A_63 : vector<3200x128xf32>
    %mul3A_65 = arith.constant 5.000000e-01 : f32
    %mul3A_66 = vector.broadcast %mul3A_65 : f32 to vector<3200x128xf32>
    %mul3A_67 = arith.mulf %mul3A_66, %add3A_64 : vector<3200x128xf32>
    %mul3A_68 = arith.constant 0.707106769 : f32
    %mul3A_69 = vector.broadcast %mul3A_68 : f32 to vector<3200x128xf32>
    %mul3A_70 = arith.mulf %add3A_64, %mul3A_69 : vector<3200x128xf32>
    %erf3A_71 = math.erf %mul3A_70 : vector<3200x128xf32>
    %add3A_72 = arith.constant 1.000000e+00 : f32
    %add3A_73 = vector.broadcast %add3A_72 : f32 to vector<3200x128xf32>
    %add3A_74 = arith.addf %add3A_73, %erf3A_71 : vector<3200x128xf32>
    %mul3A_75 = arith.mulf %mul3A_67, %add3A_74 : vector<3200x128xf32>
    %reshape3A_76 = vector.shape_cast %mul3A_75 : vector<3200x128xf32> to vector<200x16x128xf32>
    %get3A_77 = arith.constant 0 : index
    %get3A_78 = arith.constant 0 : index
    %get3A_79 = vector.load %arg6[%get3A_77, %get3A_78] : memref<200x16xf32, #tpu.memory_space<vmem>>, vector<200x16xf32>
    %broadcast_in_dim3A_80 = vector.shape_cast %get3A_79 : vector<200x16xf32> to vector<200x16x1xf32>
    %mul3A_81 = vector.broadcast %broadcast_in_dim3A_80 : vector<200x16x1xf32> to vector<200x16x128xf32>
    %mul3A_82 = arith.mulf %reshape3A_76, %mul3A_81 : vector<200x16x128xf32>
    %reduce_sum3A = arith.constant dense<0.000000e+00> : vector<200x128xf32>
    %reduce_sum3A_83 = vector.multi_reduction <add>, %mul3A_61, %reduce_sum3A [1] : vector<200x16x128xf32> to vector<200x128xf32>
    %reduce_sum3A_84 = arith.constant dense<0.000000e+00> : vector<200x128xf32>
    %reduce_sum3A_85 = vector.multi_reduction <add>, %mul3A_82, %reduce_sum3A_84 [1] : vector<200x16x128xf32> to vector<200x128xf32>
    %add3A_86 = arith.addf %reduce_sum3A_83, %reduce_sum3A_85 : vector<200x128xf32>
    %get3A_87 = arith.constant 0 : index
    %get3A_88 = arith.constant 0 : index
    %get3A_89 = vector.load %arg10[%get3A_87, %get3A_88] : memref<128x128xf32, #tpu.memory_space<vmem>>, vector<128x128xf32>
    %dot_general3A_90 = arith.constant dense<0.000000e+00> : vector<200x128xf32>
    %dot_general3A_91 = tpu.matmul %add3A_86, %get3A_89, %dot_general3A_90 {dimension_numbers = #tpu.dot_dimension_numbers<[1], [0], [0], [1], [0, 0, 1, 1], [], []>, transpose_lhs_hint = false} : vector<200x128xf32>, vector<128x128xf32>, vector<200x128xf32> -> vector<200x128xf32>
    %get3A_92 = arith.constant 0 : index
    %get3A_93 = arith.constant 0 : index
    %get3A_94 = vector.load %arg3[%get3A_92, %get3A_93] : memref<200x128xf32, #tpu.memory_space<vmem>>, vector<200x128xf32>
    %get3A_95 = arith.constant 0 : index
    %get3A_96 = arith.constant 0 : index
    %get3A_97 = vector.load %arg11[%get3A_95, %get3A_96] : memref<128x128xf32, #tpu.memory_space<vmem>>, vector<128x128xf32>
    %dot_general3A_98 = arith.constant dense<0.000000e+00> : vector<200x128xf32>
    %dot_general3A_99 = tpu.matmul %get3A_94, %get3A_97, %dot_general3A_98 {dimension_numbers = #tpu.dot_dimension_numbers<[1], [0], [0], [1], [0, 0, 1, 1], [], []>, transpose_lhs_hint = false} : vector<200x128xf32>, vector<128x128xf32>, vector<200x128xf32> -> vector<200x128xf32>
    %add3A_100 = arith.addf %dot_general3A_91, %dot_general3A_99 : vector<200x128xf32>
    %get3A_101 = arith.constant 0 : index
    %get3A_102 = arith.constant 0 : index
    %get3A_103 = vector.load %arg12[%get3A_101, %get3A_102] : memref<1x128xf32, #tpu.memory_space<vmem>>, vector<1x128xf32>
    %add3A_104 = vector.broadcast %get3A_103 : vector<1x128xf32> to vector<200x128xf32>
    %add3A_105 = arith.addf %add3A_100, %add3A_104 : vector<200x128xf32>
    %get3A_106 = arith.constant 0 : index
    %get3A_107 = arith.constant 0 : index
    %get3A_108 = vector.load %arg4[%get3A_106, %get3A_107] : memref<200x128xf32, #tpu.memory_space<vmem>>, vector<200x128xf32>
    %add3A_109 = arith.addf %add3A_105, %get3A_108 : vector<200x128xf32>
    %get3A_110 = arith.constant 0 : index
    %get3A_111 = arith.constant 0 : index
    %get3A_112 = vector.load %arg13[%get3A_110, %get3A_111] : memref<128x128xf32, #tpu.memory_space<vmem>>, vector<128x128xf32>
    %dot_general3A_113 = arith.constant dense<0.000000e+00> : vector<200x128xf32>
    %dot_general3A_114 = tpu.matmul %add3A_109, %get3A_112, %dot_general3A_113 {dimension_numbers = #tpu.dot_dimension_numbers<[1], [0], [0], [1], [0, 0, 1, 1], [], []>, transpose_lhs_hint = false} : vector<200x128xf32>, vector<128x128xf32>, vector<200x128xf32> -> vector<200x128xf32>
    %get3A_115 = arith.constant 0 : index
    %get3A_116 = arith.constant 0 : index
    %get3A_117 = vector.load %arg14[%get3A_115, %get3A_116] : memref<1x128xf32, #tpu.memory_space<vmem>>, vector<1x128xf32>
    %add3A_118 = vector.broadcast %get3A_117 : vector<1x128xf32> to vector<200x128xf32>
    %add3A_119 = arith.addf %dot_general3A_114, %add3A_118 : vector<200x128xf32>
    %swap3A = arith.constant 0 : index
    %swap3A_120 = arith.constant 0 : index
    %swap3A_121 = vector.load %arg15[%swap3A, %swap3A_120] : memref<200x128xf32, #tpu.memory_space<vmem>>, vector<200x128xf32>
    tpu.vector_store %arg15[%swap3A, %swap3A_120], %add3A_119 {strides = array<i32>} : memref<200x128xf32, #tpu.memory_space<vmem>>, vector<200x128xf32>,
    return
  }
  func.func @transform_0(%arg0: i32) -> (i32, i32) {
    %c0_i32 = arith.constant 0 : i32
    %c0_i32_0 = arith.constant 0 : i32
    return %arg0, %c0_i32 : i32, i32
  }
  func.func @transform_1(%arg0: i32) -> (i32, i32) {
    %c0_i32 = arith.constant 0 : i32
    %c0_i32_0 = arith.constant 0 : i32
    return %arg0, %c0_i32 : i32, i32
  }
  func.func @transform_2(%arg0: i32) -> (i32, i32) {
    %c0_i32 = arith.constant 0 : i32
    %c0_i32_0 = arith.constant 0 : i32
    return %arg0, %c0_i32 : i32, i32
  }
  func.func @transform_3(%arg0: i32) -> (i32, i32) {
    %c0_i32 = arith.constant 0 : i32
    %c0_i32_0 = arith.constant 0 : i32
    return %arg0, %c0_i32 : i32, i32
  }
  func.func @transform_4(%arg0: i32) -> (i32, i32) {
    %c0_i32 = arith.constant 0 : i32
    %c0_i32_0 = arith.constant 0 : i32
    return %arg0, %c0_i32 : i32, i32
  }
  func.func @transform_5(%arg0: i32) -> (i32, i32) {
    %c0_i32 = arith.constant 0 : i32
    %c0_i32_0 = arith.constant 0 : i32
    return %arg0, %c0_i32 : i32, i32
  }
  func.func @transform_6(%arg0: i32) -> (i32, i32) {
    %c0_i32 = arith.constant 0 : i32
    %c0_i32_0 = arith.constant 0 : i32
    %c0_i32_1 = arith.constant 0 : i32
    return %c0_i32, %c0_i32_0 : i32, i32
  }
  func.func @transform_7(%arg0: i32) -> (i32, i32) {
    %c0_i32 = arith.constant 0 : i32
    %c0_i32_0 = arith.constant 0 : i32
    %c0_i32_1 = arith.constant 0 : i32
    return %c0_i32, %c0_i32_0 : i32, i32
  }
  func.func @transform_8(%arg0: i32) -> (i32, i32) {
    %c0_i32 = arith.constant 0 : i32
    %c0_i32_0 = arith.constant 0 : i32
    %c0_i32_1 = arith.constant 0 : i32
    return %c0_i32, %c0_i32_0 : i32, i32
  }
  func.func @transform_9(%arg0: i32) -> (i32, i32) {
    %c0_i32 = arith.constant 0 : i32
    %c0_i32_0 = arith.constant 0 : i32
    %c0_i32_1 = arith.constant 0 : i32
    return %c0_i32, %c0_i32_0 : i32, i32
  }
  func.func @transform_10(%arg0: i32) -> (i32, i32) {
    %c0_i32 = arith.constant 0 : i32
    %c0_i32_0 = arith.constant 0 : i32
    %c0_i32_1 = arith.constant 0 : i32
    return %c0_i32, %c0_i32_0 : i32, i32
  }
  func.func @transform_11(%arg0: i32) -> (i32, i32) {
    %c0_i32 = arith.constant 0 : i32
    %c0_i32_0 = arith.constant 0 : i32
    %c0_i32_1 = arith.constant 0 : i32
    return %c0_i32, %c0_i32_0 : i32, i32
  }
  func.func @transform_12(%arg0: i32) -> (i32, i32) {
    %c0_i32 = arith.constant 0 : i32
    %c0_i32_0 = arith.constant 0 : i32
    %c0_i32_1 = arith.constant 0 : i32
    return %c0_i32, %c0_i32_0 : i32, i32
  }
  func.func @transform_13(%arg0: i32) -> (i32, i32) {
    %c0_i32 = arith.constant 0 : i32
    %c0_i32_0 = arith.constant 0 : i32
    %c0_i32_1 = arith.constant 0 : i32
    return %c0_i32, %c0_i32_0 : i32, i32
  }
  func.func @transform_14(%arg0: i32) -> (i32, i32) {
    %c0_i32 = arith.constant 0 : i32
    %c0_i32_0 = arith.constant 0 : i32
    return %arg0, %c0_i32 : i32, i32
  }
}

</mosaic_0001>

<sc_bundles>
// kernel: kernel.5.cloned.1.call-start
scs
__scs_entry_jumppad:
0x0: {  	(pc) =	sbr.rel $0x88, $3  }
0x1: {  	(tag) =	ssettag $0x0;
	lr =	simm.s32 $0x1  }
0x2: {  	[smem:$0x3F92] =	sst lr;
	_ =	strace $0xD0000000  }
0x3: {  	_ = 	snop  }
0x4: {  	_ = 	snop  }
0x5: {  	_ = 	snop  }
0x6: {  	_ = 	snop  }
0x7: {  	_ = 	snop  }
__scs_overlays_trampoline_lowered:
0x8: {  	[smem:$0x3FA1] =	sst s0  }
0x9: {  	[smem:$0x3FA2] =	sst s1  }
0xa: {  	[smem:$0x3FA3] =	sst s2  }
0xb: {  	[smem:$0x3FA4] =	sst s3  }
0xc: {  	[smem:$0x3FA5] =	sst s4  }
0xd: {  	[smem:$0x3FA6] =	sst s5  }
0xe: {  	[smem:$0x3FA7] =	sst s6  }
0xf: {  	[smem:$0x3FA8] =	sst s7  }
0x10: {  	[smem:$0x3FA9] =	sst s8  }
0x11: {  	[smem:$0x3FAA] =	sst s9;
	s0 =	simm.s32 @!p0 $0x0  }
0x12: {  	s1 =	sld [smem:$0x3F90];
	s0 =	simm.s32 @p0 $0x1  }
0x13: {  	[smem:$0x3FAB] =	sst s0;
	s0 =	simm.s32 @!p1 $0x0  }
0x14: {  	s2 =	sld [smem:$0x3F8F];
	s0 =	simm.s32 @p1 $0x1  }
0x15: {  	[smem:$0x3FAC] =	sst s0;
	s0 =	simm.s32 @!p2 $0x0  }
0x16: {  	s3 =	sld [smem:$0x3FDB];
	s0 =	simm.s32 @p2 $0x1  }
0x17: {  	s4 =	simm.s32 $0x1BF5;
	[smem:$0x3FAE] =	sst s0  }
0x18: {  	s0 =	sld [smem:$0x3F91];
	_ =	swait.ge [sflag:s4], $0x0  }
0x19: {  	s7 =	sld [smem:$0x3F92]  }
0x1a: {  	s8 =	sadd.s32 $0xFFFFE003, lr  }
0x1b: {  	s9 =	sadd.s32 $0xFFFFFEF7, lr;
	s5 =	simm.s32 $0xFFFFFFFF;
	p2 =	slt.u32 s8, $0xFFFFF086  }
0x1c: {  	p1 =	slt.u32 s9, $0xF7A;
	s5 =	simm.s32 @!p2 $0x0  }
0x1d: {  	s5 =	simm.s32 @p1 $0x1;
	p0 =	seq.s32 s7, s2  }
0x1e: {  	s7 =	smul.u32 @!p0 $0xF7A, s2;
	p2 =	seq.s32 @!p0 s5, $0x0  }
0x1f: {  	s9 =	smul.u32 $0xF7A, s1;
	s8 =	simm.s32 @!p0 $0x1BF5;
	p2 =	por !p2, p0  }
0x20: {  	[sflag:s8] =	ssyncset.s32 @!p0 $0xFFFFF086;
	s6 =	sadd.s32 @!p0 s3, s7;
	s7 =	simm.s32 @!p0 $0x108  }
0x21: {  	s3 =	sadd.s32 s3, s9;
	s6 =	sadd.s32 @!p0 $0x88, s6;
	s7 =	simm.s32 @p2 $0x1082  }
0x22: {  	[simem:s7], [sflag:s8] =	dma.local @!p0 [hbm:s6], $0xF7A  }
0x23: {  	s9 =	sor.u32 $0xD0000000, s2;
	s6 =	simm.s32 $0x108;
	_ =	swait.ge @!p0 [sflag:s8], $0x0  }
0x24: {  	s3 =	sadd.s32 $0x88, s3;
	s6 =	simm.s32 @!p1 $0x1082;
	[sflag:s4] =	ssyncset.s32 $0xFFFFF086  }
0x25: {  	[simem:s6], [sflag:s4] =	dma.local [hbm:s3], $0xF7A  }
0x26: {  	[smem:$0x3F92] =	sst s1;
	(tag) =	ssettag s2;
	_ =	strace s9  }
0x27: {  	s1 =	sld [smem:$0x3FA2]  }
0x28: {  	s2 =	sld [smem:$0x3FA3]  }
0x29: {  	s4 =	sld [smem:$0x3FA5]  }
0x2a: {  	p0 =	seq.s32 s5, $0x0;
	s5 =	sld [smem:$0x3FA6]  }
0x2b: {  	s6 =	sld [smem:$0x3FA7]  }
0x2c: {  	s7 =	sld [smem:$0x3FA8]  }
0x2d: {  	s3 =	simm.s32 $0x108;
	s8 =	sld [smem:$0x3FA9]  }
0x2e: {  	s3 =	simm.s32 @!p0 $0x1082;
	s9 =	sld [smem:$0x3FAA]  }
0x2f: {  	lr =	sadd.s32 s0, s3;
	s0 =	sld [smem:$0x3FA1]  }
0x30: {  	s3 =	sld [smem:$0x3FA4]  }
0x31: {  	[smem:$0x3FAD] =	sst s10  }
0x32: {  	s10 =	sld [smem:$0x3FAB];
	_ =	sdelay $0x3  }
0x33: {  	p0 =	seq.s32 s10, $0x1;
	s10 =	sld [smem:$0x3FAD];
	_ =	sdelay $0x3  }
0x34: {  	[smem:$0x3FAD] =	sst s10  }
0x35: {  	s10 =	sld [smem:$0x3FAC];
	_ =	sdelay $0x3  }
0x36: {  	p1 =	seq.s32 s10, $0x1;
	s10 =	sld [smem:$0x3FAD];
	_ =	sdelay $0x3  }
0x37: {  	[smem:$0x3FAD] =	sst s10  }
0x38: {  	s10 =	sld [smem:$0x3FAE]  }
0x39: {  	_ = 	snop;
	(pc) =	sbr.ind lr, $3  }
0x3a: {  	_ = 	snop  }
0x3b: {  	_ = 	snop  }
0x3c: {  	p2 =	seq.s32 s10, $0x1;
	s10 =	sld [smem:$0x3FAD]  }
0x3d: {  	_ =	shalt  }
0x3e: {  	_ =	shalt  }
0x3f: {  	_ =	shalt  }
0x40: {  	_ =	shalt  }
0x41: {  	_ =	shalt  }
0x42: {  	_ =	shalt  }
0x43: {  	_ =	shalt  }
0x44: {  	_ =	shalt  }
0x45: {  	_ =	shalt  }
0x46: {  	_ =	shalt  }
0x47: {  	_ =	shalt  }
0x48: {  	_ =	shalt  }
0x49: {  	_ =	shalt  }
0x4a: {  	_ =	shalt  }
0x4b: {  	_ =	shalt  }
0x4c: {  	_ =	shalt  }
0x4d: {  	_ =	shalt  }
0x4e: {  	_ =	shalt  }
0x4f: {  	_ =	shalt  }
0x50: {  	_ =	shalt  }
0x51: {  	_ =	shalt  }
0x52: {  	_ =	shalt  }
0x53: {  	_ =	shalt  }
0x54: {  	_ =	shalt  }
0x55: {  	_ =	shalt  }
0x56: {  	_ =	shalt  }
0x57: {  	_ =	shalt  }
0x58: {  	_ =	shalt  }
0x59: {  	_ =	shalt  }
0x5a: {  	_ =	shalt  }
0x5b: {  	_ =	shalt  }
0x5c: {  	_ =	shalt  }
0x5d: {  	_ =	shalt  }
0x5e: {  	_ =	shalt  }
0x5f: {  	_ =	shalt  }
0x60: {  	_ =	shalt  }
0x61: {  	_ =	shalt  }
0x62: {  	_ =	shalt  }
0x63: {  	_ =	shalt  }
0x64: {  	_ =	shalt  }
0x65: {  	_ =	shalt  }
0x66: {  	_ =	shalt  }
0x67: {  	_ =	shalt  }
0x68: {  	_ =	shalt  }
0x69: {  	_ =	shalt  }
0x6a: {  	_ =	shalt  }
0x6b: {  	_ =	shalt  }
0x6c: {  	_ =	shalt  }
0x6d: {  	_ =	shalt  }
0x6e: {  	_ =	shalt  }
0x6f: {  	_ =	shalt  }
0x70: {  	_ =	shalt  }
0x71: {  	_ =	shalt  }
0x72: {  	_ =	shalt  }
0x73: {  	_ =	shalt  }
0x74: {  	_ =	shalt  }
0x75: {  	_ =	shalt  }
0x76: {  	_ =	shalt  }
0x77: {  	_ =	shalt  }
0x78: {  	_ =	shalt  }
0x79: {  	_ =	shalt  }
0x7a: {  	_ =	shalt  }
0x7b: {  	_ =	shalt  }
0x7c: {  	_ =	shalt  }
0x7d: {  	_ =	shalt  }
0x7e: {  	_ =	shalt  }
0x7f: {  	_ =	shalt  }
0x80: {  	_ =	shalt  }
0x81: {  	_ =	shalt  }
0x82: {  	_ =	shalt  }
0x83: {  	_ =	shalt  }
0x84: {  	_ =	shalt  }
0x85: {  	_ =	shalt  }
0x86: {  	_ =	shalt  }
0x87: {  	_ =	shalt  }
.Lfunc_end0:
.L_simem_size_0:
called_computation_lowered:
.L_overlay_start_0:
0x88: {  	s2 =	sld [smem:$0x3FD9]  }
0x89: {  	s3 =	sld [smem:$0x3FFE];
	_ =	sdelay $0x1  }
0x8a: {  	s1 =	srdreg.scid  }
0x8b: {  	s0 =	sand.u32 $0x1, s1  }
0x8c: {  	s16 =	sshll.u32 s0, $0xA;
	s2 =	sadd.s32 s3, s2  }
0x8d: {  	s2 =	sadd.s32 s2, s16  }
0x8e: {  	[smem:$0x3FB9] =	sst s2  }
0x8f: {  	_ = 	snop  }
0x90: {  	(tm) =	ssettm $0x1  }
0x91: {  	s17 =	sld [smem:$0x3FFB];
	_ =	sdelay $0x3  }
0x92: {  	_ =	strace s17  }
0x93: {  	s2 =	sld [smem:$0x3FFC];
	_ =	sdelay $0x3  }
0x94: {  	_ =	strace s2  }
0x95: {  	s2 =	sld [smem:$0x3FFD];
	_ =	sdelay $0x3  }
0x96: {  	_ =	strace s2  }
0x97: {  	_ =	strace $0x8FFFFFFF  }
0x98: {  	s18 =	sld [smem:$0x3FDB];
	_ =	sdelay $0x1  }
0x99: {  	s19 =	simm.s32 $_scs_section_size  }
0x9a: {  	s4 =	simm.s32 $_size__tile_overlayer_lowered;
	s5 =	simm.s32 $_tile_overlayer_lowered  }
0x9b: {  	s22 =	simm.s32 $0x1BFF;
	s21 =	sshll.u32 s5, $0x1;
	s2 =	sadd.s32 s19, s18  }
0x9c: {  	s6 =	simm.s32 $0x0;
	s20 =	sshll.u32 s4, $0x1;
	s4 =	sadd.s32 s21, s2  }
0x9d: {  	[timem:s6], [sflag:s22] =	dma.local [hbm:s4], s20  }
0x9e: {  	_ =	swait.ge [sflag:s22], s20  }
0x9f: {  	s3 =	ssub.s32 $0x0, s20;
	[sflag:s22] =	ssyncset.done $0x0  }
0xa0: {  	[sflag:s22] =	ssyncadd.s32 s3;
	_ =	sdelay $0x1  }
0xa1: {  	s23 =	simm.s32 $0x1B8B  }
0xa2: {  	_ =	swait.ge [sflag:s23], $0x1  }
0xa3: {  	[sflag:s23] =	ssyncset.done $0x0  }
0xa4: {  	s25 =	simm.s32 $0x1B8E;
	s24 =	sld [smem:$0x3FFE];
	[sflag:s23] =	ssyncadd.s32 $0xFFFFFFFF  }
0xa5: {  	s26 =	simm.s32 $execute0_lowered;
	[smem:$0x3FD2] =	sst s25  }
0xa6: {  	s4 =	sshll.u32 s26, $0x1;
	_ =	strace $0x80000046;
	[dreg:$0x1] =	wrdreg $0xFFFFFFFF  }
0xa7: {  	s28 =	simm.s32 $_size_execute0_lowered;
	s2 =	sadd.s32 s2, s4;
	[dreg:$0x0] =	wrdreg $0x0  }
0xa8: {  	s4 =	sshll.u32 s28, $0x1;
	[dreg:$0x2] =	wrdreg s2  }
0xa9: {  	[dreg:$0x3] =	wrdreg s4  }
0xaa: {  	[dreg:$0x4] =	wrdreg $0xC0  }
0xab: {  	_ =	task [dreg:s6], $0x5FFFF  }
0xac: {  	[dreg:$0x1] =	wrdreg $0xFFFFFFFF  }
0xad: {  	[dreg:$0x0] =	wrdreg $0x60  }
0xae: {  	[dreg:$0x2] =	wrdreg s24  }
0xaf: {  	[dreg:$0x3] =	wrdreg $0x9  }
0xb0: {  	_ =	task.clear_ibuf [dreg:s6], $0x4FFFF;
	_ =	strace $0x90000046  }
0xb1: {  	s29 =	simm.s32 $0x9;
	_ =	strace $0x80000048  }
0xb2: {  	_ =	swait.ge [sflag:s29], $0x1  }
0xb3: {  	[sflag:s29] =	ssyncadd.s32 $0xFFFFFFFF  }
0xb4: {  	_ =	strace $0x90000048  }
0xb5: {  	_ =	sfence  }
0xb6: {  	s30 =	sld [smem:$0x0];
	_ =	sdelay $0x2  }
0xb7: {  	s31 =	sshll.u32 s1, $0xD;
	s1 =	sshrl.u32 s1, $0x2  }
0xb8: {  	s3 =	sand.u32 $0x4000, s31;
	s1 =	sadd.s32 s1, s30  }
0xb9: {  	s0 =	sor.u32 s3, s0;
	s1 =	sshll.u32 s1, $0x11  }
0xba: {  	s0 =	sor.u32 s1, s0  }
0xbb: {  	s0 =	sadd.s32 $0x8F2B, s0  }
0xbc: {  	[sflag:s0] =	ssyncadd.remote.s32 $0x1  }
0xbd: {  	_ =	sfence.sel $0xFFFF  }
0xbe: {  	[dreg:$0x0] =	wrdreg $0xFFFFFFFF;
	(pc) =	sbr.abs _section_cstart, $3  }
0xbf: {  	[dreg:$0x1] =	wrdreg $0xFFFFFFFF  }
0xc0: {  	_ =	task.clear_ibuf [dreg:s6], $0x2FFFF;
	_ =	strace $0x9FFFFFFF  }
0xc1: {  	(tm) =	ssettm $0x7FFFFFFF  }
tec
execute0_lowered:
.L_overlay_start_1:
0x0: {  	(tag) =	ssettag $0x1  }
0x1: {  	s0 =	srdreg.scid;
	s2 =	stileid.u32  }
0x2: {  	s1 =	rddreg [dreg:$0x0];
	s18 =	simm.s32 $0x80;
	s28 =	simm.s32 $0x18C00  }
0x3: {  	s30 =	simm.s32 $0xDC00;
	s29 =	simm.s32 $0x2;
	s31 =	simm.s32 $0x13C00  }
0x4: {  	s12 =	simm.s32 $0x0;
	s0 =	sand.u32 $0x1, s0;
	s4 =	smul.u32 $0x50, s2  }
0x5: {  	s2 =	simm.s32 $0x0;
	s3 =	sadd.s32 $0x3A00, s1;
	s7 =	sadd.s32 $0x2AB400, s1  }
0x6: {  	s5 =	smul.u32 $0x3E, s0;
	[smem:$0x7FF] =	sst s2;
	s8 =	ssub.s32 $0x2, s0  }
0x7: {  	s0 =	smul.u32 $0xFFFFFFD4, s0;
	_ =	strace $0x80000047;
	s10 =	sshrl.u32 s8, $0x1  }
0x8: {  	s4 =	sadd.s32 s5, s4;
	s5 =	sadd.s32 $0x4F9400, s1;
	s19 =	ssub.s32 s8, s10  }
0x9: {  	s21 =	sadd.s32 $0x3D, s0;
	s6 =	sshll.u32 s4, $0x5;
	s0 =	sadd.s32 s4, s0  }
0xa: {  	s10 =	sshrl.u32 s21, $0x1;
	s8 =	sadd.s32 s21, s4;
	s26 =	smax.u32 s19, $0x1  }
0xb: {  	s19 =	simm.s32 $0x7C00;
	s21 =	simm.s32 $0x9C00;
	s9 =	sadd.s32 s6, s1  }
0xc: {  	s6 =	sadd.s32 $0x2B400, s1;
	s0 =	sadd.s32 $0x3C, s0;
	s11 =	sshll.u32 s8, $0xB  }
0xd: {  	s8 =	sshll.u32 s8, $0x9;
	[dreg:$0x8] =	wrdreg s26;
	s1 =	simm.s32 $0x19400  }
0xe: {  	s26 =	simm.s32 $0x3;
	s20 =	sadd.s32 $0x21400, s9;
	s9 =	sadd.s32 $0x17400, s9  }
0xf: {  	s22 =	sshll.u32 s0, $0xB;
	s0 =	sshll.u32 s0, $0x9;
	s23 =	sand.u32 $0x1FFFF800, s11  }
0x10: {  	s25 =	sand.u32 $0x1FFFFE00, s8;
	s8 =	simm.s32 $0x1AC00;
	[dreg:$0x2] =	wrdreg s20  }
0x11: {  	[dreg:$0x3] =	wrdreg s9;
	s9 =	sand.u32 $0x1FFFF000, s22;
	s0 =	sand.u32 $0x1FFFFC00, s0  }
0x12: {  	s24 =	sadd.s32 s6, s23;
	s20 =	simm.s32 $0x17C00;
	s23 =	simm.s32 $0x18400  }
0x13: {  	s22 =	simm.s32 $0xFC00;
	s9 =	sadd.s32 s6, s9;
	[dreg:$0x6] =	wrdreg s24  }
0x14: {  	s0 =	sadd.s32 s7, s0;
	s24 =	simm.s32 $0x19C00;
	[dreg:$0x4] =	wrdreg s9  }
0x15: {  	[dreg:$0x5] =	wrdreg s0;
	s0 =	sadd.s32 s7, s25;
	s25 =	simm.s32 $0xBC00  }
0x16: {  	s9 =	simm.s32 $0x4;
	[dreg:$0x7] =	wrdreg s0;
	s0 =	simm.s32 $0x1  }
.LBB2_1:
0x17: {  	[dreg:$0x9] =	wrdreg s12  }
0x18: {  	s11 =	rddreg [dreg:$0x2];
	s16 =	simm.s32 $0x5  }
0x19: {  	[tilespmem:s2], [sflag:$0x5] =	stream.linear.gather [hbm4b:s11+s2], $0x3E00, $0x38;
	[tilespmem:$0x1BC00] =	vst v63  }
0x1a: {  	_ =	swait.ge [sflag:s16], $0x3E00  }
0x1b: {  	[sflag:s16] =	ssyncset.done $0x0  }
0x1c: {  	s13 =	simm.s32 $0x3E00;
	s17 =	rddreg [dreg:$0x3];
	[sflag:s16] =	ssyncadd.s32 $0xFFFFC200  }
0x1d: {  	[tilespmem:s13], [sflag:$0x5] =	stream.linear.gather [hbm4b:s17+s2], $0x3E00, $0x38;
	[tilespmem:$0x1BC00] =	vst v63  }
0x1e: {  	_ =	swait.ge [sflag:s16], $0x3E00  }
0x1f: {  	[sflag:s16] =	ssyncset.done $0x0  }
0x20: {  	[sflag:s16] =	ssyncadd.s32 $0xFFFFC200  }
0x21: {  	[tilespmem:s19], [sflag:$0x1] =	stream.indirect.gather [hbm4b:s3+s18], $0x40, s2, s18, $0xb8;
	[tilespmem:$0x1BC00] =	vst v63  }
0x22: {  	_ = 	snop  }
0x23: {  	[tilespmem:s20], [sflag:$0x1] =	stream.indirect.gather [hbm4b:s5+s18], $0x10, s13, s18, $0xb8;
	[tilespmem:$0x1BC00] =	vst v63  }
0x24: {  	_ = 	snop  }
0x25: {  	[tilespmem:s21], [sflag:$0x1] =	stream.indirect.gather [hbm4b:s3+s18], $0x40, s18, s18, $0xb8;
	[tilespmem:$0x1BC00] =	vst v63  }
0x26: {  	s13 =	simm.s32 $0x3E80  }
0x27: {  	[tilespmem:s23], [sflag:$0x1] =	stream.indirect.gather [hbm4b:s5+s18], $0x10, s13, s18, $0xb8;
	[tilespmem:$0x1BC00] =	vst v63  }
0x28: {  	s14 =	simm.s32 $0x100  }
0x29: {  	[tilespmem:s25], [sflag:$0x2] =	stream.indirect.gather [hbm4b:s3+s18], $0x40, s14, s18, $0xb8;
	[tilespmem:$0x1BC00] =	vst v63  }
0x2a: {  	s15 =	simm.s32 $0x3F00  }
0x2b: {  	[tilespmem:s28], [sflag:$0x2] =	stream.indirect.gather [hbm4b:s5+s18], $0x10, s15, s18, $0xb8;
	[tilespmem:$0x1BC00] =	vst v63  }
0x2c: {  	s16 =	simm.s32 $0x180  }
0x2d: {  	[tilespmem:s30], [sflag:$0x2] =	stream.indirect.gather [hbm4b:s3+s18], $0x40, s16, s18, $0xb8;
	[tilespmem:$0x1BC00] =	vst v63  }
0x2e: {  	s11 =	simm.s32 $0x0;
	s17 =	simm.s32 $0x3F80  }
0x2f: {  	[tilespmem:s1], [sflag:$0x2] =	stream.indirect.gather [hbm4b:s5+s18], $0x10, s17, s18, $0xb8;
	[tilespmem:$0x1BC00] =	vst v63  }
.LBB2_2:
0x30: {  	_ =	swait.ge [sflag:s0], $0x2000  }
0x31: {  	[sflag:s0] =	ssyncset.done $0x0  }
0x32: {  	[sflag:s0] =	ssyncadd.s32 $0xFFFFE000  }
0x33: {  	_ =	swait.ge [sflag:s0], $0x800  }
0x34: {  	[sflag:s0] =	ssyncset.done $0x0  }
0x35: {  	[sflag:s0] =	ssyncadd.s32 $0xFFFFF800  }
0x36: {  	_ =	swait.ge [sflag:s0], $0x2000  }
0x37: {  	[sflag:s0] =	ssyncset.done $0x0  }
0x38: {  	[sflag:s0] =	ssyncadd.s32 $0xFFFFE000  }
0x39: {  	_ =	swait.ge [sflag:s0], $0x800  }
0x3a: {  	[sflag:s0] =	ssyncset.done $0x0  }
0x3b: {  	s12 =	simm.s32 $0x0;
	[sflag:s0] =	ssyncadd.s32 $0xFFFFF800  }
0x3c: {  	v3 =	vld [tilespmem:s12+$0x7C70]  }
0x3d: {  	v4 =	vld [tilespmem:s12+$0x7C00]  }
0x3e: {  	v5 =	vld [tilespmem:s12+$0x7C40]  }
0x3f: {  	v2 =	vld [tilespmem:s12+$0x7C10]  }
0x40: {  	v0 =	vld [tilespmem:s12+$0x7C50]  }
0x41: {  	v1 =	vld [tilespmem:s12+$0x7C20];
	[tilespmem:s12+$0xFC70] =	vst v3  }
0x42: {  	[tilespmem:s12+$0xFC00] =	vst v4;
	v3 =	vld [tilespmem:s12+$0x7C60]  }
0x43: {  	s13 =	simm.s32 $0x80;
	s15 =	simm.s32 $0x400;
	s14 =	simm.s32 $0x0;
	[tilespmem:s12+$0xFC40] =	vst v5;
	v4 =	vld [tilespmem:s12+$0x7C30]  }
.LBB2_3:
0x44: {  	p0 =	sne.s32 s15, $0xFE00;
	v5 =	vld [tilespmem:s13+$0x7C70];
	[tilespmem:s14+$0xFC10] =	vst v2  }
0x45: {  	v6 =	vld [tilespmem:s13+$0x7C00];
	[tilespmem:s14+$0xFC50] =	vst v0  }
0x46: {  	v7 =	vld [tilespmem:s13+$0x7C40];
	[tilespmem:s14+$0xFC20] =	vst v1  }
.Ltmp0:
0x47: {  	v2 =	vld [tilespmem:s13+$0x7C10];
	[tilespmem:s14+$0xFC60] =	vst v3;
	(pc) =	sbr.rel @p0 .LBB2_3-.Ltmp0, $4  }
0x48: {  	v0 =	vld [tilespmem:s13+$0x7C50];
	[tilespmem:s14+$0xFC30] =	vst v4;
	s14 =	smov.u32 s13  }
0x49: {  	v1 =	vld [tilespmem:s14+$0x7C20];
	[tilespmem:s14+$0xFC70] =	vst v5  }
0x4a: {  	[tilespmem:s14+$0xFC00] =	vst v6;
	v3 =	vld [tilespmem:s14+$0x7C60]  }
0x4b: {  	s13 =	sshra.s32 s15, $0x2;
	s15 =	sadd.s32 $0x200, s15;
	[tilespmem:s14+$0xFC40] =	vst v7;
	v4 =	vld [tilespmem:s14+$0x7C30]  }
0x4c: {  	v5 =	vld [tilespmem:s13+$0x7C70];
	[tilespmem:s14+$0xFC10] =	vst v2  }
0x4d: {  	v2 =	vld [tilespmem:s13+$0x7C00];
	[tilespmem:s14+$0xFC50] =	vst v0  }
0x4e: {  	v0 =	vld [tilespmem:s13+$0x7C40];
	[tilespmem:s14+$0xFC20] =	vst v1  }
0x4f: {  	v1 =	vld [tilespmem:s13+$0x7C10];
	[tilespmem:s14+$0xFC60] =	vst v3  }
0x50: {  	v3 =	vld [tilespmem:s13+$0x7C50];
	[tilespmem:s14+$0xFC30] =	vst v4  }
0x51: {  	v4 =	vld [tilespmem:s13+$0x7C20];
	[tilespmem:s13+$0xFC70] =	vst v5  }
0x52: {  	[tilespmem:s13+$0xFC00] =	vst v2;
	v2 =	vld [tilespmem:s13+$0x7C60]  }
0x53: {  	[tilespmem:s13+$0xFC40] =	vst v0;
	v0 =	vld [tilespmem:s13+$0x7C30]  }
0x54: {  	[tilespmem:s13+$0xFC10] =	vst v1  }
0x55: {  	[tilespmem:s13+$0xFC50] =	vst v3  }
0x56: {  	[tilespmem:s13+$0xFC20] =	vst v4  }
0x57: {  	[tilespmem:s13+$0xFC60] =	vst v2  }
0x58: {  	[tilespmem:s13+$0xFC30] =	vst v0  }
0x59: {  	v3 =	vld [tilespmem:s12+$0x17C70]  }
0x5a: {  	v4 =	vld [tilespmem:s12+$0x17C00]  }
0x5b: {  	v5 =	vld [tilespmem:s12+$0x17C10]  }
0x5c: {  	v2 =	vld [tilespmem:s12+$0x17C20]  }
0x5d: {  	v0 =	vld [tilespmem:s12+$0x17C30]  }
0x5e: {  	v1 =	vld [tilespmem:s12+$0x17C40];
	[tilespmem:s12+$0x19C70] =	vst v3  }
0x5f: {  	[tilespmem:s12+$0x19C00] =	vst v4;
	v3 =	vld [tilespmem:s12+$0x17C50]  }
0x60: {  	s14 =	simm.s32 $0x80;
	s13 =	simm.s32 $0x400;
	[tilespmem:s12+$0x19C10] =	vst v5;
	v4 =	vld [tilespmem:s12+$0x17C60]  }
.LBB2_5:
0x61: {  	p0 =	sne.s32 s13, $0x3E00;
	v5 =	vld [tilespmem:s14+$0x17C70];
	[tilespmem:s12+$0x19C20] =	vst v2  }
0x62: {  	v6 =	vld [tilespmem:s14+$0x17C00];
	[tilespmem:s12+$0x19C30] =	vst v0  }
0x63: {  	v7 =	vld [tilespmem:s14+$0x17C10];
	[tilespmem:s12+$0x19C40] =	vst v1  }
.Ltmp1:
0x64: {  	v2 =	vld [tilespmem:s14+$0x17C20];
	[tilespmem:s12+$0x19C50] =	vst v3;
	(pc) =	sbr.rel @p0 .LBB2_5-.Ltmp1, $4  }
0x65: {  	v0 =	vld [tilespmem:s14+$0x17C30];
	[tilespmem:s12+$0x19C60] =	vst v4;
	s12 =	smov.u32 s14  }
0x66: {  	v1 =	vld [tilespmem:s12+$0x17C40];
	[tilespmem:s12+$0x19C70] =	vst v5  }
0x67: {  	[tilespmem:s12+$0x19C00] =	vst v6;
	v3 =	vld [tilespmem:s12+$0x17C50]  }
0x68: {  	s14 =	sshra.s32 s13, $0x2;
	s13 =	sadd.s32 $0x200, s13;
	[tilespmem:s12+$0x19C10] =	vst v7;
	v4 =	vld [tilespmem:s12+$0x17C60]  }
0x69: {  	v5 =	vld [tilespmem:s14+$0x17C70];
	[tilespmem:s12+$0x19C20] =	vst v2  }
0x6a: {  	v2 =	vld [tilespmem:s14+$0x17C00];
	[tilespmem:s12+$0x19C30] =	vst v0  }
0x6b: {  	v0 =	vld [tilespmem:s14+$0x17C10];
	[tilespmem:s12+$0x19C40] =	vst v1  }
0x6c: {  	v1 =	vld [tilespmem:s14+$0x17C20];
	[tilespmem:s12+$0x19C50] =	vst v3  }
0x6d: {  	v3 =	vld [tilespmem:s14+$0x17C30];
	[tilespmem:s12+$0x19C60] =	vst v4  }
0x6e: {  	v4 =	vld [tilespmem:s14+$0x17C40];
	[tilespmem:s14+$0x19C70] =	vst v5  }
0x6f: {  	[tilespmem:s14+$0x19C00] =	vst v2;
	v2 =	vld [tilespmem:s14+$0x17C50]  }
0x70: {  	[tilespmem:s14+$0x19C10] =	vst v0;
	v0 =	vld [tilespmem:s14+$0x17C60]  }
0x71: {  	s13 =	sshll.u32 s11, $0x1;
	[tilespmem:s14+$0x19C20] =	vst v1  }
0x72: {  	s17 =	sadd.s32 s4, s13;
	[tilespmem:s14+$0x19C30] =	vst v3  }
0x73: {  	s15 =	sshll.u32 s17, $0xB;
	[tilespmem:s14+$0x19C40] =	vst v4  }
0x74: {  	s15 =	sand.u32 $0x1FFFF000, s15;
	s12 =	sshll.u32 s17, $0x9;
	[tilespmem:s14+$0x19C50] =	vst v2  }
0x75: {  	s16 =	simm.s32 $0x0;
	s15 =	sadd.s32 s6, s15;
	s12 =	sand.u32 $0x1FFFFC00, s12;
	[tilespmem:s14+$0x19C60] =	vst v0  }
0x76: {  	[hbm4b:s15+s16] =	stream.linear.scatter [tilespmem:s22], [sflag:$0x3], $0x4000, $0x38;
	[tilespmem:$0x1BC00] =	vst v63  }
0x77: {  	s12 =	sadd.s32 s7, s12  }
0x78: {  	[hbm4b:s12+s16] =	stream.linear.scatter [tilespmem:s24], [sflag:$0x3], $0x1000, $0x38;
	[tilespmem:$0x1BC00] =	vst v63  }
0x79: {  	_ =	swait.ge [sflag:s26], $0x4000  }
0x7a: {  	[sflag:s26] =	ssyncset.done $0x0  }
0x7b: {  	[sflag:s26] =	ssyncadd.s32 $0xFFFFC000  }
0x7c: {  	_ =	swait.ge [sflag:s26], $0x1000  }
0x7d: {  	s12 =	sshll.u32 s11, $0x9;
	[sflag:s26] =	ssyncset.done $0x0  }
0x7e: {  	s17 =	sadd.s32 $0x200, s12;
	[sflag:s26] =	ssyncadd.s32 $0xFFFFF000  }
0x7f: {  	[tilespmem:s19], [sflag:$0x1] =	stream.indirect.gather [hbm4b:s3+s18], $0x40, s17, s18, $0xb8;
	[tilespmem:$0x1BC00] =	vst v63  }
0x80: {  	s15 =	sadd.s32 $0x4000, s12  }
0x81: {  	[tilespmem:s20], [sflag:$0x1] =	stream.indirect.gather [hbm4b:s5+s18], $0x10, s15, s18, $0xb8;
	[tilespmem:$0x1BC00] =	vst v63  }
0x82: {  	s16 =	sadd.s32 $0x280, s12  }
0x83: {  	[tilespmem:s21], [sflag:$0x1] =	stream.indirect.gather [hbm4b:s3+s18], $0x40, s16, s18, $0xb8;
	[tilespmem:$0x1BC00] =	vst v63  }
0x84: {  	s17 =	sadd.s32 $0x4080, s12  }
0x85: {  	[tilespmem:s23], [sflag:$0x1] =	stream.indirect.gather [hbm4b:s5+s18], $0x10, s17, s18, $0xb8;
	[tilespmem:$0x1BC00] =	vst v63  }
0x86: {  	_ =	swait.ge [sflag:s29], $0x2000  }
0x87: {  	[sflag:s29] =	ssyncset.done $0x0  }
0x88: {  	[sflag:s29] =	ssyncadd.s32 $0xFFFFE000  }
0x89: {  	_ =	swait.ge [sflag:s29], $0x800  }
0x8a: {  	[sflag:s29] =	ssyncset.done $0x0  }
0x8b: {  	[sflag:s29] =	ssyncadd.s32 $0xFFFFF800  }
0x8c: {  	_ =	swait.ge [sflag:s29], $0x2000  }
0x8d: {  	[sflag:s29] =	ssyncset.done $0x0  }
0x8e: {  	[sflag:s29] =	ssyncadd.s32 $0xFFFFE000  }
0x8f: {  	_ =	swait.ge [sflag:s29], $0x800  }
0x90: {  	[sflag:s29] =	ssyncset.done $0x0  }
0x91: {  	s14 =	simm.s32 $0x0;
	[sflag:s29] =	ssyncadd.s32 $0xFFFFF800  }
0x92: {  	v3 =	vld [tilespmem:s14+$0xBC70]  }
0x93: {  	v4 =	vld [tilespmem:s14+$0xBC00]  }
0x94: {  	v5 =	vld [tilespmem:s14+$0xBC40]  }
0x95: {  	v2 =	vld [tilespmem:s14+$0xBC10]  }
0x96: {  	v0 =	vld [tilespmem:s14+$0xBC50]  }
0x97: {  	v1 =	vld [tilespmem:s14+$0xBC20];
	[tilespmem:s14+$0x13C70] =	vst v3  }
0x98: {  	[tilespmem:s14+$0x13C00] =	vst v4;
	v3 =	vld [tilespmem:s14+$0xBC60]  }
0x99: {  	s15 =	simm.s32 $0x80;
	s16 =	simm.s32 $0x0;
	s17 =	simm.s32 $0x400;
	[tilespmem:s14+$0x13C40] =	vst v5;
	v4 =	vld [tilespmem:s14+$0xBC30]  }
.LBB2_7:
0x9a: {  	p0 =	sne.s32 s17, $0xFE00;
	v5 =	vld [tilespmem:s15+$0xBC70];
	[tilespmem:s16+$0x13C10] =	vst v2  }
0x9b: {  	v6 =	vld [tilespmem:s15+$0xBC00];
	[tilespmem:s16+$0x13C50] =	vst v0  }
0x9c: {  	v7 =	vld [tilespmem:s15+$0xBC40];
	[tilespmem:s16+$0x13C20] =	vst v1  }
.Ltmp2:
0x9d: {  	v2 =	vld [tilespmem:s15+$0xBC10];
	[tilespmem:s16+$0x13C60] =	vst v3;
	(pc) =	sbr.rel @p0 .LBB2_7-.Ltmp2, $4  }
0x9e: {  	v0 =	vld [tilespmem:s15+$0xBC50];
	[tilespmem:s16+$0x13C30] =	vst v4;
	s16 =	smov.u32 s15  }
0x9f: {  	v1 =	vld [tilespmem:s16+$0xBC20];
	[tilespmem:s16+$0x13C70] =	vst v5  }
0xa0: {  	[tilespmem:s16+$0x13C00] =	vst v6;
	v3 =	vld [tilespmem:s16+$0xBC60]  }
0xa1: {  	s15 =	sshra.s32 s17, $0x2;
	s17 =	sadd.s32 $0x200, s17;
	[tilespmem:s16+$0x13C40] =	vst v7;
	v4 =	vld [tilespmem:s16+$0xBC30]  }
0xa2: {  	v5 =	vld [tilespmem:s15+$0xBC70];
	[tilespmem:s16+$0x13C10] =	vst v2  }
0xa3: {  	v2 =	vld [tilespmem:s15+$0xBC00];
	[tilespmem:s16+$0x13C50] =	vst v0  }
0xa4: {  	v0 =	vld [tilespmem:s15+$0xBC40];
	[tilespmem:s16+$0x13C20] =	vst v1  }
0xa5: {  	v1 =	vld [tilespmem:s15+$0xBC10];
	[tilespmem:s16+$0x13C60] =	vst v3  }
0xa6: {  	v3 =	vld [tilespmem:s15+$0xBC50];
	[tilespmem:s16+$0x13C30] =	vst v4  }
0xa7: {  	v4 =	vld [tilespmem:s15+$0xBC20];
	[tilespmem:s15+$0x13C70] =	vst v5  }
0xa8: {  	[tilespmem:s15+$0x13C00] =	vst v2;
	v2 =	vld [tilespmem:s15+$0xBC60]  }
0xa9: {  	[tilespmem:s15+$0x13C40] =	vst v0;
	v0 =	vld [tilespmem:s15+$0xBC30]  }
0xaa: {  	[tilespmem:s15+$0x13C10] =	vst v1  }
0xab: {  	[tilespmem:s15+$0x13C50] =	vst v3  }
0xac: {  	[tilespmem:s15+$0x13C20] =	vst v4  }
0xad: {  	[tilespmem:s15+$0x13C60] =	vst v2  }
0xae: {  	[tilespmem:s15+$0x13C30] =	vst v0  }
0xaf: {  	v3 =	vld [tilespmem:s14+$0x18C70]  }
0xb0: {  	v4 =	vld [tilespmem:s14+$0x18C00]  }
0xb1: {  	v5 =	vld [tilespmem:s14+$0x18C10]  }
0xb2: {  	v2 =	vld [tilespmem:s14+$0x18C20]  }
0xb3: {  	v0 =	vld [tilespmem:s14+$0x18C30]  }
0xb4: {  	v1 =	vld [tilespmem:s14+$0x18C40];
	[tilespmem:s14+$0x1AC70] =	vst v3  }
0xb5: {  	[tilespmem:s14+$0x1AC00] =	vst v4;
	v3 =	vld [tilespmem:s14+$0x18C50]  }
0xb6: {  	s16 =	simm.s32 $0x400;
	s15 =	simm.s32 $0x80;
	[tilespmem:s14+$0x1AC10] =	vst v5;
	v4 =	vld [tilespmem:s14+$0x18C60]  }
.LBB2_9:
0xb7: {  	p0 =	sne.s32 s16, $0x3E00;
	v5 =	vld [tilespmem:s15+$0x18C70];
	[tilespmem:s14+$0x1AC20] =	vst v2  }
0xb8: {  	v6 =	vld [tilespmem:s15+$0x18C00];
	[tilespmem:s14+$0x1AC30] =	vst v0  }
0xb9: {  	v7 =	vld [tilespmem:s15+$0x18C10];
	[tilespmem:s14+$0x1AC40] =	vst v1  }
.Ltmp3:
0xba: {  	v2 =	vld [tilespmem:s15+$0x18C20];
	[tilespmem:s14+$0x1AC50] =	vst v3;
	(pc) =	sbr.rel @p0 .LBB2_9-.Ltmp3, $4  }
0xbb: {  	v0 =	vld [tilespmem:s15+$0x18C30];
	[tilespmem:s14+$0x1AC60] =	vst v4;
	s14 =	smov.u32 s15  }
0xbc: {  	v1 =	vld [tilespmem:s14+$0x18C40];
	[tilespmem:s14+$0x1AC70] =	vst v5  }
0xbd: {  	[tilespmem:s14+$0x1AC00] =	vst v6;
	v3 =	vld [tilespmem:s14+$0x18C50]  }
0xbe: {  	s15 =	sshra.s32 s16, $0x2;
	s16 =	sadd.s32 $0x200, s16;
	[tilespmem:s14+$0x1AC10] =	vst v7;
	v4 =	vld [tilespmem:s14+$0x18C60]  }
0xbf: {  	v5 =	vld [tilespmem:s15+$0x18C70];
	[tilespmem:s14+$0x1AC20] =	vst v2  }
0xc0: {  	v2 =	vld [tilespmem:s15+$0x18C00];
	[tilespmem:s14+$0x1AC30] =	vst v0  }
0xc1: {  	v0 =	vld [tilespmem:s15+$0x18C10];
	[tilespmem:s14+$0x1AC40] =	vst v1  }
0xc2: {  	v1 =	vld [tilespmem:s15+$0x18C20];
	[tilespmem:s14+$0x1AC50] =	vst v3  }
0xc3: {  	v3 =	vld [tilespmem:s15+$0x18C30];
	[tilespmem:s14+$0x1AC60] =	vst v4  }
0xc4: {  	v4 =	vld [tilespmem:s15+$0x18C40];
	[tilespmem:s15+$0x1AC70] =	vst v5  }
0xc5: {  	v62 =	vld [tilespmem:s15+$0x18C50];
	[tilespmem:s15+$0x1AC00] =	vst v2  }
0xc6: {  	v63 =	vld [tilespmem:s15+$0x18C60];
	[tilespmem:s15+$0x1AC10] =	vst v0  }
0xc7: {  	s13 =	sadd.s32 s13, s4;
	[tilespmem:s15+$0x1AC20] =	vst v1  }
0xc8: {  	s13 =	sadd.s32 $0x1, s13;
	[tilespmem:s15+$0x1AC30] =	vst v3  }
0xc9: {  	s17 =	sshll.u32 s13, $0xB;
	[tilespmem:s15+$0x1AC40] =	vst v4  }
0xca: {  	s13 =	sshll.u32 s13, $0x9;
	s14 =	sand.u32 $0x1FFFF800, s17;
	[tilespmem:s15+$0x1AC50] =	vst v62  }
0xcb: {  	s13 =	sand.u32 $0x1FFFFE00, s13;
	s14 =	sadd.s32 s6, s14;
	[tilespmem:s15+$0x1AC60] =	vst v63  }
0xcc: {  	[hbm4b:s14+s2] =	stream.linear.scatter [tilespmem:s31], [sflag:$0x4], $0x4000, $0x38;
	[tilespmem:$0x1BC00] =	vst v63  }
0xcd: {  	s13 =	sadd.s32 s7, s13  }
0xce: {  	[hbm4b:s13+s2] =	stream.linear.scatter [tilespmem:s8], [sflag:$0x4], $0x1000, $0x38;
	[tilespmem:$0x1BC00] =	vst v63  }
0xcf: {  	_ =	swait.ge [sflag:s9], $0x4000  }
0xd0: {  	[sflag:s9] =	ssyncset.done $0x0  }
0xd1: {  	[sflag:s9] =	ssyncadd.s32 $0xFFFFC000  }
0xd2: {  	_ =	swait.ge [sflag:s9], $0x1000  }
0xd3: {  	[sflag:s9] =	ssyncset.done $0x0  }
0xd4: {  	s11 =	sadd.s32 $0x1, s11;
	s14 =	sadd.s32 $0x300, s12;
	[sflag:s9] =	ssyncadd.s32 $0xFFFFF000  }
0xd5: {  	[tilespmem:s25], [sflag:$0x2] =	stream.indirect.gather [hbm4b:s3+s18], $0x40, s14, s18, $0xb8;
	[tilespmem:$0x1BC00] =	vst v63  }
0xd6: {  	p0 =	sne.s32 s11, s10;
	s15 =	sadd.s32 $0x4100, s12  }
0xd7: {  	[tilespmem:s28], [sflag:$0x2] =	stream.indirect.gather [hbm4b:s5+s18], $0x10, s15, s18, $0xb8;
	[tilespmem:$0x1BC00] =	vst v63  }
.Ltmp4:
0xd8: {  	_ = 	snop;
	(pc) =	sbr.rel @p0 .LBB2_2-.Ltmp4, $4  }
0xd9: {  	s16 =	sadd.s32 $0x380, s12  }
0xda: {  	[tilespmem:s30], [sflag:$0x2] =	stream.indirect.gather [hbm4b:s3+s18], $0x40, s16, s18, $0xb8;
	[tilespmem:$0x1BC00] =	vst v63  }
0xdb: {  	s17 =	sadd.s32 $0x4180, s12  }
0xdc: {  	[tilespmem:s1], [sflag:$0x2] =	stream.indirect.gather [hbm4b:s5+s18], $0x10, s17, s18, $0xb8;
	[tilespmem:$0x1BC00] =	vst v63  }
0xdd: {  	_ =	swait.ge [sflag:s0], $0x2000  }
0xde: {  	[sflag:s0] =	ssyncset.done $0x0  }
0xdf: {  	[sflag:s0] =	ssyncadd.s32 $0xFFFFE000  }
0xe0: {  	_ =	swait.ge [sflag:s0], $0x800  }
0xe1: {  	[sflag:s0] =	ssyncset.done $0x0  }
0xe2: {  	[sflag:s0] =	ssyncadd.s32 $0xFFFFF800  }
0xe3: {  	_ =	swait.ge [sflag:s0], $0x2000  }
0xe4: {  	[sflag:s0] =	ssyncset.done $0x0  }
0xe5: {  	[sflag:s0] =	ssyncadd.s32 $0xFFFFE000  }
0xe6: {  	_ =	swait.ge [sflag:s0], $0x800  }
0xe7: {  	[sflag:s0] =	ssyncset.done $0x0  }
0xe8: {  	s11 =	simm.s32 $0x0;
	[sflag:s0] =	ssyncadd.s32 $0xFFFFF800  }
0xe9: {  	v3 =	vld [tilespmem:s11+$0x7C70]  }
0xea: {  	v4 =	vld [tilespmem:s11+$0x7C00]  }
0xeb: {  	v5 =	vld [tilespmem:s11+$0x7C40]  }
0xec: {  	v2 =	vld [tilespmem:s11+$0x7C10]  }
0xed: {  	v0 =	vld [tilespmem:s11+$0x7C50]  }
0xee: {  	v1 =	vld [tilespmem:s11+$0x7C20];
	[tilespmem:s11+$0xFC70] =	vst v3  }
0xef: {  	[tilespmem:s11+$0xFC00] =	vst v4;
	v3 =	vld [tilespmem:s11+$0x7C60]  }
0xf0: {  	s12 =	simm.s32 $0x80;
	s14 =	simm.s32 $0x400;
	s13 =	simm.s32 $0x0;
	[tilespmem:s11+$0xFC40] =	vst v5;
	v4 =	vld [tilespmem:s11+$0x7C30]  }
.LBB2_12:
0xf1: {  	p0 =	sne.s32 s14, $0xFE00;
	v5 =	vld [tilespmem:s12+$0x7C70];
	[tilespmem:s13+$0xFC10] =	vst v2  }
0xf2: {  	v6 =	vld [tilespmem:s12+$0x7C00];
	[tilespmem:s13+$0xFC50] =	vst v0  }
0xf3: {  	v7 =	vld [tilespmem:s12+$0x7C40];
	[tilespmem:s13+$0xFC20] =	vst v1  }
.Ltmp5:
0xf4: {  	v2 =	vld [tilespmem:s12+$0x7C10];
	[tilespmem:s13+$0xFC60] =	vst v3;
	(pc) =	sbr.rel @p0 .LBB2_12-.Ltmp5, $4  }
0xf5: {  	v0 =	vld [tilespmem:s12+$0x7C50];
	[tilespmem:s13+$0xFC30] =	vst v4;
	s13 =	smov.u32 s12  }
0xf6: {  	v1 =	vld [tilespmem:s13+$0x7C20];
	[tilespmem:s13+$0xFC70] =	vst v5  }
0xf7: {  	[tilespmem:s13+$0xFC00] =	vst v6;
	v3 =	vld [tilespmem:s13+$0x7C60]  }
0xf8: {  	s12 =	sshra.s32 s14, $0x2;
	s14 =	sadd.s32 $0x200, s14;
	[tilespmem:s13+$0xFC40] =	vst v7;
	v4 =	vld [tilespmem:s13+$0x7C30]  }
0xf9: {  	v5 =	vld [tilespmem:s12+$0x7C70];
	[tilespmem:s13+$0xFC10] =	vst v2  }
0xfa: {  	v2 =	vld [tilespmem:s12+$0x7C00];
	[tilespmem:s13+$0xFC50] =	vst v0  }
0xfb: {  	v0 =	vld [tilespmem:s12+$0x7C40];
	[tilespmem:s13+$0xFC20] =	vst v1  }
0xfc: {  	v1 =	vld [tilespmem:s12+$0x7C10];
	[tilespmem:s13+$0xFC60] =	vst v3  }
0xfd: {  	v3 =	vld [tilespmem:s12+$0x7C50];
	[tilespmem:s13+$0xFC30] =	vst v4  }
0xfe: {  	v4 =	vld [tilespmem:s12+$0x7C20];
	[tilespmem:s12+$0xFC70] =	vst v5  }
0xff: {  	[tilespmem:s12+$0xFC00] =	vst v2;
	v2 =	vld [tilespmem:s12+$0x7C60]  }
0x100: {  	[tilespmem:s12+$0xFC40] =	vst v0;
	v0 =	vld [tilespmem:s12+$0x7C30]  }
0x101: {  	[tilespmem:s12+$0xFC10] =	vst v1  }
0x102: {  	[tilespmem:s12+$0xFC50] =	vst v3  }
0x103: {  	[tilespmem:s12+$0xFC20] =	vst v4  }
0x104: {  	[tilespmem:s12+$0xFC60] =	vst v2  }
0x105: {  	[tilespmem:s12+$0xFC30] =	vst v0  }
0x106: {  	v3 =	vld [tilespmem:s11+$0x17C70]  }
0x107: {  	v4 =	vld [tilespmem:s11+$0x17C00]  }
0x108: {  	v5 =	vld [tilespmem:s11+$0x17C10]  }
0x109: {  	v2 =	vld [tilespmem:s11+$0x17C20]  }
0x10a: {  	v0 =	vld [tilespmem:s11+$0x17C30]  }
0x10b: {  	v1 =	vld [tilespmem:s11+$0x17C40];
	[tilespmem:s11+$0x19C70] =	vst v3  }
0x10c: {  	[tilespmem:s11+$0x19C00] =	vst v4;
	v3 =	vld [tilespmem:s11+$0x17C50]  }
0x10d: {  	s13 =	simm.s32 $0x400;
	s12 =	simm.s32 $0x80;
	[tilespmem:s11+$0x19C10] =	vst v5;
	v4 =	vld [tilespmem:s11+$0x17C60]  }
.LBB2_14:
0x10e: {  	p0 =	sne.s32 s13, $0x3E00;
	v5 =	vld [tilespmem:s12+$0x17C70];
	[tilespmem:s11+$0x19C20] =	vst v2  }
0x10f: {  	v6 =	vld [tilespmem:s12+$0x17C00];
	[tilespmem:s11+$0x19C30] =	vst v0  }
0x110: {  	v7 =	vld [tilespmem:s12+$0x17C10];
	[tilespmem:s11+$0x19C40] =	vst v1  }
.Ltmp6:
0x111: {  	v2 =	vld [tilespmem:s12+$0x17C20];
	[tilespmem:s11+$0x19C50] =	vst v3;
	(pc) =	sbr.rel @p0 .LBB2_14-.Ltmp6, $4  }
0x112: {  	v0 =	vld [tilespmem:s12+$0x17C30];
	[tilespmem:s11+$0x19C60] =	vst v4;
	s11 =	smov.u32 s12  }
0x113: {  	v1 =	vld [tilespmem:s11+$0x17C40];
	[tilespmem:s11+$0x19C70] =	vst v5  }
0x114: {  	[tilespmem:s11+$0x19C00] =	vst v6;
	v3 =	vld [tilespmem:s11+$0x17C50]  }
0x115: {  	s12 =	sshra.s32 s13, $0x2;
	s13 =	sadd.s32 $0x200, s13;
	[tilespmem:s11+$0x19C10] =	vst v7;
	v4 =	vld [tilespmem:s11+$0x17C60]  }
0x116: {  	v5 =	vld [tilespmem:s12+$0x17C70];
	[tilespmem:s11+$0x19C20] =	vst v2  }
0x117: {  	v2 =	vld [tilespmem:s12+$0x17C00];
	[tilespmem:s11+$0x19C30] =	vst v0  }
0x118: {  	v0 =	vld [tilespmem:s12+$0x17C10];
	[tilespmem:s11+$0x19C40] =	vst v1  }
0x119: {  	v1 =	vld [tilespmem:s12+$0x17C20];
	[tilespmem:s11+$0x19C50] =	vst v3  }
0x11a: {  	v3 =	vld [tilespmem:s12+$0x17C30];
	[tilespmem:s11+$0x19C60] =	vst v4  }
0x11b: {  	v4 =	vld [tilespmem:s12+$0x17C40];
	[tilespmem:s12+$0x19C70] =	vst v5  }
0x11c: {  	[tilespmem:s12+$0x19C00] =	vst v2;
	v2 =	vld [tilespmem:s12+$0x17C50]  }
0x11d: {  	[tilespmem:s12+$0x19C10] =	vst v0;
	v0 =	vld [tilespmem:s12+$0x17C60]  }
0x11e: {  	[tilespmem:s12+$0x19C20] =	vst v1  }
0x11f: {  	[tilespmem:s12+$0x19C30] =	vst v3  }
0x120: {  	[tilespmem:s12+$0x19C40] =	vst v4  }
0x121: {  	[tilespmem:s12+$0x19C50] =	vst v2  }
0x122: {  	s15 =	simm.s32 $0x0;
	s16 =	rddreg [dreg:$0x4];
	[tilespmem:s12+$0x19C60] =	vst v0  }
0x123: {  	[hbm4b:s16+s15] =	stream.linear.scatter [tilespmem:s22], [sflag:$0x3], $0x4000, $0x38;
	[tilespmem:$0x1BC00] =	vst v63  }
0x124: {  	s17 =	rddreg [dreg:$0x5]  }
0x125: {  	[hbm4b:s17+s15] =	stream.linear.scatter [tilespmem:s24], [sflag:$0x3], $0x1000, $0x38;
	[tilespmem:$0x1BC00] =	vst v63  }
0x126: {  	_ =	swait.ge [sflag:s26], $0x4000  }
0x127: {  	[sflag:s26] =	ssyncset.done $0x0  }
0x128: {  	[sflag:s26] =	ssyncadd.s32 $0xFFFFC000  }
0x129: {  	_ =	swait.ge [sflag:s26], $0x1000  }
0x12a: {  	[sflag:s26] =	ssyncset.done $0x0  }
0x12b: {  	[sflag:s26] =	ssyncadd.s32 $0xFFFFF000  }
0x12c: {  	_ =	swait.ge [sflag:s29], $0x2000  }
0x12d: {  	[sflag:s29] =	ssyncset.done $0x0  }
0x12e: {  	[sflag:s29] =	ssyncadd.s32 $0xFFFFE000  }
0x12f: {  	_ =	swait.ge [sflag:s29], $0x800  }
0x130: {  	[sflag:s29] =	ssyncset.done $0x0  }
0x131: {  	[sflag:s29] =	ssyncadd.s32 $0xFFFFF800  }
0x132: {  	_ =	swait.ge [sflag:s29], $0x2000  }
0x133: {  	[sflag:s29] =	ssyncset.done $0x0  }
0x134: {  	[sflag:s29] =	ssyncadd.s32 $0xFFFFE000  }
0x135: {  	_ =	swait.ge [sflag:s29], $0x800  }
0x136: {  	[sflag:s29] =	ssyncset.done $0x0  }
0x137: {  	s11 =	simm.s32 $0x0;
	[sflag:s29] =	ssyncadd.s32 $0xFFFFF800  }
0x138: {  	v3 =	vld [tilespmem:s11+$0xBC70]  }
0x139: {  	v4 =	vld [tilespmem:s11+$0xBC00]  }
0x13a: {  	v5 =	vld [tilespmem:s11+$0xBC40]  }
0x13b: {  	v2 =	vld [tilespmem:s11+$0xBC10]  }
0x13c: {  	v0 =	vld [tilespmem:s11+$0xBC50]  }
0x13d: {  	v1 =	vld [tilespmem:s11+$0xBC20];
	[tilespmem:s11+$0x13C70] =	vst v3  }
0x13e: {  	[tilespmem:s11+$0x13C00] =	vst v4;
	v3 =	vld [tilespmem:s11+$0xBC60]  }
0x13f: {  	s14 =	simm.s32 $0x400;
	s13 =	simm.s32 $0x0;
	s12 =	simm.s32 $0x80;
	[tilespmem:s11+$0x13C40] =	vst v5;
	v4 =	vld [tilespmem:s11+$0xBC30]  }
.LBB2_16:
0x140: {  	p0 =	sne.s32 s14, $0xFE00;
	v5 =	vld [tilespmem:s12+$0xBC70];
	[tilespmem:s13+$0x13C10] =	vst v2  }
0x141: {  	v6 =	vld [tilespmem:s12+$0xBC00];
	[tilespmem:s13+$0x13C50] =	vst v0  }
0x142: {  	v7 =	vld [tilespmem:s12+$0xBC40];
	[tilespmem:s13+$0x13C20] =	vst v1  }
.Ltmp7:
0x143: {  	v2 =	vld [tilespmem:s12+$0xBC10];
	[tilespmem:s13+$0x13C60] =	vst v3;
	(pc) =	sbr.rel @p0 .LBB2_16-.Ltmp7, $4  }
0x144: {  	v0 =	vld [tilespmem:s12+$0xBC50];
	[tilespmem:s13+$0x13C30] =	vst v4;
	s13 =	smov.u32 s12  }
0x145: {  	v1 =	vld [tilespmem:s13+$0xBC20];
	[tilespmem:s13+$0x13C70] =	vst v5  }
0x146: {  	[tilespmem:s13+$0x13C00] =	vst v6;
	v3 =	vld [tilespmem:s13+$0xBC60]  }
0x147: {  	s12 =	sshra.s32 s14, $0x2;
	s14 =	sadd.s32 $0x200, s14;
	[tilespmem:s13+$0x13C40] =	vst v7;
	v4 =	vld [tilespmem:s13+$0xBC30]  }
0x148: {  	v5 =	vld [tilespmem:s12+$0xBC70];
	[tilespmem:s13+$0x13C10] =	vst v2  }
0x149: {  	v2 =	vld [tilespmem:s12+$0xBC00];
	[tilespmem:s13+$0x13C50] =	vst v0  }
0x14a: {  	v0 =	vld [tilespmem:s12+$0xBC40];
	[tilespmem:s13+$0x13C20] =	vst v1  }
0x14b: {  	v1 =	vld [tilespmem:s12+$0xBC10];
	[tilespmem:s13+$0x13C60] =	vst v3  }
0x14c: {  	v3 =	vld [tilespmem:s12+$0xBC50];
	[tilespmem:s13+$0x13C30] =	vst v4  }
0x14d: {  	v4 =	vld [tilespmem:s12+$0xBC20];
	[tilespmem:s12+$0x13C70] =	vst v5  }
0x14e: {  	[tilespmem:s12+$0x13C00] =	vst v2;
	v2 =	vld [tilespmem:s12+$0xBC60]  }
0x14f: {  	[tilespmem:s12+$0x13C40] =	vst v0;
	v0 =	vld [tilespmem:s12+$0xBC30]  }
0x150: {  	[tilespmem:s12+$0x13C10] =	vst v1  }
0x151: {  	[tilespmem:s12+$0x13C50] =	vst v3  }
0x152: {  	[tilespmem:s12+$0x13C20] =	vst v4  }
0x153: {  	[tilespmem:s12+$0x13C60] =	vst v2  }
0x154: {  	[tilespmem:s12+$0x13C30] =	vst v0  }
0x155: {  	v3 =	vld [tilespmem:s11+$0x18C70]  }
0x156: {  	v4 =	vld [tilespmem:s11+$0x18C00]  }
0x157: {  	v5 =	vld [tilespmem:s11+$0x18C10]  }
0x158: {  	v2 =	vld [tilespmem:s11+$0x18C20]  }
0x159: {  	v0 =	vld [tilespmem:s11+$0x18C30]  }
0x15a: {  	v1 =	vld [tilespmem:s11+$0x18C40];
	[tilespmem:s11+$0x1AC70] =	vst v3  }
0x15b: {  	[tilespmem:s11+$0x1AC00] =	vst v4;
	v3 =	vld [tilespmem:s11+$0x18C50]  }
0x15c: {  	s13 =	simm.s32 $0x400;
	s12 =	simm.s32 $0x80;
	[tilespmem:s11+$0x1AC10] =	vst v5;
	v4 =	vld [tilespmem:s11+$0x18C60]  }
.LBB2_18:
0x15d: {  	p0 =	sne.s32 s13, $0x3E00;
	v5 =	vld [tilespmem:s12+$0x18C70];
	[tilespmem:s11+$0x1AC20] =	vst v2  }
0x15e: {  	v6 =	vld [tilespmem:s12+$0x18C00];
	[tilespmem:s11+$0x1AC30] =	vst v0  }
0x15f: {  	v7 =	vld [tilespmem:s12+$0x18C10];
	[tilespmem:s11+$0x1AC40] =	vst v1  }
.Ltmp8:
0x160: {  	v2 =	vld [tilespmem:s12+$0x18C20];
	[tilespmem:s11+$0x1AC50] =	vst v3;
	(pc) =	sbr.rel @p0 .LBB2_18-.Ltmp8, $4  }
0x161: {  	v0 =	vld [tilespmem:s12+$0x18C30];
	[tilespmem:s11+$0x1AC60] =	vst v4;
	s11 =	smov.u32 s12  }
0x162: {  	v1 =	vld [tilespmem:s11+$0x18C40];
	[tilespmem:s11+$0x1AC70] =	vst v5  }
0x163: {  	[tilespmem:s11+$0x1AC00] =	vst v6;
	v3 =	vld [tilespmem:s11+$0x18C50]  }
0x164: {  	s12 =	sshra.s32 s13, $0x2;
	s13 =	sadd.s32 $0x200, s13;
	[tilespmem:s11+$0x1AC10] =	vst v7;
	v4 =	vld [tilespmem:s11+$0x18C60]  }
0x165: {  	v5 =	vld [tilespmem:s12+$0x18C70];
	[tilespmem:s11+$0x1AC20] =	vst v2  }
0x166: {  	v2 =	vld [tilespmem:s12+$0x18C00];
	[tilespmem:s11+$0x1AC30] =	vst v0  }
0x167: {  	v0 =	vld [tilespmem:s12+$0x18C10];
	[tilespmem:s11+$0x1AC40] =	vst v1  }
0x168: {  	v1 =	vld [tilespmem:s12+$0x18C20];
	[tilespmem:s11+$0x1AC50] =	vst v3  }
0x169: {  	v3 =	vld [tilespmem:s12+$0x18C30];
	[tilespmem:s11+$0x1AC60] =	vst v4  }
0x16a: {  	v4 =	vld [tilespmem:s12+$0x18C40];
	[tilespmem:s12+$0x1AC70] =	vst v5  }
0x16b: {  	v62 =	vld [tilespmem:s12+$0x18C50];
	[tilespmem:s12+$0x1AC00] =	vst v2  }
0x16c: {  	v63 =	vld [tilespmem:s12+$0x18C60];
	[tilespmem:s12+$0x1AC10] =	vst v0  }
0x16d: {  	[tilespmem:s12+$0x1AC20] =	vst v1  }
0x16e: {  	[tilespmem:s12+$0x1AC30] =	vst v3  }
0x16f: {  	[tilespmem:s12+$0x1AC40] =	vst v4  }
0x170: {  	[tilespmem:s12+$0x1AC50] =	vst v62  }
0x171: {  	s14 =	rddreg [dreg:$0x6];
	[tilespmem:s12+$0x1AC60] =	vst v63  }
0x172: {  	[hbm4b:s14+s2] =	stream.linear.scatter [tilespmem:s31], [sflag:$0x4], $0x4000, $0x38;
	[tilespmem:$0x1BC00] =	vst v63  }
0x173: {  	s15 =	rddreg [dreg:$0x7]  }
0x174: {  	[hbm4b:s15+s2] =	stream.linear.scatter [tilespmem:s8], [sflag:$0x4], $0x1000, $0x38;
	[tilespmem:$0x1BC00] =	vst v63  }
0x175: {  	_ =	swait.ge [sflag:s9], $0x4000  }
0x176: {  	[sflag:s9] =	ssyncset.done $0x0  }
0x177: {  	[sflag:s9] =	ssyncadd.s32 $0xFFFFC000  }
0x178: {  	_ =	swait.ge [sflag:s9], $0x1000  }
0x179: {  	s16 =	rddreg [dreg:$0x9]  }
0x17a: {  	s17 =	rddreg [dreg:$0x8];
	s12 =	sadd.s32 $0x1, s16  }
0x17b: {  	p0 =	sne.s32 s12, s17  }
.Ltmp9:
0x17c: {  	_ = 	snop;
	(pc) =	sbr.rel @p0 .LBB2_1-.Ltmp9, $3  }
0x17d: {  	_ =	sdelay $0x1  }
0x17e: {  	[sflag:s9] =	ssyncset.done $0x0  }
0x17f: {  	[sflag:s9] =	ssyncadd.s32 $0xFFFFF000  }
0x180: {  	_ =	sfence.sel $0x180000  }
0x181: {  	[bflag:$0x0] =	sbarrier.arrive $0xFFFF  }
0x182: {  	_ =	strace $0x90000047  }
0x183: {  	s0 =	stileid.u32;
	[bflag:$0x2] =	sbarrier.arrive $0xFFFF  }
0x184: {  	p0 =	sne.s32 s0, $0x0;
	s0 =	rddreg [dreg:$0x1]  }
0x185: {  	s0 =	sadd.s32 @!p0 $0x100000, s0  }
0x186: {  	[sflag:s0] =	ssyncadd.tile.s32 @!p0 $0x1;
	_ =	shalt  }
.Lfunc_end2:
_tile_overlayer_lowered:
.L_overlay_start_2:
0x187: {  	(tag) =	ssettag $0x2  }
0x188: {  	s0 =	rddreg [dreg:$0x0];
	s2 =	stileid.u32  }
0x189: {  	s1 =	rddreg [dreg:$0x1];
	p0 =	sne.s32 s2, $0x0  }
0x18a: {  	s3 =	rddreg [dreg:$0x2];
	[bflag:$0x3] =	sbarrier.arrive $0xFFFF;
	s2 =	simm.s32 @!p0 $0x1C05  }
0x18b: {  	[timem:s3], [sflag:s2] =	dma.local @!p0 [hbm:s0], s1  }
0x18c: {  	s0 =	simm.s32 @!p0 $0x5  }
0x18d: {  	_ =	swait.ge @!p0 [sflag:s0], s1  }
0x18e: {  	s1 =	ssub.s32 @!p0 $0x0, s1;
	[sflag:s0] =	ssyncset.done @!p0 $0x0  }
0x18f: {  	[sflag:s0] =	ssyncadd.s32 @!p0 s1  }
0x190: {  	[bflag:$0x3] =	sbarrier.arrive $0xFFFF  }
0x191: {  	_ =	shalt  }

</sc_bundles>
